<compile_context>
chip_gen: v7x
topology: tpu7x:2x2x1
jax: 0.10.2.dev20260603
libtpu: 0.0.44.dev20260713+nightly
codegen_flags: <defaults>
</compile_context>

<pallas_src>
import functools

import jax
import jax.numpy as jnp
from jax import lax
from jax.experimental import pallas as pl
from jax.experimental.pallas import tpu as pltpu
from jax.experimental.pallas import tpu_sc as plsc

NUM_NODES = 10000
NUM_EDGES = 320000
D = 128

NC, NS = 2, 16
NW = NC * NS
E_W = NUM_EDGES // NW
K = 80
NSTAGE = 5
CPS = 25
E_WP = NSTAGE * CPS * K
PAD = NW * E_WP - NUM_EDGES
ACC_ROWS = 10240
ROWS_PER_TILE = ACC_ROWS // NS


def _sc_aggregate(node_x, src4, tgt4):
    mesh = plsc.VectorSubcoreMesh(core_axis_name="c", subcore_axis_name="s")

    @functools.partial(
        pl.kernel,
        out_type=jax.ShapeDtypeStruct((NC * ACC_ROWS, D), jnp.float32),
        mesh=mesh,
        scratch_types=[
            pltpu.VMEM((CPS, K), jnp.int32),
            pltpu.VMEM((CPS, K), jnp.int32),
            pltpu.VMEM((CPS, K), jnp.int32),
            pltpu.VMEM((CPS, K), jnp.int32),
            pltpu.VMEM((K, D), jnp.float32),
            pltpu.VMEM((K, D), jnp.float32),
            pltpu.VMEM((K, D), jnp.float32),
            pltpu.VMEM_SHARED((ACC_ROWS, D), jnp.float32),
            pltpu.SemaphoreType.DMA,
            pltpu.SemaphoreType.DMA,
            pltpu.SemaphoreType.DMA,
            pltpu.SemaphoreType.DMA,
        ],
    )
    def agg_kernel(node_hbm, src_hbm, tgt_hbm, out_hbm,
                   src_v0, tgt_v0, src_v1, tgt_v1,
                   rows_a, rows_b, rows_c, acc_sh,
                   gsem_a, gsem_b, gsem_c, isem):
        cid = lax.axis_index("c")
        sid = lax.axis_index("s")
        wid = sid * NC + cid

        pltpu.async_copy(src_hbm.at[wid, 0], src_v0, isem)
        pltpu.async_copy(tgt_hbm.at[wid, 0], tgt_v0, isem)
        pltpu.async_copy(src_hbm.at[wid, 1], src_v1, isem)
        pltpu.async_copy(tgt_hbm.at[wid, 1], tgt_v1, isem)

        def zrow(r, carry):
            for c16 in range(D // 16):
                rows_a[r, pl.ds(c16 * 16, 16)] = jnp.zeros((16,), jnp.float32)
            return carry
        lax.fori_loop(0, K, zrow, 0)
        for t in range(ROWS_PER_TILE // K):
            pltpu.async_copy(
                rows_a, acc_sh.at[pl.ds(sid * ROWS_PER_TILE + t * K, K)],
                gsem_a)
        for t in range(ROWS_PER_TILE // K):
            pltpu.make_async_copy(
                rows_a, acc_sh.at[pl.ds(sid * ROWS_PER_TILE + t * K, K)],
                gsem_a).wait()
        plsc.subcore_barrier()

        def gather(sv, j, buf, sem):
            return pltpu.async_copy(node_hbm.at[sv.at[j]], buf, sem)

        def wait_gather(sv, j, buf, sem):
            pltpu.make_async_copy(node_hbm.at[sv.at[j]], buf, sem).wait()

        bufs = ((rows_a, gsem_a), (rows_b, gsem_b), (rows_c, gsem_c))
        slabs = ((src_v0, tgt_v0), (src_v1, tgt_v1))

        def step(sv, tv, j, slot, nxt):
            buf, sem = bufs[slot]
            wait_gather(sv, j, buf, sem)
            pltpu.sync_copy(buf, acc_sh.at[tv.at[j]], add=True)
            if nxt is not None:
                nsv, nj = nxt
                gather(nsv, nj, buf, sem)

        pltpu.make_async_copy(src_hbm.at[wid, 0], src_v0, isem).wait()
        pltpu.make_async_copy(tgt_hbm.at[wid, 0], tgt_v0, isem).wait()
        for p in range(3):
            gather(src_v0, p, *bufs[p])

        for s in range(NSTAGE):
            sv, tv = slabs[s % 2]
            nsv, ntv = slabs[(s + 1) % 2]

            def triple(i, carry):
                j = 3 * i
                for p in range(3):
                    step(sv, tv, j + p, (p + s) % 3, (sv, j + p + 3))
                return carry
            lax.fori_loop(0, (CPS - 4) // 3, triple, 0)

            step(sv, tv, CPS - 4, (CPS - 4 + s) % 3, (sv, CPS - 1))
            last = s == NSTAGE - 1
            if not last:
                pltpu.make_async_copy(src_hbm.at[wid, s + 1], nsv,
                                      isem).wait()
                pltpu.make_async_copy(tgt_hbm.at[wid, s + 1], ntv,
                                      isem).wait()
            for q in range(3):
                j = CPS - 3 + q
                step(sv, tv, j, (j + s) % 3,
                     None if last else (nsv, q))
            if s + 2 < NSTAGE:
                pltpu.async_copy(src_hbm.at[wid, s + 2], sv, isem)
                pltpu.async_copy(tgt_hbm.at[wid, s + 2], tv, isem)
        plsc.subcore_barrier()
        plsc.subcore_barrier()

        base = cid * ACC_ROWS + sid * ROWS_PER_TILE
        pltpu.sync_copy(
            acc_sh.at[pl.ds(sid * ROWS_PER_TILE, ROWS_PER_TILE)],
            out_hbm.at[pl.ds(base, ROWS_PER_TILE)])

    return agg_kernel(node_x, src4, tgt4)


def _dense(partials, node_x, W, b2):
    BR = 1000

    def body(p_ref, x_ref, w_ref, b_ref, o_ref):
        agg = p_ref[0] + p_ref[1]
        acc = jnp.dot(agg, w_ref[:D, :], preferred_element_type=jnp.float32)
        acc += jnp.dot(x_ref[...], w_ref[D:, :],
                       preferred_element_type=jnp.float32)
        o_ref[...] = acc + b_ref[...]

    return pl.pallas_call(
        body,
        grid=(NUM_NODES // BR,),
        in_specs=[
            pl.BlockSpec((2, BR, D), lambda i: (0, i, 0)),
            pl.BlockSpec((BR, D), lambda i: (i, 0)),
            pl.BlockSpec((2 * D, D), lambda i: (0, 0)),
            pl.BlockSpec((1, D), lambda i: (0, 0)),
        ],
        out_specs=pl.BlockSpec((BR, D), lambda i: (i, 0)),
        out_shape=jax.ShapeDtypeStruct((NUM_NODES, D), jnp.float32),
    )(partials, node_x, W, b2)


def kernel(node_x, edge_x, sources, targets, features, W, b):
    del edge_x, features
    src_p = sources.astype(jnp.int32)
    tgt_p = targets.astype(jnp.int32)
    if PAD:
        src_p = jnp.concatenate([src_p, jnp.zeros((PAD,), jnp.int32)])
        tgt_p = jnp.concatenate(
            [tgt_p, NUM_NODES + jnp.arange(PAD, dtype=jnp.int32)
             % (ACC_ROWS - NUM_NODES)])
    src4 = src_p.reshape(NW, NSTAGE, CPS, K)
    tgt4 = tgt_p.reshape(NW, NSTAGE, CPS, K)
    partials = _sc_aggregate(node_x, src4, tgt4).reshape(NC, ACC_ROWS, D)
    return _dense(partials, node_x, W, b.reshape(1, D))

# --- scband reference (transcript-rebuilt; emitter-appended) ---
"""Pipeline reference for scband-graph-conv-block-79001628443385 (READ-ONLY COPY).

The authoritative reference and input builder live on the scoring server;
editing this copy changes nothing except your own understanding.
"""

import jax, jax.numpy as jnp
import numpy as np

NUM_NODES = 10000
NUM_EDGES = 320000
D_FEAT = 128
D_EDGE = 16
FEATURES = 128


def setup_inputs(seed: int = 0) -> dict:
    key = jax.random.key(seed)
    k1, k2, k3, k4, k5, k6 = jax.random.split(key, 6)
    node_x = jax.random.normal(k1, (NUM_NODES, D_FEAT), dtype=jnp.float32)
    edge_x = jax.random.normal(k2, (NUM_EDGES, D_EDGE), dtype=jnp.float32)
    sources = jax.random.randint(k3, (NUM_EDGES,), 0, NUM_NODES, dtype=jnp.int64 if jax.config.jax_enable_x64 else jnp.int32)
    targets = jax.random.randint(k4, (NUM_EDGES,), 0, NUM_NODES, dtype=jnp.int64 if jax.config.jax_enable_x64 else jnp.int32)
    # Dense layer params: input dim = 2 * D_FEAT (concat of aggregated messages and node_x)
    fan_in = 2 * D_FEAT
    W = jax.random.normal(k5, (fan_in, FEATURES), dtype=jnp.float32) / np.sqrt(fan_in)
    b = jnp.zeros((FEATURES,), dtype=jnp.float32)
    return {
        "node_x": node_x,
        "edge_x": edge_x,
        "sources": sources,
        "targets": targets,
        "features": FEATURES,
        "W": W,
        "b": b,
    }


def reference(node_x, edge_x, sources, targets, features, W, b):
    # _build_messages: gather source node features (edge_x is deleted/unused)
    message_x = jnp.take(node_x, sources, axis=0)
    # _propagate_messages: scatter-add messages to target nodes
    aggregated = jax.ops.segment_sum(message_x, targets, num_segments=node_x.shape[0])
    # _update_nodes: concat then Dense
    h = jnp.concatenate((aggregated, node_x), axis=1)
    return h @ W + b

if __name__ == "__main__":
    import jax
    _d = setup_inputs()
    print(jax.jit(kernel)(*tuple(_d.values())))

</pallas_src>

<mosaic_0001>
#map = affine_map<(d0, d1) -> (0, 0)>
#map1 = affine_map<(d0, d1) -> (0, 0, 0, 0)>
module attributes {stable_mosaic.version = 14 : i64} {
  func.func @agg_kernel(%arg0: i32, %arg1: i32, %arg2: memref<10000x128xf32, #tpu.memory_space<hbm>>, %arg3: memref<32x5x25x80xi32, #tpu.memory_space<hbm>>, %arg4: memref<32x5x25x80xi32, #tpu.memory_space<hbm>>, %arg5: memref<20480x128xf32, #tpu.memory_space<hbm>>, %arg6: memref<25x80xi32, #tpu.memory_space<vmem>>, %arg7: memref<25x80xi32, #tpu.memory_space<vmem>>, %arg8: memref<25x80xi32, #tpu.memory_space<vmem>>, %arg9: memref<25x80xi32, #tpu.memory_space<vmem>>, %arg10: memref<80x128xf32, #tpu.memory_space<vmem>>, %arg11: memref<80x128xf32, #tpu.memory_space<vmem>>, %arg12: memref<80x128xf32, #tpu.memory_space<vmem>>, %arg13: memref<10240x128xf32, #tpu.memory_space<vmem_shared>>, %arg14: memref<!tpu.dma_semaphore, #tpu.memory_space<semaphore_mem>>, %arg15: memref<!tpu.dma_semaphore, #tpu.memory_space<semaphore_mem>>, %arg16: memref<!tpu.dma_semaphore, #tpu.memory_space<semaphore_mem>>, %arg17: memref<!tpu.dma_semaphore, #tpu.memory_space<semaphore_mem>>) attributes {dimension_semantics = [#tpu.dimension_semantics<core_parallel>, #tpu.dimension_semantics<subcore_parallel>], iteration_bounds = array<i64: 2, 16>, scalar_prefetch = 0 : i64, scratch_operands = 12 : i64, tpu.core_type = #tpu.core_type<sc_vector_subcore>, window_params = [{transform_indices = #map}, {transform_indices = #map1}, {transform_indices = #map1}, {transform_indices = #map}]} {
    %mul3A = arith.constant 2 : i32
    %mul3A_0 = arith.muli %arg1, %mul3A : i32
    %add3A = arith.addi %mul3A_0, %arg0 : i32
    %dma_start3A = arith.constant 0 : i32
    %dma_start3A_1 = arith.constant 0 : i32
    %dma_start3A_2 = arith.constant 0 : i32
    %dma_start3A_3 = tpu.memref_slice %arg3[%add3A, %dma_start3A, %dma_start3A_1, %dma_start3A_2] : memref<32x5x25x80xi32, #tpu.memory_space<hbm>> -> memref<1x1x25x80xi32, #tpu.memory_space<hbm>>
    %dma_start3A_4 = tpu.memref_squeeze %dma_start3A_3 : memref<1x1x25x80xi32, #tpu.memory_space<hbm>> -> memref<25x80xi32, #tpu.memory_space<hbm>>
    %dma_start3A_5 = arith.constant 0 : i32
    %dma_start3A_6 = arith.constant 0 : i32
    %dma_start3A_7 = tpu.memref_slice %arg3[%add3A, %dma_start3A, %dma_start3A_5, %dma_start3A_6] : memref<32x5x25x80xi32, #tpu.memory_space<hbm>> -> memref<1x1x25x80xi32, #tpu.memory_space<hbm>>
    %dma_start3A_8 = tpu.memref_squeeze %dma_start3A_7 : memref<1x1x25x80xi32, #tpu.memory_space<hbm>> -> memref<25x80xi32, #tpu.memory_space<hbm>>
    tpu.enqueue_dma source(%dma_start3A_8 : memref<25x80xi32, #tpu.memory_space<hbm>>) target(%arg6 : memref<25x80xi32, #tpu.memory_space<vmem>>) target_semaphore(%arg17 : memref<!tpu.dma_semaphore, #tpu.memory_space<semaphore_mem>>)
    %dma_start3A_9 = arith.constant 0 : i32
    %dma_start3A_10 = arith.constant 0 : i32
    %dma_start3A_11 = arith.constant 0 : i32
    %dma_start3A_12 = tpu.memref_slice %arg4[%add3A, %dma_start3A_9, %dma_start3A_10, %dma_start3A_11] : memref<32x5x25x80xi32, #tpu.memory_space<hbm>> -> memref<1x1x25x80xi32, #tpu.memory_space<hbm>>
    %dma_start3A_13 = tpu.memref_squeeze %dma_start3A_12 : memref<1x1x25x80xi32, #tpu.memory_space<hbm>> -> memref<25x80xi32, #tpu.memory_space<hbm>>
    %dma_start3A_14 = arith.constant 0 : i32
    %dma_start3A_15 = arith.constant 0 : i32
    %dma_start3A_16 = tpu.memref_slice %arg4[%add3A, %dma_start3A_9, %dma_start3A_14, %dma_start3A_15] : memref<32x5x25x80xi32, #tpu.memory_space<hbm>> -> memref<1x1x25x80xi32, #tpu.memory_space<hbm>>
    %dma_start3A_17 = tpu.memref_squeeze %dma_start3A_16 : memref<1x1x25x80xi32, #tpu.memory_space<hbm>> -> memref<25x80xi32, #tpu.memory_space<hbm>>
    tpu.enqueue_dma source(%dma_start3A_17 : memref<25x80xi32, #tpu.memory_space<hbm>>) target(%arg7 : memref<25x80xi32, #tpu.memory_space<vmem>>) target_semaphore(%arg17 : memref<!tpu.dma_semaphore, #tpu.memory_space<semaphore_mem>>)
    %dma_start3A_18 = arith.constant 1 : i32
    %dma_start3A_19 = arith.constant 0 : i32
    %dma_start3A_20 = arith.constant 0 : i32
    %dma_start3A_21 = tpu.memref_slice %arg3[%add3A, %dma_start3A_18, %dma_start3A_19, %dma_start3A_20] : memref<32x5x25x80xi32, #tpu.memory_space<hbm>> -> memref<1x1x25x80xi32, #tpu.memory_space<hbm>>
    %dma_start3A_22 = tpu.memref_squeeze %dma_start3A_21 : memref<1x1x25x80xi32, #tpu.memory_space<hbm>> -> memref<25x80xi32, #tpu.memory_space<hbm>>
    %dma_start3A_23 = arith.constant 0 : i32
    %dma_start3A_24 = arith.constant 0 : i32
    %dma_start3A_25 = tpu.memref_slice %arg3[%add3A, %dma_start3A_18, %dma_start3A_23, %dma_start3A_24] : memref<32x5x25x80xi32, #tpu.memory_space<hbm>> -> memref<1x1x25x80xi32, #tpu.memory_space<hbm>>
    %dma_start3A_26 = tpu.memref_squeeze %dma_start3A_25 : memref<1x1x25x80xi32, #tpu.memory_space<hbm>> -> memref<25x80xi32, #tpu.memory_space<hbm>>
    tpu.enqueue_dma source(%dma_start3A_26 : memref<25x80xi32, #tpu.memory_space<hbm>>) target(%arg8 : memref<25x80xi32, #tpu.memory_space<vmem>>) target_semaphore(%arg17 : memref<!tpu.dma_semaphore, #tpu.memory_space<semaphore_mem>>)
    %dma_start3A_27 = arith.constant 1 : i32
    %dma_start3A_28 = arith.constant 0 : i32
    %dma_start3A_29 = arith.constant 0 : i32
    %dma_start3A_30 = tpu.memref_slice %arg4[%add3A, %dma_start3A_27, %dma_start3A_28, %dma_start3A_29] : memref<32x5x25x80xi32, #tpu.memory_space<hbm>> -> memref<1x1x25x80xi32, #tpu.memory_space<hbm>>
    %dma_start3A_31 = tpu.memref_squeeze %dma_start3A_30 : memref<1x1x25x80xi32, #tpu.memory_space<hbm>> -> memref<25x80xi32, #tpu.memory_space<hbm>>
    %dma_start3A_32 = arith.constant 0 : i32
    %dma_start3A_33 = arith.constant 0 : i32
    %dma_start3A_34 = tpu.memref_slice %arg4[%add3A, %dma_start3A_27, %dma_start3A_32, %dma_start3A_33] : memref<32x5x25x80xi32, #tpu.memory_space<hbm>> -> memref<1x1x25x80xi32, #tpu.memory_space<hbm>>
    %dma_start3A_35 = tpu.memref_squeeze %dma_start3A_34 : memref<1x1x25x80xi32, #tpu.memory_space<hbm>> -> memref<25x80xi32, #tpu.memory_space<hbm>>
    tpu.enqueue_dma source(%dma_start3A_35 : memref<25x80xi32, #tpu.memory_space<hbm>>) target(%arg9 : memref<25x80xi32, #tpu.memory_space<vmem>>) target_semaphore(%arg17 : memref<!tpu.dma_semaphore, #tpu.memory_space<semaphore_mem>>)
    %scan3A = arith.constant 0 : i32
    %scan3A_36 = arith.constant 0 : i32
    %scan3A_37 = arith.constant 80 : i32
    %scan3A_38 = arith.addi %scan3A_36, %scan3A_37 : i32
    %scan3A_39 = arith.constant 1 : i32
    scf.for %scan3A_650 = %scan3A_36 to %scan3A_38 step %scan3A_39  : i32 {
      %broadcast_in_dim3A = arith.constant 0.000000e+00 : f32
      %broadcast_in_dim3A_651 = vector.broadcast %broadcast_in_dim3A : f32 to vector<16xf32>
      %swap3A = arith.index_cast %scan3A_650 : i32 to index
      %swap3A_652 = arith.constant 0 : index
      %swap3A_653 = tpu.vector_load %arg10[%swap3A, %swap3A_652] {strides = array<i32>} : memref<80x128xf32, #tpu.memory_space<vmem>>, vector<1x16xf32>,
      %swap3A_654 = vector.shape_cast %swap3A_653 : vector<1x16xf32> to vector<16xf32>
      %swap3A_655 = vector.shape_cast %broadcast_in_dim3A_651 : vector<16xf32> to vector<1x16xf32>
      tpu.vector_store %arg10[%swap3A, %swap3A_652], %swap3A_655 {strides = array<i32>} : memref<80x128xf32, #tpu.memory_space<vmem>>, vector<1x16xf32>,
      %broadcast_in_dim3A_656 = arith.constant 0.000000e+00 : f32
      %broadcast_in_dim3A_657 = vector.broadcast %broadcast_in_dim3A_656 : f32 to vector<16xf32>
      %swap3A_658 = arith.index_cast %scan3A_650 : i32 to index
      %swap3A_659 = arith.constant 16 : index
      %swap3A_660 = tpu.vector_load %arg10[%swap3A_658, %swap3A_659] {strides = array<i32>} : memref<80x128xf32, #tpu.memory_space<vmem>>, vector<1x16xf32>,
      %swap3A_661 = vector.shape_cast %swap3A_660 : vector<1x16xf32> to vector<16xf32>
      %swap3A_662 = vector.shape_cast %broadcast_in_dim3A_657 : vector<16xf32> to vector<1x16xf32>
      tpu.vector_store %arg10[%swap3A_658, %swap3A_659], %swap3A_662 {strides = array<i32>} : memref<80x128xf32, #tpu.memory_space<vmem>>, vector<1x16xf32>,
      %broadcast_in_dim3A_663 = arith.constant 0.000000e+00 : f32
      %broadcast_in_dim3A_664 = vector.broadcast %broadcast_in_dim3A_663 : f32 to vector<16xf32>
      %swap3A_665 = arith.index_cast %scan3A_650 : i32 to index
      %swap3A_666 = arith.constant 32 : index
      %swap3A_667 = tpu.vector_load %arg10[%swap3A_665, %swap3A_666] {strides = array<i32>} : memref<80x128xf32, #tpu.memory_space<vmem>>, vector<1x16xf32>,
      %swap3A_668 = vector.shape_cast %swap3A_667 : vector<1x16xf32> to vector<16xf32>
      %swap3A_669 = vector.shape_cast %broadcast_in_dim3A_664 : vector<16xf32> to vector<1x16xf32>
      tpu.vector_store %arg10[%swap3A_665, %swap3A_666], %swap3A_669 {strides = array<i32>} : memref<80x128xf32, #tpu.memory_space<vmem>>, vector<1x16xf32>,
      %broadcast_in_dim3A_670 = arith.constant 0.000000e+00 : f32
      %broadcast_in_dim3A_671 = vector.broadcast %broadcast_in_dim3A_670 : f32 to vector<16xf32>
      %swap3A_672 = arith.index_cast %scan3A_650 : i32 to index
      %swap3A_673 = arith.constant 48 : index
      %swap3A_674 = tpu.vector_load %arg10[%swap3A_672, %swap3A_673] {strides = array<i32>} : memref<80x128xf32, #tpu.memory_space<vmem>>, vector<1x16xf32>,
      %swap3A_675 = vector.shape_cast %swap3A_674 : vector<1x16xf32> to vector<16xf32>
      %swap3A_676 = vector.shape_cast %broadcast_in_dim3A_671 : vector<16xf32> to vector<1x16xf32>
      tpu.vector_store %arg10[%swap3A_672, %swap3A_673], %swap3A_676 {strides = array<i32>} : memref<80x128xf32, #tpu.memory_space<vmem>>, vector<1x16xf32>,
      %broadcast_in_dim3A_677 = arith.constant 0.000000e+00 : f32
      %broadcast_in_dim3A_678 = vector.broadcast %broadcast_in_dim3A_677 : f32 to vector<16xf32>
      %swap3A_679 = arith.index_cast %scan3A_650 : i32 to index
      %swap3A_680 = arith.constant 64 : index
      %swap3A_681 = tpu.vector_load %arg10[%swap3A_679, %swap3A_680] {strides = array<i32>} : memref<80x128xf32, #tpu.memory_space<vmem>>, vector<1x16xf32>,
      %swap3A_682 = vector.shape_cast %swap3A_681 : vector<1x16xf32> to vector<16xf32>
      %swap3A_683 = vector.shape_cast %broadcast_in_dim3A_678 : vector<16xf32> to vector<1x16xf32>
      tpu.vector_store %arg10[%swap3A_679, %swap3A_680], %swap3A_683 {strides = array<i32>} : memref<80x128xf32, #tpu.memory_space<vmem>>, vector<1x16xf32>,
      %broadcast_in_dim3A_684 = arith.constant 0.000000e+00 : f32
      %broadcast_in_dim3A_685 = vector.broadcast %broadcast_in_dim3A_684 : f32 to vector<16xf32>
      %swap3A_686 = arith.index_cast %scan3A_650 : i32 to index
      %swap3A_687 = arith.constant 80 : index
      %swap3A_688 = tpu.vector_load %arg10[%swap3A_686, %swap3A_687] {strides = array<i32>} : memref<80x128xf32, #tpu.memory_space<vmem>>, vector<1x16xf32>,
      %swap3A_689 = vector.shape_cast %swap3A_688 : vector<1x16xf32> to vector<16xf32>
      %swap3A_690 = vector.shape_cast %broadcast_in_dim3A_685 : vector<16xf32> to vector<1x16xf32>
      tpu.vector_store %arg10[%swap3A_686, %swap3A_687], %swap3A_690 {strides = array<i32>} : memref<80x128xf32, #tpu.memory_space<vmem>>, vector<1x16xf32>,
      %broadcast_in_dim3A_691 = arith.constant 0.000000e+00 : f32
      %broadcast_in_dim3A_692 = vector.broadcast %broadcast_in_dim3A_691 : f32 to vector<16xf32>
      %swap3A_693 = arith.index_cast %scan3A_650 : i32 to index
      %swap3A_694 = arith.constant 96 : index
      %swap3A_695 = tpu.vector_load %arg10[%swap3A_693, %swap3A_694] {strides = array<i32>} : memref<80x128xf32, #tpu.memory_space<vmem>>, vector<1x16xf32>,
      %swap3A_696 = vector.shape_cast %swap3A_695 : vector<1x16xf32> to vector<16xf32>
      %swap3A_697 = vector.shape_cast %broadcast_in_dim3A_692 : vector<16xf32> to vector<1x16xf32>
      tpu.vector_store %arg10[%swap3A_693, %swap3A_694], %swap3A_697 {strides = array<i32>} : memref<80x128xf32, #tpu.memory_space<vmem>>, vector<1x16xf32>,
      %broadcast_in_dim3A_698 = arith.constant 0.000000e+00 : f32
      %broadcast_in_dim3A_699 = vector.broadcast %broadcast_in_dim3A_698 : f32 to vector<16xf32>
      %swap3A_700 = arith.index_cast %scan3A_650 : i32 to index
      %swap3A_701 = arith.constant 112 : index
      %swap3A_702 = tpu.vector_load %arg10[%swap3A_700, %swap3A_701] {strides = array<i32>} : memref<80x128xf32, #tpu.memory_space<vmem>>, vector<1x16xf32>,
      %swap3A_703 = vector.shape_cast %swap3A_702 : vector<1x16xf32> to vector<16xf32>
      %swap3A_704 = vector.shape_cast %broadcast_in_dim3A_699 : vector<16xf32> to vector<1x16xf32>
      tpu.vector_store %arg10[%swap3A_700, %swap3A_701], %swap3A_704 {strides = array<i32>} : memref<80x128xf32, #tpu.memory_space<vmem>>, vector<1x16xf32>,
    }
    %scan3A_40 = arith.constant 80 : i32
    %mul3A_41 = arith.constant 640 : i32
    %mul3A_42 = arith.muli %arg1, %mul3A_41 : i32
    %add3A_43 = arith.constant 0 : i32
    %add3A_44 = arith.addi %mul3A_42, %add3A_43 : i32
    %dma_start3A_45 = arith.constant 0 : i32
    %dma_start3A_46 = tpu.memref_slice %arg13[%add3A_44, %dma_start3A_45] : memref<10240x128xf32, #tpu.memory_space<vmem_shared>> -> memref<80x128xf32, #tpu.memory_space<vmem_shared>>
    %dma_start3A_47 = arith.constant 0 : i32
    %dma_start3A_48 = tpu.memref_slice %arg13[%add3A_44, %dma_start3A_47] : memref<10240x128xf32, #tpu.memory_space<vmem_shared>> -> memref<80x128xf32, #tpu.memory_space<vmem_shared>>
    tpu.enqueue_dma source(%arg10 : memref<80x128xf32, #tpu.memory_space<vmem>>) target(%dma_start3A_48 : memref<80x128xf32, #tpu.memory_space<vmem_shared>>) target_semaphore(%arg14 : memref<!tpu.dma_semaphore, #tpu.memory_space<semaphore_mem>>)
    %mul3A_49 = arith.constant 640 : i32
    %mul3A_50 = arith.muli %arg1, %mul3A_49 : i32
    %add3A_51 = arith.constant 80 : i32
    %add3A_52 = arith.addi %mul3A_50, %add3A_51 : i32
    %dma_start3A_53 = arith.constant 0 : i32
    %dma_start3A_54 = tpu.memref_slice %arg13[%add3A_52, %dma_start3A_53] : memref<10240x128xf32, #tpu.memory_space<vmem_shared>> -> memref<80x128xf32, #tpu.memory_space<vmem_shared>>
    %dma_start3A_55 = arith.constant 0 : i32
    %dma_start3A_56 = tpu.memref_slice %arg13[%add3A_52, %dma_start3A_55] : memref<10240x128xf32, #tpu.memory_space<vmem_shared>> -> memref<80x128xf32, #tpu.memory_space<vmem_shared>>
    tpu.enqueue_dma source(%arg10 : memref<80x128xf32, #tpu.memory_space<vmem>>) target(%dma_start3A_56 : memref<80x128xf32, #tpu.memory_space<vmem_shared>>) target_semaphore(%arg14 : memref<!tpu.dma_semaphore, #tpu.memory_space<semaphore_mem>>)
    %mul3A_57 = arith.constant 640 : i32
    %mul3A_58 = arith.muli %arg1, %mul3A_57 : i32
    %add3A_59 = arith.constant 160 : i32
    %add3A_60 = arith.addi %mul3A_58, %add3A_59 : i32
    %dma_start3A_61 = arith.constant 0 : i32
    %dma_start3A_62 = tpu.memref_slice %arg13[%add3A_60, %dma_start3A_61] : memref<10240x128xf32, #tpu.memory_space<vmem_shared>> -> memref<80x128xf32, #tpu.memory_space<vmem_shared>>
    %dma_start3A_63 = arith.constant 0 : i32
    %dma_start3A_64 = tpu.memref_slice %arg13[%add3A_60, %dma_start3A_63] : memref<10240x128xf32, #tpu.memory_space<vmem_shared>> -> memref<80x128xf32, #tpu.memory_space<vmem_shared>>
    tpu.enqueue_dma source(%arg10 : memref<80x128xf32, #tpu.memory_space<vmem>>) target(%dma_start3A_64 : memref<80x128xf32, #tpu.memory_space<vmem_shared>>) target_semaphore(%arg14 : memref<!tpu.dma_semaphore, #tpu.memory_space<semaphore_mem>>)
    %mul3A_65 = arith.constant 640 : i32
    %mul3A_66 = arith.muli %arg1, %mul3A_65 : i32
    %add3A_67 = arith.constant 240 : i32
    %add3A_68 = arith.addi %mul3A_66, %add3A_67 : i32
    %dma_start3A_69 = arith.constant 0 : i32
    %dma_start3A_70 = tpu.memref_slice %arg13[%add3A_68, %dma_start3A_69] : memref<10240x128xf32, #tpu.memory_space<vmem_shared>> -> memref<80x128xf32, #tpu.memory_space<vmem_shared>>
    %dma_start3A_71 = arith.constant 0 : i32
    %dma_start3A_72 = tpu.memref_slice %arg13[%add3A_68, %dma_start3A_71] : memref<10240x128xf32, #tpu.memory_space<vmem_shared>> -> memref<80x128xf32, #tpu.memory_space<vmem_shared>>
    tpu.enqueue_dma source(%arg10 : memref<80x128xf32, #tpu.memory_space<vmem>>) target(%dma_start3A_72 : memref<80x128xf32, #tpu.memory_space<vmem_shared>>) target_semaphore(%arg14 : memref<!tpu.dma_semaphore, #tpu.memory_space<semaphore_mem>>)
    %mul3A_73 = arith.constant 640 : i32
    %mul3A_74 = arith.muli %arg1, %mul3A_73 : i32
    %add3A_75 = arith.constant 320 : i32
    %add3A_76 = arith.addi %mul3A_74, %add3A_75 : i32
    %dma_start3A_77 = arith.constant 0 : i32
    %dma_start3A_78 = tpu.memref_slice %arg13[%add3A_76, %dma_start3A_77] : memref<10240x128xf32, #tpu.memory_space<vmem_shared>> -> memref<80x128xf32, #tpu.memory_space<vmem_shared>>
    %dma_start3A_79 = arith.constant 0 : i32
    %dma_start3A_80 = tpu.memref_slice %arg13[%add3A_76, %dma_start3A_79] : memref<10240x128xf32, #tpu.memory_space<vmem_shared>> -> memref<80x128xf32, #tpu.memory_space<vmem_shared>>
    tpu.enqueue_dma source(%arg10 : memref<80x128xf32, #tpu.memory_space<vmem>>) target(%dma_start3A_80 : memref<80x128xf32, #tpu.memory_space<vmem_shared>>) target_semaphore(%arg14 : memref<!tpu.dma_semaphore, #tpu.memory_space<semaphore_mem>>)
    %mul3A_81 = arith.constant 640 : i32
    %mul3A_82 = arith.muli %arg1, %mul3A_81 : i32
    %add3A_83 = arith.constant 400 : i32
    %add3A_84 = arith.addi %mul3A_82, %add3A_83 : i32
    %dma_start3A_85 = arith.constant 0 : i32
    %dma_start3A_86 = tpu.memref_slice %arg13[%add3A_84, %dma_start3A_85] : memref<10240x128xf32, #tpu.memory_space<vmem_shared>> -> memref<80x128xf32, #tpu.memory_space<vmem_shared>>
    %dma_start3A_87 = arith.constant 0 : i32
    %dma_start3A_88 = tpu.memref_slice %arg13[%add3A_84, %dma_start3A_87] : memref<10240x128xf32, #tpu.memory_space<vmem_shared>> -> memref<80x128xf32, #tpu.memory_space<vmem_shared>>
    tpu.enqueue_dma source(%arg10 : memref<80x128xf32, #tpu.memory_space<vmem>>) target(%dma_start3A_88 : memref<80x128xf32, #tpu.memory_space<vmem_shared>>) target_semaphore(%arg14 : memref<!tpu.dma_semaphore, #tpu.memory_space<semaphore_mem>>)
    %mul3A_89 = arith.constant 640 : i32
    %mul3A_90 = arith.muli %arg1, %mul3A_89 : i32
    %add3A_91 = arith.constant 480 : i32
    %add3A_92 = arith.addi %mul3A_90, %add3A_91 : i32
    %dma_start3A_93 = arith.constant 0 : i32
    %dma_start3A_94 = tpu.memref_slice %arg13[%add3A_92, %dma_start3A_93] : memref<10240x128xf32, #tpu.memory_space<vmem_shared>> -> memref<80x128xf32, #tpu.memory_space<vmem_shared>>
    %dma_start3A_95 = arith.constant 0 : i32
    %dma_start3A_96 = tpu.memref_slice %arg13[%add3A_92, %dma_start3A_95] : memref<10240x128xf32, #tpu.memory_space<vmem_shared>> -> memref<80x128xf32, #tpu.memory_space<vmem_shared>>
    tpu.enqueue_dma source(%arg10 : memref<80x128xf32, #tpu.memory_space<vmem>>) target(%dma_start3A_96 : memref<80x128xf32, #tpu.memory_space<vmem_shared>>) target_semaphore(%arg14 : memref<!tpu.dma_semaphore, #tpu.memory_space<semaphore_mem>>)
    %mul3A_97 = arith.constant 640 : i32
    %mul3A_98 = arith.muli %arg1, %mul3A_97 : i32
    %add3A_99 = arith.constant 560 : i32
    %add3A_100 = arith.addi %mul3A_98, %add3A_99 : i32
    %dma_start3A_101 = arith.constant 0 : i32
    %dma_start3A_102 = tpu.memref_slice %arg13[%add3A_100, %dma_start3A_101] : memref<10240x128xf32, #tpu.memory_space<vmem_shared>> -> memref<80x128xf32, #tpu.memory_space<vmem_shared>>
    %dma_start3A_103 = arith.constant 0 : i32
    %dma_start3A_104 = tpu.memref_slice %arg13[%add3A_100, %dma_start3A_103] : memref<10240x128xf32, #tpu.memory_space<vmem_shared>> -> memref<80x128xf32, #tpu.memory_space<vmem_shared>>
    tpu.enqueue_dma source(%arg10 : memref<80x128xf32, #tpu.memory_space<vmem>>) target(%dma_start3A_104 : memref<80x128xf32, #tpu.memory_space<vmem_shared>>) target_semaphore(%arg14 : memref<!tpu.dma_semaphore, #tpu.memory_space<semaphore_mem>>)
    %mul3A_105 = arith.constant 640 : i32
    %mul3A_106 = arith.muli %arg1, %mul3A_105 : i32
    %add3A_107 = arith.constant 0 : i32
    %add3A_108 = arith.addi %mul3A_106, %add3A_107 : i32
    %dma_wait3A = arith.constant 0 : i32
    %dma_wait3A_109 = tpu.memref_slice %arg13[%add3A_108, %dma_wait3A] : memref<10240x128xf32, #tpu.memory_space<vmem_shared>> -> memref<80x128xf32, #tpu.memory_space<vmem_shared>>
    %dma_wait3A_110 = arith.constant 0 : i32
    %dma_wait3A_111 = tpu.memref_slice %arg13[%add3A_108, %dma_wait3A_110] : memref<10240x128xf32, #tpu.memory_space<vmem_shared>> -> memref<80x128xf32, #tpu.memory_space<vmem_shared>>
    tpu.wait_dma2 semaphore(%arg14 : memref<!tpu.dma_semaphore, #tpu.memory_space<semaphore_mem>>) src(%arg10 : memref<80x128xf32, #tpu.memory_space<vmem>>) dst(%dma_wait3A_111 : memref<80x128xf32, #tpu.memory_space<vmem_shared>>)
    %mul3A_112 = arith.constant 640 : i32
    %mul3A_113 = arith.muli %arg1, %mul3A_112 : i32
    %add3A_114 = arith.constant 80 : i32
    %add3A_115 = arith.addi %mul3A_113, %add3A_114 : i32
    %dma_wait3A_116 = arith.constant 0 : i32
    %dma_wait3A_117 = tpu.memref_slice %arg13[%add3A_115, %dma_wait3A_116] : memref<10240x128xf32, #tpu.memory_space<vmem_shared>> -> memref<80x128xf32, #tpu.memory_space<vmem_shared>>
    %dma_wait3A_118 = arith.constant 0 : i32
    %dma_wait3A_119 = tpu.memref_slice %arg13[%add3A_115, %dma_wait3A_118] : memref<10240x128xf32, #tpu.memory_space<vmem_shared>> -> memref<80x128xf32, #tpu.memory_space<vmem_shared>>
    tpu.wait_dma2 semaphore(%arg14 : memref<!tpu.dma_semaphore, #tpu.memory_space<semaphore_mem>>) src(%arg10 : memref<80x128xf32, #tpu.memory_space<vmem>>) dst(%dma_wait3A_119 : memref<80x128xf32, #tpu.memory_space<vmem_shared>>)
    %mul3A_120 = arith.constant 640 : i32
    %mul3A_121 = arith.muli %arg1, %mul3A_120 : i32
    %add3A_122 = arith.constant 160 : i32
    %add3A_123 = arith.addi %mul3A_121, %add3A_122 : i32
    %dma_wait3A_124 = arith.constant 0 : i32
    %dma_wait3A_125 = tpu.memref_slice %arg13[%add3A_123, %dma_wait3A_124] : memref<10240x128xf32, #tpu.memory_space<vmem_shared>> -> memref<80x128xf32, #tpu.memory_space<vmem_shared>>
    %dma_wait3A_126 = arith.constant 0 : i32
    %dma_wait3A_127 = tpu.memref_slice %arg13[%add3A_123, %dma_wait3A_126] : memref<10240x128xf32, #tpu.memory_space<vmem_shared>> -> memref<80x128xf32, #tpu.memory_space<vmem_shared>>
    tpu.wait_dma2 semaphore(%arg14 : memref<!tpu.dma_semaphore, #tpu.memory_space<semaphore_mem>>) src(%arg10 : memref<80x128xf32, #tpu.memory_space<vmem>>) dst(%dma_wait3A_127 : memref<80x128xf32, #tpu.memory_space<vmem_shared>>)
    %mul3A_128 = arith.constant 640 : i32
    %mul3A_129 = arith.muli %arg1, %mul3A_128 : i32
    %add3A_130 = arith.constant 240 : i32
    %add3A_131 = arith.addi %mul3A_129, %add3A_130 : i32
    %dma_wait3A_132 = arith.constant 0 : i32
    %dma_wait3A_133 = tpu.memref_slice %arg13[%add3A_131, %dma_wait3A_132] : memref<10240x128xf32, #tpu.memory_space<vmem_shared>> -> memref<80x128xf32, #tpu.memory_space<vmem_shared>>
    %dma_wait3A_134 = arith.constant 0 : i32
    %dma_wait3A_135 = tpu.memref_slice %arg13[%add3A_131, %dma_wait3A_134] : memref<10240x128xf32, #tpu.memory_space<vmem_shared>> -> memref<80x128xf32, #tpu.memory_space<vmem_shared>>
    tpu.wait_dma2 semaphore(%arg14 : memref<!tpu.dma_semaphore, #tpu.memory_space<semaphore_mem>>) src(%arg10 : memref<80x128xf32, #tpu.memory_space<vmem>>) dst(%dma_wait3A_135 : memref<80x128xf32, #tpu.memory_space<vmem_shared>>)
    %mul3A_136 = arith.constant 640 : i32
    %mul3A_137 = arith.muli %arg1, %mul3A_136 : i32
    %add3A_138 = arith.constant 320 : i32
    %add3A_139 = arith.addi %mul3A_137, %add3A_138 : i32
    %dma_wait3A_140 = arith.constant 0 : i32
    %dma_wait3A_141 = tpu.memref_slice %arg13[%add3A_139, %dma_wait3A_140] : memref<10240x128xf32, #tpu.memory_space<vmem_shared>> -> memref<80x128xf32, #tpu.memory_space<vmem_shared>>
    %dma_wait3A_142 = arith.constant 0 : i32
    %dma_wait3A_143 = tpu.memref_slice %arg13[%add3A_139, %dma_wait3A_142] : memref<10240x128xf32, #tpu.memory_space<vmem_shared>> -> memref<80x128xf32, #tpu.memory_space<vmem_shared>>
    tpu.wait_dma2 semaphore(%arg14 : memref<!tpu.dma_semaphore, #tpu.memory_space<semaphore_mem>>) src(%arg10 : memref<80x128xf32, #tpu.memory_space<vmem>>) dst(%dma_wait3A_143 : memref<80x128xf32, #tpu.memory_space<vmem_shared>>)
    %mul3A_144 = arith.constant 640 : i32
    %mul3A_145 = arith.muli %arg1, %mul3A_144 : i32
    %add3A_146 = arith.constant 400 : i32
    %add3A_147 = arith.addi %mul3A_145, %add3A_146 : i32
    %dma_wait3A_148 = arith.constant 0 : i32
    %dma_wait3A_149 = tpu.memref_slice %arg13[%add3A_147, %dma_wait3A_148] : memref<10240x128xf32, #tpu.memory_space<vmem_shared>> -> memref<80x128xf32, #tpu.memory_space<vmem_shared>>
    %dma_wait3A_150 = arith.constant 0 : i32
    %dma_wait3A_151 = tpu.memref_slice %arg13[%add3A_147, %dma_wait3A_150] : memref<10240x128xf32, #tpu.memory_space<vmem_shared>> -> memref<80x128xf32, #tpu.memory_space<vmem_shared>>
    tpu.wait_dma2 semaphore(%arg14 : memref<!tpu.dma_semaphore, #tpu.memory_space<semaphore_mem>>) src(%arg10 : memref<80x128xf32, #tpu.memory_space<vmem>>) dst(%dma_wait3A_151 : memref<80x128xf32, #tpu.memory_space<vmem_shared>>)
    %mul3A_152 = arith.constant 640 : i32
    %mul3A_153 = arith.muli %arg1, %mul3A_152 : i32
    %add3A_154 = arith.constant 480 : i32
    %add3A_155 = arith.addi %mul3A_153, %add3A_154 : i32
    %dma_wait3A_156 = arith.constant 0 : i32
    %dma_wait3A_157 = tpu.memref_slice %arg13[%add3A_155, %dma_wait3A_156] : memref<10240x128xf32, #tpu.memory_space<vmem_shared>> -> memref<80x128xf32, #tpu.memory_space<vmem_shared>>
    %dma_wait3A_158 = arith.constant 0 : i32
    %dma_wait3A_159 = tpu.memref_slice %arg13[%add3A_155, %dma_wait3A_158] : memref<10240x128xf32, #tpu.memory_space<vmem_shared>> -> memref<80x128xf32, #tpu.memory_space<vmem_shared>>
    tpu.wait_dma2 semaphore(%arg14 : memref<!tpu.dma_semaphore, #tpu.memory_space<semaphore_mem>>) src(%arg10 : memref<80x128xf32, #tpu.memory_space<vmem>>) dst(%dma_wait3A_159 : memref<80x128xf32, #tpu.memory_space<vmem_shared>>)
    %mul3A_160 = arith.constant 640 : i32
    %mul3A_161 = arith.muli %arg1, %mul3A_160 : i32
    %add3A_162 = arith.constant 560 : i32
    %add3A_163 = arith.addi %mul3A_161, %add3A_162 : i32
    %dma_wait3A_164 = arith.constant 0 : i32
    %dma_wait3A_165 = tpu.memref_slice %arg13[%add3A_163, %dma_wait3A_164] : memref<10240x128xf32, #tpu.memory_space<vmem_shared>> -> memref<80x128xf32, #tpu.memory_space<vmem_shared>>
    %dma_wait3A_166 = arith.constant 0 : i32
    %dma_wait3A_167 = tpu.memref_slice %arg13[%add3A_163, %dma_wait3A_166] : memref<10240x128xf32, #tpu.memory_space<vmem_shared>> -> memref<80x128xf32, #tpu.memory_space<vmem_shared>>
    tpu.wait_dma2 semaphore(%arg14 : memref<!tpu.dma_semaphore, #tpu.memory_space<semaphore_mem>>) src(%arg10 : memref<80x128xf32, #tpu.memory_space<vmem>>) dst(%dma_wait3A_167 : memref<80x128xf32, #tpu.memory_space<vmem_shared>>)
    %barrier3A = arith.constant 0 : index
    tpu.barrier barrier_id(%barrier3A)
    %dma_wait3A_168 = arith.constant 0 : i32
    %dma_wait3A_169 = arith.constant 0 : i32
    %dma_wait3A_170 = arith.constant 0 : i32
    %dma_wait3A_171 = tpu.memref_slice %arg3[%add3A, %dma_wait3A_168, %dma_wait3A_169, %dma_wait3A_170] : memref<32x5x25x80xi32, #tpu.memory_space<hbm>> -> memref<1x1x25x80xi32, #tpu.memory_space<hbm>>
    %dma_wait3A_172 = tpu.memref_squeeze %dma_wait3A_171 : memref<1x1x25x80xi32, #tpu.memory_space<hbm>> -> memref<25x80xi32, #tpu.memory_space<hbm>>
    %dma_wait3A_173 = arith.constant 0 : i32
    %dma_wait3A_174 = arith.constant 0 : i32
    %dma_wait3A_175 = tpu.memref_slice %arg3[%add3A, %dma_wait3A_168, %dma_wait3A_173, %dma_wait3A_174] : memref<32x5x25x80xi32, #tpu.memory_space<hbm>> -> memref<1x1x25x80xi32, #tpu.memory_space<hbm>>
    %dma_wait3A_176 = tpu.memref_squeeze %dma_wait3A_175 : memref<1x1x25x80xi32, #tpu.memory_space<hbm>> -> memref<25x80xi32, #tpu.memory_space<hbm>>
    tpu.wait_dma2 semaphore(%arg17 : memref<!tpu.dma_semaphore, #tpu.memory_space<semaphore_mem>>) src(%dma_wait3A_176 : memref<25x80xi32, #tpu.memory_space<hbm>>) dst(%arg6 : memref<25x80xi32, #tpu.memory_space<vmem>>)
    %dma_wait3A_177 = arith.constant 0 : i32
    %dma_wait3A_178 = arith.constant 0 : i32
    %dma_wait3A_179 = arith.constant 0 : i32
    %dma_wait3A_180 = tpu.memref_slice %arg4[%add3A, %dma_wait3A_177, %dma_wait3A_178, %dma_wait3A_179] : memref<32x5x25x80xi32, #tpu.memory_space<hbm>> -> memref<1x1x25x80xi32, #tpu.memory_space<hbm>>
    %dma_wait3A_181 = tpu.memref_squeeze %dma_wait3A_180 : memref<1x1x25x80xi32, #tpu.memory_space<hbm>> -> memref<25x80xi32, #tpu.memory_space<hbm>>
    %dma_wait3A_182 = arith.constant 0 : i32
    %dma_wait3A_183 = arith.constant 0 : i32
    %dma_wait3A_184 = tpu.memref_slice %arg4[%add3A, %dma_wait3A_177, %dma_wait3A_182, %dma_wait3A_183] : memref<32x5x25x80xi32, #tpu.memory_space<hbm>> -> memref<1x1x25x80xi32, #tpu.memory_space<hbm>>
    %dma_wait3A_185 = tpu.memref_squeeze %dma_wait3A_184 : memref<1x1x25x80xi32, #tpu.memory_space<hbm>> -> memref<25x80xi32, #tpu.memory_space<hbm>>
    tpu.wait_dma2 semaphore(%arg17 : memref<!tpu.dma_semaphore, #tpu.memory_space<semaphore_mem>>) src(%dma_wait3A_185 : memref<25x80xi32, #tpu.memory_space<hbm>>) dst(%arg7 : memref<25x80xi32, #tpu.memory_space<vmem>>)
    %dma_start3A_186 = arith.constant 0 : i32
    %dma_start3A_187 = arith.constant 0 : i32
    %dma_start3A_188 = tpu.memref_slice %arg6[%dma_start3A_186, %dma_start3A_187] : memref<25x80xi32, #tpu.memory_space<vmem>> -> memref<1x80xi32, #tpu.memory_space<vmem>>
    %dma_start3A_189 = tpu.memref_squeeze %dma_start3A_188 : memref<1x80xi32, #tpu.memory_space<vmem>> -> memref<80xi32, #tpu.memory_space<vmem>>
    %dma_start3A_190 = arith.constant 0 : i32
    %dma_start3A_191 = arith.constant 0 : i32
    %dma_start3A_192 = tpu.memref_slice %arg2[%dma_start3A_190, %dma_start3A_191] : memref<10000x128xf32, #tpu.memory_space<hbm>> -> memref<10000x128xf32, #tpu.memory_space<hbm>>
    tpu.enqueue_indirect_dma source(%dma_start3A_192 : memref<10000x128xf32, #tpu.memory_space<hbm>>) target(%arg10 : memref<80x128xf32, #tpu.memory_space<vmem>>) offsets(%dma_start3A_189 : memref<80xi32, #tpu.memory_space<vmem>>) semaphore(%arg14 : memref<!tpu.dma_semaphore, #tpu.memory_space<semaphore_mem>>)
    %dma_start3A_193 = arith.constant 1 : i32
    %dma_start3A_194 = arith.constant 0 : i32
    %dma_start3A_195 = tpu.memref_slice %arg6[%dma_start3A_193, %dma_start3A_194] : memref<25x80xi32, #tpu.memory_space<vmem>> -> memref<1x80xi32, #tpu.memory_space<vmem>>
    %dma_start3A_196 = tpu.memref_squeeze %dma_start3A_195 : memref<1x80xi32, #tpu.memory_space<vmem>> -> memref<80xi32, #tpu.memory_space<vmem>>
    %dma_start3A_197 = arith.constant 0 : i32
    %dma_start3A_198 = arith.constant 0 : i32
    %dma_start3A_199 = tpu.memref_slice %arg2[%dma_start3A_197, %dma_start3A_198] : memref<10000x128xf32, #tpu.memory_space<hbm>> -> memref<10000x128xf32, #tpu.memory_space<hbm>>
    tpu.enqueue_indirect_dma source(%dma_start3A_199 : memref<10000x128xf32, #tpu.memory_space<hbm>>) target(%arg11 : memref<80x128xf32, #tpu.memory_space<vmem>>) offsets(%dma_start3A_196 : memref<80xi32, #tpu.memory_space<vmem>>) semaphore(%arg15 : memref<!tpu.dma_semaphore, #tpu.memory_space<semaphore_mem>>)
    %dma_start3A_200 = arith.constant 2 : i32
    %dma_start3A_201 = arith.constant 0 : i32
    %dma_start3A_202 = tpu.memref_slice %arg6[%dma_start3A_200, %dma_start3A_201] : memref<25x80xi32, #tpu.memory_space<vmem>> -> memref<1x80xi32, #tpu.memory_space<vmem>>
    %dma_start3A_203 = tpu.memref_squeeze %dma_start3A_202 : memref<1x80xi32, #tpu.memory_space<vmem>> -> memref<80xi32, #tpu.memory_space<vmem>>
    %dma_start3A_204 = arith.constant 0 : i32
    %dma_start3A_205 = arith.constant 0 : i32
    %dma_start3A_206 = tpu.memref_slice %arg2[%dma_start3A_204, %dma_start3A_205] : memref<10000x128xf32, #tpu.memory_space<hbm>> -> memref<10000x128xf32, #tpu.memory_space<hbm>>
    tpu.enqueue_indirect_dma source(%dma_start3A_206 : memref<10000x128xf32, #tpu.memory_space<hbm>>) target(%arg12 : memref<80x128xf32, #tpu.memory_space<vmem>>) offsets(%dma_start3A_203 : memref<80xi32, #tpu.memory_space<vmem>>) semaphore(%arg16 : memref<!tpu.dma_semaphore, #tpu.memory_space<semaphore_mem>>)
    %scan3A_207 = arith.constant 0 : i32
    %scan3A_208 = arith.constant 0 : i32
    %scan3A_209 = arith.constant 7 : i32
    %scan3A_210 = arith.addi %scan3A_208, %scan3A_209 : i32
    %scan3A_211 = arith.constant 1 : i32
    scf.for %scan3A_650 = %scan3A_208 to %scan3A_210 step %scan3A_211  : i32 {
      %mul3A_651 = arith.constant 3 : i32
      %mul3A_652 = arith.muli %mul3A_651, %scan3A_650 : i32
      %add3A_653 = arith.constant 0 : i32
      %add3A_654 = arith.addi %mul3A_652, %add3A_653 : i32
      %add3A_655 = arith.constant 0 : i32
      %add3A_656 = arith.addi %mul3A_652, %add3A_655 : i32
      %add3A_657 = arith.constant 3 : i32
      %add3A_658 = arith.addi %add3A_656, %add3A_657 : i32
      %dma_wait3A_659 = arith.constant 0 : i32
      %dma_wait3A_660 = tpu.memref_slice %arg6[%add3A_654, %dma_wait3A_659] : memref<25x80xi32, #tpu.memory_space<vmem>> -> memref<1x80xi32, #tpu.memory_space<vmem>>
      %dma_wait3A_661 = tpu.memref_squeeze %dma_wait3A_660 : memref<1x80xi32, #tpu.memory_space<vmem>> -> memref<80xi32, #tpu.memory_space<vmem>>
      %dma_wait3A_662 = arith.constant 0 : i32
      %dma_wait3A_663 = arith.constant 0 : i32
      %dma_wait3A_664 = tpu.memref_slice %arg2[%dma_wait3A_662, %dma_wait3A_663] : memref<10000x128xf32, #tpu.memory_space<hbm>> -> memref<10000x128xf32, #tpu.memory_space<hbm>>
      tpu.wait_indirect_dma semaphore(%arg14 : memref<!tpu.dma_semaphore, #tpu.memory_space<semaphore_mem>>) src(%dma_wait3A_664 : memref<10000x128xf32, #tpu.memory_space<hbm>>) dst(%arg10 : memref<80x128xf32, #tpu.memory_space<vmem>>)
      "tpu.region"() ({
        %run_scoped3A_707 = tpu.sem_alloc : memref<!tpu.dma_semaphore, #tpu.memory_space<semaphore_mem>>
        %dma_start3A_708 = arith.constant 0 : i32
        %dma_start3A_709 = tpu.memref_slice %arg7[%add3A_654, %dma_start3A_708] : memref<25x80xi32, #tpu.memory_space<vmem>> -> memref<1x80xi32, #tpu.memory_space<vmem>>
        %dma_start3A_710 = tpu.memref_squeeze %dma_start3A_709 : memref<1x80xi32, #tpu.memory_space<vmem>> -> memref<80xi32, #tpu.memory_space<vmem>>
        %dma_start3A_711 = arith.constant 0 : i32
        %dma_start3A_712 = arith.constant 0 : i32
        %dma_start3A_713 = tpu.memref_slice %arg13[%dma_start3A_711, %dma_start3A_712] : memref<10240x128xf32, #tpu.memory_space<vmem_shared>> -> memref<10240x128xf32, #tpu.memory_space<vmem_shared>>
        tpu.enqueue_indirect_dma source(%arg10 : memref<80x128xf32, #tpu.memory_space<vmem>>) target(%dma_start3A_713 : memref<10240x128xf32, #tpu.memory_space<vmem_shared>>) offsets(%dma_start3A_710 : memref<80xi32, #tpu.memory_space<vmem>>) semaphore(%run_scoped3A_707 : memref<!tpu.dma_semaphore, #tpu.memory_space<semaphore_mem>>) {add = true}
        %dma_wait3A_714 = arith.constant 0 : i32
        %dma_wait3A_715 = tpu.memref_slice %arg7[%add3A_654, %dma_wait3A_714] : memref<25x80xi32, #tpu.memory_space<vmem>> -> memref<1x80xi32, #tpu.memory_space<vmem>>
        %dma_wait3A_716 = tpu.memref_squeeze %dma_wait3A_715 : memref<1x80xi32, #tpu.memory_space<vmem>> -> memref<80xi32, #tpu.memory_space<vmem>>
        %dma_wait3A_717 = arith.constant 0 : i32
        %dma_wait3A_718 = arith.constant 0 : i32
        %dma_wait3A_719 = tpu.memref_slice %arg13[%dma_wait3A_717, %dma_wait3A_718] : memref<10240x128xf32, #tpu.memory_space<vmem_shared>> -> memref<10240x128xf32, #tpu.memory_space<vmem_shared>>
        tpu.wait_indirect_dma semaphore(%run_scoped3A_707 : memref<!tpu.dma_semaphore, #tpu.memory_space<semaphore_mem>>) src(%arg10 : memref<80x128xf32, #tpu.memory_space<vmem>>) dst(%dma_wait3A_719 : memref<10240x128xf32, #tpu.memory_space<vmem_shared>>)
        tpu.yield
      }) : () -> ()
      %dma_start3A_665 = arith.constant 0 : i32
      %dma_start3A_666 = tpu.memref_slice %arg6[%add3A_658, %dma_start3A_665] : memref<25x80xi32, #tpu.memory_space<vmem>> -> memref<1x80xi32, #tpu.memory_space<vmem>>
      %dma_start3A_667 = tpu.memref_squeeze %dma_start3A_666 : memref<1x80xi32, #tpu.memory_space<vmem>> -> memref<80xi32, #tpu.memory_space<vmem>>
      %dma_start3A_668 = arith.constant 0 : i32
      %dma_start3A_669 = arith.constant 0 : i32
      %dma_start3A_670 = tpu.memref_slice %arg2[%dma_start3A_668, %dma_start3A_669] : memref<10000x128xf32, #tpu.memory_space<hbm>> -> memref<10000x128xf32, #tpu.memory_space<hbm>>
      tpu.enqueue_indirect_dma source(%dma_start3A_670 : memref<10000x128xf32, #tpu.memory_space<hbm>>) target(%arg10 : memref<80x128xf32, #tpu.memory_space<vmem>>) offsets(%dma_start3A_667 : memref<80xi32, #tpu.memory_space<vmem>>) semaphore(%arg14 : memref<!tpu.dma_semaphore, #tpu.memory_space<semaphore_mem>>)
      %add3A_671 = arith.constant 1 : i32
      %add3A_672 = arith.addi %mul3A_652, %add3A_671 : i32
      %add3A_673 = arith.constant 1 : i32
      %add3A_674 = arith.addi %mul3A_652, %add3A_673 : i32
      %add3A_675 = arith.constant 3 : i32
      %add3A_676 = arith.addi %add3A_674, %add3A_675 : i32
      %dma_wait3A_677 = arith.constant 0 : i32
      %dma_wait3A_678 = tpu.memref_slice %arg6[%add3A_672, %dma_wait3A_677] : memref<25x80xi32, #tpu.memory_space<vmem>> -> memref<1x80xi32, #tpu.memory_space<vmem>>
      %dma_wait3A_679 = tpu.memref_squeeze %dma_wait3A_678 : memref<1x80xi32, #tpu.memory_space<vmem>> -> memref<80xi32, #tpu.memory_space<vmem>>
      %dma_wait3A_680 = arith.constant 0 : i32
      %dma_wait3A_681 = arith.constant 0 : i32
      %dma_wait3A_682 = tpu.memref_slice %arg2[%dma_wait3A_680, %dma_wait3A_681] : memref<10000x128xf32, #tpu.memory_space<hbm>> -> memref<10000x128xf32, #tpu.memory_space<hbm>>
      tpu.wait_indirect_dma semaphore(%arg15 : memref<!tpu.dma_semaphore, #tpu.memory_space<semaphore_mem>>) src(%dma_wait3A_682 : memref<10000x128xf32, #tpu.memory_space<hbm>>) dst(%arg11 : memref<80x128xf32, #tpu.memory_space<vmem>>)
      "tpu.region"() ({
        %run_scoped3A_707 = tpu.sem_alloc : memref<!tpu.dma_semaphore, #tpu.memory_space<semaphore_mem>>
        %dma_start3A_708 = arith.constant 0 : i32
        %dma_start3A_709 = tpu.memref_slice %arg7[%add3A_672, %dma_start3A_708] : memref<25x80xi32, #tpu.memory_space<vmem>> -> memref<1x80xi32, #tpu.memory_space<vmem>>
        %dma_start3A_710 = tpu.memref_squeeze %dma_start3A_709 : memref<1x80xi32, #tpu.memory_space<vmem>> -> memref<80xi32, #tpu.memory_space<vmem>>
        %dma_start3A_711 = arith.constant 0 : i32
        %dma_start3A_712 = arith.constant 0 : i32
        %dma_start3A_713 = tpu.memref_slice %arg13[%dma_start3A_711, %dma_start3A_712] : memref<10240x128xf32, #tpu.memory_space<vmem_shared>> -> memref<10240x128xf32, #tpu.memory_space<vmem_shared>>
        tpu.enqueue_indirect_dma source(%arg11 : memref<80x128xf32, #tpu.memory_space<vmem>>) target(%dma_start3A_713 : memref<10240x128xf32, #tpu.memory_space<vmem_shared>>) offsets(%dma_start3A_710 : memref<80xi32, #tpu.memory_space<vmem>>) semaphore(%run_scoped3A_707 : memref<!tpu.dma_semaphore, #tpu.memory_space<semaphore_mem>>) {add = true}
        %dma_wait3A_714 = arith.constant 0 : i32
        %dma_wait3A_715 = tpu.memref_slice %arg7[%add3A_672, %dma_wait3A_714] : memref<25x80xi32, #tpu.memory_space<vmem>> -> memref<1x80xi32, #tpu.memory_space<vmem>>
        %dma_wait3A_716 = tpu.memref_squeeze %dma_wait3A_715 : memref<1x80xi32, #tpu.memory_space<vmem>> -> memref<80xi32, #tpu.memory_space<vmem>>
        %dma_wait3A_717 = arith.constant 0 : i32
        %dma_wait3A_718 = arith.constant 0 : i32
        %dma_wait3A_719 = tpu.memref_slice %arg13[%dma_wait3A_717, %dma_wait3A_718] : memref<10240x128xf32, #tpu.memory_space<vmem_shared>> -> memref<10240x128xf32, #tpu.memory_space<vmem_shared>>
        tpu.wait_indirect_dma semaphore(%run_scoped3A_707 : memref<!tpu.dma_semaphore, #tpu.memory_space<semaphore_mem>>) src(%arg11 : memref<80x128xf32, #tpu.memory_space<vmem>>) dst(%dma_wait3A_719 : memref<10240x128xf32, #tpu.memory_space<vmem_shared>>)
        tpu.yield
      }) : () -> ()
      %dma_start3A_683 = arith.constant 0 : i32
      %dma_start3A_684 = tpu.memref_slice %arg6[%add3A_676, %dma_start3A_683] : memref<25x80xi32, #tpu.memory_space<vmem>> -> memref<1x80xi32, #tpu.memory_space<vmem>>
      %dma_start3A_685 = tpu.memref_squeeze %dma_start3A_684 : memref<1x80xi32, #tpu.memory_space<vmem>> -> memref<80xi32, #tpu.memory_space<vmem>>
      %dma_start3A_686 = arith.constant 0 : i32
      %dma_start3A_687 = arith.constant 0 : i32
      %dma_start3A_688 = tpu.memref_slice %arg2[%dma_start3A_686, %dma_start3A_687] : memref<10000x128xf32, #tpu.memory_space<hbm>> -> memref<10000x128xf32, #tpu.memory_space<hbm>>
      tpu.enqueue_indirect_dma source(%dma_start3A_688 : memref<10000x128xf32, #tpu.memory_space<hbm>>) target(%arg11 : memref<80x128xf32, #tpu.memory_space<vmem>>) offsets(%dma_start3A_685 : memref<80xi32, #tpu.memory_space<vmem>>) semaphore(%arg15 : memref<!tpu.dma_semaphore, #tpu.memory_space<semaphore_mem>>)
      %add3A_689 = arith.constant 2 : i32
      %add3A_690 = arith.addi %mul3A_652, %add3A_689 : i32
      %add3A_691 = arith.constant 2 : i32
      %add3A_692 = arith.addi %mul3A_652, %add3A_691 : i32
      %add3A_693 = arith.constant 3 : i32
      %add3A_694 = arith.addi %add3A_692, %add3A_693 : i32
      %dma_wait3A_695 = arith.constant 0 : i32
      %dma_wait3A_696 = tpu.memref_slice %arg6[%add3A_690, %dma_wait3A_695] : memref<25x80xi32, #tpu.memory_space<vmem>> -> memref<1x80xi32, #tpu.memory_space<vmem>>
      %dma_wait3A_697 = tpu.memref_squeeze %dma_wait3A_696 : memref<1x80xi32, #tpu.memory_space<vmem>> -> memref<80xi32, #tpu.memory_space<vmem>>
      %dma_wait3A_698 = arith.constant 0 : i32
      %dma_wait3A_699 = arith.constant 0 : i32
      %dma_wait3A_700 = tpu.memref_slice %arg2[%dma_wait3A_698, %dma_wait3A_699] : memref<10000x128xf32, #tpu.memory_space<hbm>> -> memref<10000x128xf32, #tpu.memory_space<hbm>>
      tpu.wait_indirect_dma semaphore(%arg16 : memref<!tpu.dma_semaphore, #tpu.memory_space<semaphore_mem>>) src(%dma_wait3A_700 : memref<10000x128xf32, #tpu.memory_space<hbm>>) dst(%arg12 : memref<80x128xf32, #tpu.memory_space<vmem>>)
      "tpu.region"() ({
        %run_scoped3A_707 = tpu.sem_alloc : memref<!tpu.dma_semaphore, #tpu.memory_space<semaphore_mem>>
        %dma_start3A_708 = arith.constant 0 : i32
        %dma_start3A_709 = tpu.memref_slice %arg7[%add3A_690, %dma_start3A_708] : memref<25x80xi32, #tpu.memory_space<vmem>> -> memref<1x80xi32, #tpu.memory_space<vmem>>
        %dma_start3A_710 = tpu.memref_squeeze %dma_start3A_709 : memref<1x80xi32, #tpu.memory_space<vmem>> -> memref<80xi32, #tpu.memory_space<vmem>>
        %dma_start3A_711 = arith.constant 0 : i32
        %dma_start3A_712 = arith.constant 0 : i32
        %dma_start3A_713 = tpu.memref_slice %arg13[%dma_start3A_711, %dma_start3A_712] : memref<10240x128xf32, #tpu.memory_space<vmem_shared>> -> memref<10240x128xf32, #tpu.memory_space<vmem_shared>>
        tpu.enqueue_indirect_dma source(%arg12 : memref<80x128xf32, #tpu.memory_space<vmem>>) target(%dma_start3A_713 : memref<10240x128xf32, #tpu.memory_space<vmem_shared>>) offsets(%dma_start3A_710 : memref<80xi32, #tpu.memory_space<vmem>>) semaphore(%run_scoped3A_707 : memref<!tpu.dma_semaphore, #tpu.memory_space<semaphore_mem>>) {add = true}
        %dma_wait3A_714 = arith.constant 0 : i32
        %dma_wait3A_715 = tpu.memref_slice %arg7[%add3A_690, %dma_wait3A_714] : memref<25x80xi32, #tpu.memory_space<vmem>> -> memref<1x80xi32, #tpu.memory_space<vmem>>
        %dma_wait3A_716 = tpu.memref_squeeze %dma_wait3A_715 : memref<1x80xi32, #tpu.memory_space<vmem>> -> memref<80xi32, #tpu.memory_space<vmem>>
        %dma_wait3A_717 = arith.constant 0 : i32
        %dma_wait3A_718 = arith.constant 0 : i32
        %dma_wait3A_719 = tpu.memref_slice %arg13[%dma_wait3A_717, %dma_wait3A_718] : memref<10240x128xf32, #tpu.memory_space<vmem_shared>> -> memref<10240x128xf32, #tpu.memory_space<vmem_shared>>
        tpu.wait_indirect_dma semaphore(%run_scoped3A_707 : memref<!tpu.dma_semaphore, #tpu.memory_space<semaphore_mem>>) src(%arg12 : memref<80x128xf32, #tpu.memory_space<vmem>>) dst(%dma_wait3A_719 : memref<10240x128xf32, #tpu.memory_space<vmem_shared>>)
        tpu.yield
      }) : () -> ()
      %dma_start3A_701 = arith.constant 0 : i32
      %dma_start3A_702 = tpu.memref_slice %arg6[%add3A_694, %dma_start3A_701] : memref<25x80xi32, #tpu.memory_space<vmem>> -> memref<1x80xi32, #tpu.memory_space<vmem>>
      %dma_start3A_703 = tpu.memref_squeeze %dma_start3A_702 : memref<1x80xi32, #tpu.memory_space<vmem>> -> memref<80xi32, #tpu.memory_space<vmem>>
      %dma_start3A_704 = arith.constant 0 : i32
      %dma_start3A_705 = arith.constant 0 : i32
      %dma_start3A_706 = tpu.memref_slice %arg2[%dma_start3A_704, %dma_start3A_705] : memref<10000x128xf32, #tpu.memory_space<hbm>> -> memref<10000x128xf32, #tpu.memory_space<hbm>>
      tpu.enqueue_indirect_dma source(%dma_start3A_706 : memref<10000x128xf32, #tpu.memory_space<hbm>>) target(%arg12 : memref<80x128xf32, #tpu.memory_space<vmem>>) offsets(%dma_start3A_703 : memref<80xi32, #tpu.memory_space<vmem>>) semaphore(%arg16 : memref<!tpu.dma_semaphore, #tpu.memory_space<semaphore_mem>>)
    }
    %scan3A_212 = arith.constant 7 : i32
    %dma_wait3A_213 = arith.constant 21 : i32
    %dma_wait3A_214 = arith.constant 0 : i32
    %dma_wait3A_215 = tpu.memref_slice %arg6[%dma_wait3A_213, %dma_wait3A_214] : memref<25x80xi32, #tpu.memory_space<vmem>> -> memref<1x80xi32, #tpu.memory_space<vmem>>
    %dma_wait3A_216 = tpu.memref_squeeze %dma_wait3A_215 : memref<1x80xi32, #tpu.memory_space<vmem>> -> memref<80xi32, #tpu.memory_space<vmem>>
    %dma_wait3A_217 = arith.constant 0 : i32
    %dma_wait3A_218 = arith.constant 0 : i32
    %dma_wait3A_219 = tpu.memref_slice %arg2[%dma_wait3A_217, %dma_wait3A_218] : memref<10000x128xf32, #tpu.memory_space<hbm>> -> memref<10000x128xf32, #tpu.memory_space<hbm>>
    tpu.wait_indirect_dma semaphore(%arg14 : memref<!tpu.dma_semaphore, #tpu.memory_space<semaphore_mem>>) src(%dma_wait3A_219 : memref<10000x128xf32, #tpu.memory_space<hbm>>) dst(%arg10 : memref<80x128xf32, #tpu.memory_space<vmem>>)
    %run_scoped3A = arith.constant 21 : i32
    "tpu.region"() ({
      %run_scoped3A_650 = tpu.sem_alloc : memref<!tpu.dma_semaphore, #tpu.memory_space<semaphore_mem>>
      %dma_start3A_651 = arith.constant 0 : i32
      %dma_start3A_652 = tpu.memref_slice %arg7[%run_scoped3A, %dma_start3A_651] : memref<25x80xi32, #tpu.memory_space<vmem>> -> memref<1x80xi32, #tpu.memory_space<vmem>>
      %dma_start3A_653 = tpu.memref_squeeze %dma_start3A_652 : memref<1x80xi32, #tpu.memory_space<vmem>> -> memref<80xi32, #tpu.memory_space<vmem>>
      %dma_start3A_654 = arith.constant 0 : i32
      %dma_start3A_655 = arith.constant 0 : i32
      %dma_start3A_656 = tpu.memref_slice %arg13[%dma_start3A_654, %dma_start3A_655] : memref<10240x128xf32, #tpu.memory_space<vmem_shared>> -> memref<10240x128xf32, #tpu.memory_space<vmem_shared>>
      tpu.enqueue_indirect_dma source(%arg10 : memref<80x128xf32, #tpu.memory_space<vmem>>) target(%dma_start3A_656 : memref<10240x128xf32, #tpu.memory_space<vmem_shared>>) offsets(%dma_start3A_653 : memref<80xi32, #tpu.memory_space<vmem>>) semaphore(%run_scoped3A_650 : memref<!tpu.dma_semaphore, #tpu.memory_space<semaphore_mem>>) {add = true}
      %dma_wait3A_657 = arith.constant 0 : i32
      %dma_wait3A_658 = tpu.memref_slice %arg7[%run_scoped3A, %dma_wait3A_657] : memref<25x80xi32, #tpu.memory_space<vmem>> -> memref<1x80xi32, #tpu.memory_space<vmem>>
      %dma_wait3A_659 = tpu.memref_squeeze %dma_wait3A_658 : memref<1x80xi32, #tpu.memory_space<vmem>> -> memref<80xi32, #tpu.memory_space<vmem>>
      %dma_wait3A_660 = arith.constant 0 : i32
      %dma_wait3A_661 = arith.constant 0 : i32
      %dma_wait3A_662 = tpu.memref_slice %arg13[%dma_wait3A_660, %dma_wait3A_661] : memref<10240x128xf32, #tpu.memory_space<vmem_shared>> -> memref<10240x128xf32, #tpu.memory_space<vmem_shared>>
      tpu.wait_indirect_dma semaphore(%run_scoped3A_650 : memref<!tpu.dma_semaphore, #tpu.memory_space<semaphore_mem>>) src(%arg10 : memref<80x128xf32, #tpu.memory_space<vmem>>) dst(%dma_wait3A_662 : memref<10240x128xf32, #tpu.memory_space<vmem_shared>>)
      tpu.yield
    }) : () -> ()
    %dma_start3A_220 = arith.constant 24 : i32
    %dma_start3A_221 = arith.constant 0 : i32
    %dma_start3A_222 = tpu.memref_slice %arg6[%dma_start3A_220, %dma_start3A_221] : memref<25x80xi32, #tpu.memory_space<vmem>> -> memref<1x80xi32, #tpu.memory_space<vmem>>
    %dma_start3A_223 = tpu.memref_squeeze %dma_start3A_222 : memref<1x80xi32, #tpu.memory_space<vmem>> -> memref<80xi32, #tpu.memory_space<vmem>>
    %dma_start3A_224 = arith.constant 0 : i32
    %dma_start3A_225 = arith.constant 0 : i32
    %dma_start3A_226 = tpu.memref_slice %arg2[%dma_start3A_224, %dma_start3A_225] : memref<10000x128xf32, #tpu.memory_space<hbm>> -> memref<10000x128xf32, #tpu.memory_space<hbm>>
    tpu.enqueue_indirect_dma source(%dma_start3A_226 : memref<10000x128xf32, #tpu.memory_space<hbm>>) target(%arg10 : memref<80x128xf32, #tpu.memory_space<vmem>>) offsets(%dma_start3A_223 : memref<80xi32, #tpu.memory_space<vmem>>) semaphore(%arg14 : memref<!tpu.dma_semaphore, #tpu.memory_space<semaphore_mem>>)
    %dma_wait3A_227 = arith.constant 1 : i32
    %dma_wait3A_228 = arith.constant 0 : i32
    %dma_wait3A_229 = arith.constant 0 : i32
    %dma_wait3A_230 = tpu.memref_slice %arg3[%add3A, %dma_wait3A_227, %dma_wait3A_228, %dma_wait3A_229] : memref<32x5x25x80xi32, #tpu.memory_space<hbm>> -> memref<1x1x25x80xi32, #tpu.memory_space<hbm>>
    %dma_wait3A_231 = tpu.memref_squeeze %dma_wait3A_230 : memref<1x1x25x80xi32, #tpu.memory_space<hbm>> -> memref<25x80xi32, #tpu.memory_space<hbm>>
    %dma_wait3A_232 = arith.constant 0 : i32
    %dma_wait3A_233 = arith.constant 0 : i32
    %dma_wait3A_234 = tpu.memref_slice %arg3[%add3A, %dma_wait3A_227, %dma_wait3A_232, %dma_wait3A_233] : memref<32x5x25x80xi32, #tpu.memory_space<hbm>> -> memref<1x1x25x80xi32, #tpu.memory_space<hbm>>
    %dma_wait3A_235 = tpu.memref_squeeze %dma_wait3A_234 : memref<1x1x25x80xi32, #tpu.memory_space<hbm>> -> memref<25x80xi32, #tpu.memory_space<hbm>>
    tpu.wait_dma2 semaphore(%arg17 : memref<!tpu.dma_semaphore, #tpu.memory_space<semaphore_mem>>) src(%dma_wait3A_235 : memref<25x80xi32, #tpu.memory_space<hbm>>) dst(%arg8 : memref<25x80xi32, #tpu.memory_space<vmem>>)
    %dma_wait3A_236 = arith.constant 1 : i32
    %dma_wait3A_237 = arith.constant 0 : i32
    %dma_wait3A_238 = arith.constant 0 : i32
    %dma_wait3A_239 = tpu.memref_slice %arg4[%add3A, %dma_wait3A_236, %dma_wait3A_237, %dma_wait3A_238] : memref<32x5x25x80xi32, #tpu.memory_space<hbm>> -> memref<1x1x25x80xi32, #tpu.memory_space<hbm>>
    %dma_wait3A_240 = tpu.memref_squeeze %dma_wait3A_239 : memref<1x1x25x80xi32, #tpu.memory_space<hbm>> -> memref<25x80xi32, #tpu.memory_space<hbm>>
    %dma_wait3A_241 = arith.constant 0 : i32
    %dma_wait3A_242 = arith.constant 0 : i32
    %dma_wait3A_243 = tpu.memref_slice %arg4[%add3A, %dma_wait3A_236, %dma_wait3A_241, %dma_wait3A_242] : memref<32x5x25x80xi32, #tpu.memory_space<hbm>> -> memref<1x1x25x80xi32, #tpu.memory_space<hbm>>
    %dma_wait3A_244 = tpu.memref_squeeze %dma_wait3A_243 : memref<1x1x25x80xi32, #tpu.memory_space<hbm>> -> memref<25x80xi32, #tpu.memory_space<hbm>>
    tpu.wait_dma2 semaphore(%arg17 : memref<!tpu.dma_semaphore, #tpu.memory_space<semaphore_mem>>) src(%dma_wait3A_244 : memref<25x80xi32, #tpu.memory_space<hbm>>) dst(%arg9 : memref<25x80xi32, #tpu.memory_space<vmem>>)
    %dma_wait3A_245 = arith.constant 22 : i32
    %dma_wait3A_246 = arith.constant 0 : i32
    %dma_wait3A_247 = tpu.memref_slice %arg6[%dma_wait3A_245, %dma_wait3A_246] : memref<25x80xi32, #tpu.memory_space<vmem>> -> memref<1x80xi32, #tpu.memory_space<vmem>>
    %dma_wait3A_248 = tpu.memref_squeeze %dma_wait3A_247 : memref<1x80xi32, #tpu.memory_space<vmem>> -> memref<80xi32, #tpu.memory_space<vmem>>
    %dma_wait3A_249 = arith.constant 0 : i32
    %dma_wait3A_250 = arith.constant 0 : i32
    %dma_wait3A_251 = tpu.memref_slice %arg2[%dma_wait3A_249, %dma_wait3A_250] : memref<10000x128xf32, #tpu.memory_space<hbm>> -> memref<10000x128xf32, #tpu.memory_space<hbm>>
    tpu.wait_indirect_dma semaphore(%arg15 : memref<!tpu.dma_semaphore, #tpu.memory_space<semaphore_mem>>) src(%dma_wait3A_251 : memref<10000x128xf32, #tpu.memory_space<hbm>>) dst(%arg11 : memref<80x128xf32, #tpu.memory_space<vmem>>)
    %run_scoped3A_252 = arith.constant 22 : i32
    "tpu.region"() ({
      %run_scoped3A_650 = tpu.sem_alloc : memref<!tpu.dma_semaphore, #tpu.memory_space<semaphore_mem>>
      %dma_start3A_651 = arith.constant 0 : i32
      %dma_start3A_652 = tpu.memref_slice %arg7[%run_scoped3A_252, %dma_start3A_651] : memref<25x80xi32, #tpu.memory_space<vmem>> -> memref<1x80xi32, #tpu.memory_space<vmem>>
      %dma_start3A_653 = tpu.memref_squeeze %dma_start3A_652 : memref<1x80xi32, #tpu.memory_space<vmem>> -> memref<80xi32, #tpu.memory_space<vmem>>
      %dma_start3A_654 = arith.constant 0 : i32
      %dma_start3A_655 = arith.constant 0 : i32
      %dma_start3A_656 = tpu.memref_slice %arg13[%dma_start3A_654, %dma_start3A_655] : memref<10240x128xf32, #tpu.memory_space<vmem_shared>> -> memref<10240x128xf32, #tpu.memory_space<vmem_shared>>
      tpu.enqueue_indirect_dma source(%arg11 : memref<80x128xf32, #tpu.memory_space<vmem>>) target(%dma_start3A_656 : memref<10240x128xf32, #tpu.memory_space<vmem_shared>>) offsets(%dma_start3A_653 : memref<80xi32, #tpu.memory_space<vmem>>) semaphore(%run_scoped3A_650 : memref<!tpu.dma_semaphore, #tpu.memory_space<semaphore_mem>>) {add = true}
      %dma_wait3A_657 = arith.constant 0 : i32
      %dma_wait3A_658 = tpu.memref_slice %arg7[%run_scoped3A_252, %dma_wait3A_657] : memref<25x80xi32, #tpu.memory_space<vmem>> -> memref<1x80xi32, #tpu.memory_space<vmem>>
      %dma_wait3A_659 = tpu.memref_squeeze %dma_wait3A_658 : memref<1x80xi32, #tpu.memory_space<vmem>> -> memref<80xi32, #tpu.memory_space<vmem>>
      %dma_wait3A_660 = arith.constant 0 : i32
      %dma_wait3A_661 = arith.constant 0 : i32
      %dma_wait3A_662 = tpu.memref_slice %arg13[%dma_wait3A_660, %dma_wait3A_661] : memref<10240x128xf32, #tpu.memory_space<vmem_shared>> -> memref<10240x128xf32, #tpu.memory_space<vmem_shared>>
      tpu.wait_indirect_dma semaphore(%run_scoped3A_650 : memref<!tpu.dma_semaphore, #tpu.memory_space<semaphore_mem>>) src(%arg11 : memref<80x128xf32, #tpu.memory_space<vmem>>) dst(%dma_wait3A_662 : memref<10240x128xf32, #tpu.memory_space<vmem_shared>>)
      tpu.yield
    }) : () -> ()
    %dma_start3A_253 = arith.constant 0 : i32
    %dma_start3A_254 = arith.constant 0 : i32
    %dma_start3A_255 = tpu.memref_slice %arg8[%dma_start3A_253, %dma_start3A_254] : memref<25x80xi32, #tpu.memory_space<vmem>> -> memref<1x80xi32, #tpu.memory_space<vmem>>
    %dma_start3A_256 = tpu.memref_squeeze %dma_start3A_255 : memref<1x80xi32, #tpu.memory_space<vmem>> -> memref<80xi32, #tpu.memory_space<vmem>>
    %dma_start3A_257 = arith.constant 0 : i32
    %dma_start3A_258 = arith.constant 0 : i32
    %dma_start3A_259 = tpu.memref_slice %arg2[%dma_start3A_257, %dma_start3A_258] : memref<10000x128xf32, #tpu.memory_space<hbm>> -> memref<10000x128xf32, #tpu.memory_space<hbm>>
    tpu.enqueue_indirect_dma source(%dma_start3A_259 : memref<10000x128xf32, #tpu.memory_space<hbm>>) target(%arg11 : memref<80x128xf32, #tpu.memory_space<vmem>>) offsets(%dma_start3A_256 : memref<80xi32, #tpu.memory_space<vmem>>) semaphore(%arg15 : memref<!tpu.dma_semaphore, #tpu.memory_space<semaphore_mem>>)
    %dma_wait3A_260 = arith.constant 23 : i32
    %dma_wait3A_261 = arith.constant 0 : i32
    %dma_wait3A_262 = tpu.memref_slice %arg6[%dma_wait3A_260, %dma_wait3A_261] : memref<25x80xi32, #tpu.memory_space<vmem>> -> memref<1x80xi32, #tpu.memory_space<vmem>>
    %dma_wait3A_263 = tpu.memref_squeeze %dma_wait3A_262 : memref<1x80xi32, #tpu.memory_space<vmem>> -> memref<80xi32, #tpu.memory_space<vmem>>
    %dma_wait3A_264 = arith.constant 0 : i32
    %dma_wait3A_265 = arith.constant 0 : i32
    %dma_wait3A_266 = tpu.memref_slice %arg2[%dma_wait3A_264, %dma_wait3A_265] : memref<10000x128xf32, #tpu.memory_space<hbm>> -> memref<10000x128xf32, #tpu.memory_space<hbm>>
    tpu.wait_indirect_dma semaphore(%arg16 : memref<!tpu.dma_semaphore, #tpu.memory_space<semaphore_mem>>) src(%dma_wait3A_266 : memref<10000x128xf32, #tpu.memory_space<hbm>>) dst(%arg12 : memref<80x128xf32, #tpu.memory_space<vmem>>)
    %run_scoped3A_267 = arith.constant 23 : i32
    "tpu.region"() ({
      %run_scoped3A_650 = tpu.sem_alloc : memref<!tpu.dma_semaphore, #tpu.memory_space<semaphore_mem>>
      %dma_start3A_651 = arith.constant 0 : i32
      %dma_start3A_652 = tpu.memref_slice %arg7[%run_scoped3A_267, %dma_start3A_651] : memref<25x80xi32, #tpu.memory_space<vmem>> -> memref<1x80xi32, #tpu.memory_space<vmem>>
      %dma_start3A_653 = tpu.memref_squeeze %dma_start3A_652 : memref<1x80xi32, #tpu.memory_space<vmem>> -> memref<80xi32, #tpu.memory_space<vmem>>
      %dma_start3A_654 = arith.constant 0 : i32
      %dma_start3A_655 = arith.constant 0 : i32
      %dma_start3A_656 = tpu.memref_slice %arg13[%dma_start3A_654, %dma_start3A_655] : memref<10240x128xf32, #tpu.memory_space<vmem_shared>> -> memref<10240x128xf32, #tpu.memory_space<vmem_shared>>
      tpu.enqueue_indirect_dma source(%arg12 : memref<80x128xf32, #tpu.memory_space<vmem>>) target(%dma_start3A_656 : memref<10240x128xf32, #tpu.memory_space<vmem_shared>>) offsets(%dma_start3A_653 : memref<80xi32, #tpu.memory_space<vmem>>) semaphore(%run_scoped3A_650 : memref<!tpu.dma_semaphore, #tpu.memory_space<semaphore_mem>>) {add = true}
      %dma_wait3A_657 = arith.constant 0 : i32
      %dma_wait3A_658 = tpu.memref_slice %arg7[%run_scoped3A_267, %dma_wait3A_657] : memref<25x80xi32, #tpu.memory_space<vmem>> -> memref<1x80xi32, #tpu.memory_space<vmem>>
      %dma_wait3A_659 = tpu.memref_squeeze %dma_wait3A_658 : memref<1x80xi32, #tpu.memory_space<vmem>> -> memref<80xi32, #tpu.memory_space<vmem>>
      %dma_wait3A_660 = arith.constant 0 : i32
      %dma_wait3A_661 = arith.constant 0 : i32
      %dma_wait3A_662 = tpu.memref_slice %arg13[%dma_wait3A_660, %dma_wait3A_661] : memref<10240x128xf32, #tpu.memory_space<vmem_shared>> -> memref<10240x128xf32, #tpu.memory_space<vmem_shared>>
      tpu.wait_indirect_dma semaphore(%run_scoped3A_650 : memref<!tpu.dma_semaphore, #tpu.memory_space<semaphore_mem>>) src(%arg12 : memref<80x128xf32, #tpu.memory_space<vmem>>) dst(%dma_wait3A_662 : memref<10240x128xf32, #tpu.memory_space<vmem_shared>>)
      tpu.yield
    }) : () -> ()
    %dma_start3A_268 = arith.constant 1 : i32
    %dma_start3A_269 = arith.constant 0 : i32
    %dma_start3A_270 = tpu.memref_slice %arg8[%dma_start3A_268, %dma_start3A_269] : memref<25x80xi32, #tpu.memory_space<vmem>> -> memref<1x80xi32, #tpu.memory_space<vmem>>
    %dma_start3A_271 = tpu.memref_squeeze %dma_start3A_270 : memref<1x80xi32, #tpu.memory_space<vmem>> -> memref<80xi32, #tpu.memory_space<vmem>>
    %dma_start3A_272 = arith.constant 0 : i32
    %dma_start3A_273 = arith.constant 0 : i32
    %dma_start3A_274 = tpu.memref_slice %arg2[%dma_start3A_272, %dma_start3A_273] : memref<10000x128xf32, #tpu.memory_space<hbm>> -> memref<10000x128xf32, #tpu.memory_space<hbm>>
    tpu.enqueue_indirect_dma source(%dma_start3A_274 : memref<10000x128xf32, #tpu.memory_space<hbm>>) target(%arg12 : memref<80x128xf32, #tpu.memory_space<vmem>>) offsets(%dma_start3A_271 : memref<80xi32, #tpu.memory_space<vmem>>) semaphore(%arg16 : memref<!tpu.dma_semaphore, #tpu.memory_space<semaphore_mem>>)
    %dma_wait3A_275 = arith.constant 24 : i32
    %dma_wait3A_276 = arith.constant 0 : i32
    %dma_wait3A_277 = tpu.memref_slice %arg6[%dma_wait3A_275, %dma_wait3A_276] : memref<25x80xi32, #tpu.memory_space<vmem>> -> memref<1x80xi32, #tpu.memory_space<vmem>>
    %dma_wait3A_278 = tpu.memref_squeeze %dma_wait3A_277 : memref<1x80xi32, #tpu.memory_space<vmem>> -> memref<80xi32, #tpu.memory_space<vmem>>
    %dma_wait3A_279 = arith.constant 0 : i32
    %dma_wait3A_280 = arith.constant 0 : i32
    %dma_wait3A_281 = tpu.memref_slice %arg2[%dma_wait3A_279, %dma_wait3A_280] : memref<10000x128xf32, #tpu.memory_space<hbm>> -> memref<10000x128xf32, #tpu.memory_space<hbm>>
    tpu.wait_indirect_dma semaphore(%arg14 : memref<!tpu.dma_semaphore, #tpu.memory_space<semaphore_mem>>) src(%dma_wait3A_281 : memref<10000x128xf32, #tpu.memory_space<hbm>>) dst(%arg10 : memref<80x128xf32, #tpu.memory_space<vmem>>)
    %run_scoped3A_282 = arith.constant 24 : i32
    "tpu.region"() ({
      %run_scoped3A_650 = tpu.sem_alloc : memref<!tpu.dma_semaphore, #tpu.memory_space<semaphore_mem>>
      %dma_start3A_651 = arith.constant 0 : i32
      %dma_start3A_652 = tpu.memref_slice %arg7[%run_scoped3A_282, %dma_start3A_651] : memref<25x80xi32, #tpu.memory_space<vmem>> -> memref<1x80xi32, #tpu.memory_space<vmem>>
      %dma_start3A_653 = tpu.memref_squeeze %dma_start3A_652 : memref<1x80xi32, #tpu.memory_space<vmem>> -> memref<80xi32, #tpu.memory_space<vmem>>
      %dma_start3A_654 = arith.constant 0 : i32
      %dma_start3A_655 = arith.constant 0 : i32
      %dma_start3A_656 = tpu.memref_slice %arg13[%dma_start3A_654, %dma_start3A_655] : memref<10240x128xf32, #tpu.memory_space<vmem_shared>> -> memref<10240x128xf32, #tpu.memory_space<vmem_shared>>
      tpu.enqueue_indirect_dma source(%arg10 : memref<80x128xf32, #tpu.memory_space<vmem>>) target(%dma_start3A_656 : memref<10240x128xf32, #tpu.memory_space<vmem_shared>>) offsets(%dma_start3A_653 : memref<80xi32, #tpu.memory_space<vmem>>) semaphore(%run_scoped3A_650 : memref<!tpu.dma_semaphore, #tpu.memory_space<semaphore_mem>>) {add = true}
      %dma_wait3A_657 = arith.constant 0 : i32
      %dma_wait3A_658 = tpu.memref_slice %arg7[%run_scoped3A_282, %dma_wait3A_657] : memref<25x80xi32, #tpu.memory_space<vmem>> -> memref<1x80xi32, #tpu.memory_space<vmem>>
      %dma_wait3A_659 = tpu.memref_squeeze %dma_wait3A_658 : memref<1x80xi32, #tpu.memory_space<vmem>> -> memref<80xi32, #tpu.memory_space<vmem>>
      %dma_wait3A_660 = arith.constant 0 : i32
      %dma_wait3A_661 = arith.constant 0 : i32
      %dma_wait3A_662 = tpu.memref_slice %arg13[%dma_wait3A_660, %dma_wait3A_661] : memref<10240x128xf32, #tpu.memory_space<vmem_shared>> -> memref<10240x128xf32, #tpu.memory_space<vmem_shared>>
      tpu.wait_indirect_dma semaphore(%run_scoped3A_650 : memref<!tpu.dma_semaphore, #tpu.memory_space<semaphore_mem>>) src(%arg10 : memref<80x128xf32, #tpu.memory_space<vmem>>) dst(%dma_wait3A_662 : memref<10240x128xf32, #tpu.memory_space<vmem_shared>>)
      tpu.yield
    }) : () -> ()
    %dma_start3A_283 = arith.constant 2 : i32
    %dma_start3A_284 = arith.constant 0 : i32
    %dma_start3A_285 = tpu.memref_slice %arg8[%dma_start3A_283, %dma_start3A_284] : memref<25x80xi32, #tpu.memory_space<vmem>> -> memref<1x80xi32, #tpu.memory_space<vmem>>
    %dma_start3A_286 = tpu.memref_squeeze %dma_start3A_285 : memref<1x80xi32, #tpu.memory_space<vmem>> -> memref<80xi32, #tpu.memory_space<vmem>>
    %dma_start3A_287 = arith.constant 0 : i32
    %dma_start3A_288 = arith.constant 0 : i32
    %dma_start3A_289 = tpu.memref_slice %arg2[%dma_start3A_287, %dma_start3A_288] : memref<10000x128xf32, #tpu.memory_space<hbm>> -> memref<10000x128xf32, #tpu.memory_space<hbm>>
    tpu.enqueue_indirect_dma source(%dma_start3A_289 : memref<10000x128xf32, #tpu.memory_space<hbm>>) target(%arg10 : memref<80x128xf32, #tpu.memory_space<vmem>>) offsets(%dma_start3A_286 : memref<80xi32, #tpu.memory_space<vmem>>) semaphore(%arg14 : memref<!tpu.dma_semaphore, #tpu.memory_space<semaphore_mem>>)
    %dma_start3A_290 = arith.constant 2 : i32
    %dma_start3A_291 = arith.constant 0 : i32
    %dma_start3A_292 = arith.constant 0 : i32
    %dma_start3A_293 = tpu.memref_slice %arg3[%add3A, %dma_start3A_290, %dma_start3A_291, %dma_start3A_292] : memref<32x5x25x80xi32, #tpu.memory_space<hbm>> -> memref<1x1x25x80xi32, #tpu.memory_space<hbm>>
    %dma_start3A_294 = tpu.memref_squeeze %dma_start3A_293 : memref<1x1x25x80xi32, #tpu.memory_space<hbm>> -> memref<25x80xi32, #tpu.memory_space<hbm>>
    %dma_start3A_295 = arith.constant 0 : i32
    %dma_start3A_296 = arith.constant 0 : i32
    %dma_start3A_297 = tpu.memref_slice %arg3[%add3A, %dma_start3A_290, %dma_start3A_295, %dma_start3A_296] : memref<32x5x25x80xi32, #tpu.memory_space<hbm>> -> memref<1x1x25x80xi32, #tpu.memory_space<hbm>>
    %dma_start3A_298 = tpu.memref_squeeze %dma_start3A_297 : memref<1x1x25x80xi32, #tpu.memory_space<hbm>> -> memref<25x80xi32, #tpu.memory_space<hbm>>
    tpu.enqueue_dma source(%dma_start3A_298 : memref<25x80xi32, #tpu.memory_space<hbm>>) target(%arg6 : memref<25x80xi32, #tpu.memory_space<vmem>>) target_semaphore(%arg17 : memref<!tpu.dma_semaphore, #tpu.memory_space<semaphore_mem>>)
    %dma_start3A_299 = arith.constant 2 : i32
    %dma_start3A_300 = arith.constant 0 : i32
    %dma_start3A_301 = arith.constant 0 : i32
    %dma_start3A_302 = tpu.memref_slice %arg4[%add3A, %dma_start3A_299, %dma_start3A_300, %dma_start3A_301] : memref<32x5x25x80xi32, #tpu.memory_space<hbm>> -> memref<1x1x25x80xi32, #tpu.memory_space<hbm>>
    %dma_start3A_303 = tpu.memref_squeeze %dma_start3A_302 : memref<1x1x25x80xi32, #tpu.memory_space<hbm>> -> memref<25x80xi32, #tpu.memory_space<hbm>>
    %dma_start3A_304 = arith.constant 0 : i32
    %dma_start3A_305 = arith.constant 0 : i32
    %dma_start3A_306 = tpu.memref_slice %arg4[%add3A, %dma_start3A_299, %dma_start3A_304, %dma_start3A_305] : memref<32x5x25x80xi32, #tpu.memory_space<hbm>> -> memref<1x1x25x80xi32, #tpu.memory_space<hbm>>
    %dma_start3A_307 = tpu.memref_squeeze %dma_start3A_306 : memref<1x1x25x80xi32, #tpu.memory_space<hbm>> -> memref<25x80xi32, #tpu.memory_space<hbm>>
    tpu.enqueue_dma source(%dma_start3A_307 : memref<25x80xi32, #tpu.memory_space<hbm>>) target(%arg7 : memref<25x80xi32, #tpu.memory_space<vmem>>) target_semaphore(%arg17 : memref<!tpu.dma_semaphore, #tpu.memory_space<semaphore_mem>>)
    %scan3A_308 = arith.constant 0 : i32
    %scan3A_309 = arith.constant 0 : i32
    %scan3A_310 = arith.constant 7 : i32
    %scan3A_311 = arith.addi %scan3A_309, %scan3A_310 : i32
    %scan3A_312 = arith.constant 1 : i32
    scf.for %scan3A_650 = %scan3A_309 to %scan3A_311 step %scan3A_312  : i32 {
      %mul3A_651 = arith.constant 3 : i32
      %mul3A_652 = arith.muli %mul3A_651, %scan3A_650 : i32
      %add3A_653 = arith.constant 0 : i32
      %add3A_654 = arith.addi %mul3A_652, %add3A_653 : i32
      %add3A_655 = arith.constant 0 : i32
      %add3A_656 = arith.addi %mul3A_652, %add3A_655 : i32
      %add3A_657 = arith.constant 3 : i32
      %add3A_658 = arith.addi %add3A_656, %add3A_657 : i32
      %dma_wait3A_659 = arith.constant 0 : i32
      %dma_wait3A_660 = tpu.memref_slice %arg8[%add3A_654, %dma_wait3A_659] : memref<25x80xi32, #tpu.memory_space<vmem>> -> memref<1x80xi32, #tpu.memory_space<vmem>>
      %dma_wait3A_661 = tpu.memref_squeeze %dma_wait3A_660 : memref<1x80xi32, #tpu.memory_space<vmem>> -> memref<80xi32, #tpu.memory_space<vmem>>
      %dma_wait3A_662 = arith.constant 0 : i32
      %dma_wait3A_663 = arith.constant 0 : i32
      %dma_wait3A_664 = tpu.memref_slice %arg2[%dma_wait3A_662, %dma_wait3A_663] : memref<10000x128xf32, #tpu.memory_space<hbm>> -> memref<10000x128xf32, #tpu.memory_space<hbm>>
      tpu.wait_indirect_dma semaphore(%arg15 : memref<!tpu.dma_semaphore, #tpu.memory_space<semaphore_mem>>) src(%dma_wait3A_664 : memref<10000x128xf32, #tpu.memory_space<hbm>>) dst(%arg11 : memref<80x128xf32, #tpu.memory_space<vmem>>)
      "tpu.region"() ({
        %run_scoped3A_707 = tpu.sem_alloc : memref<!tpu.dma_semaphore, #tpu.memory_space<semaphore_mem>>
        %dma_start3A_708 = arith.constant 0 : i32
        %dma_start3A_709 = tpu.memref_slice %arg9[%add3A_654, %dma_start3A_708] : memref<25x80xi32, #tpu.memory_space<vmem>> -> memref<1x80xi32, #tpu.memory_space<vmem>>
        %dma_start3A_710 = tpu.memref_squeeze %dma_start3A_709 : memref<1x80xi32, #tpu.memory_space<vmem>> -> memref<80xi32, #tpu.memory_space<vmem>>
        %dma_start3A_711 = arith.constant 0 : i32
        %dma_start3A_712 = arith.constant 0 : i32
        %dma_start3A_713 = tpu.memref_slice %arg13[%dma_start3A_711, %dma_start3A_712] : memref<10240x128xf32, #tpu.memory_space<vmem_shared>> -> memref<10240x128xf32, #tpu.memory_space<vmem_shared>>
        tpu.enqueue_indirect_dma source(%arg11 : memref<80x128xf32, #tpu.memory_space<vmem>>) target(%dma_start3A_713 : memref<10240x128xf32, #tpu.memory_space<vmem_shared>>) offsets(%dma_start3A_710 : memref<80xi32, #tpu.memory_space<vmem>>) semaphore(%run_scoped3A_707 : memref<!tpu.dma_semaphore, #tpu.memory_space<semaphore_mem>>) {add = true}
        %dma_wait3A_714 = arith.constant 0 : i32
        %dma_wait3A_715 = tpu.memref_slice %arg9[%add3A_654, %dma_wait3A_714] : memref<25x80xi32, #tpu.memory_space<vmem>> -> memref<1x80xi32, #tpu.memory_space<vmem>>
        %dma_wait3A_716 = tpu.memref_squeeze %dma_wait3A_715 : memref<1x80xi32, #tpu.memory_space<vmem>> -> memref<80xi32, #tpu.memory_space<vmem>>
        %dma_wait3A_717 = arith.constant 0 : i32
        %dma_wait3A_718 = arith.constant 0 : i32
        %dma_wait3A_719 = tpu.memref_slice %arg13[%dma_wait3A_717, %dma_wait3A_718] : memref<10240x128xf32, #tpu.memory_space<vmem_shared>> -> memref<10240x128xf32, #tpu.memory_space<vmem_shared>>
        tpu.wait_indirect_dma semaphore(%run_scoped3A_707 : memref<!tpu.dma_semaphore, #tpu.memory_space<semaphore_mem>>) src(%arg11 : memref<80x128xf32, #tpu.memory_space<vmem>>) dst(%dma_wait3A_719 : memref<10240x128xf32, #tpu.memory_space<vmem_shared>>)
        tpu.yield
      }) : () -> ()
      %dma_start3A_665 = arith.constant 0 : i32
      %dma_start3A_666 = tpu.memref_slice %arg8[%add3A_658, %dma_start3A_665] : memref<25x80xi32, #tpu.memory_space<vmem>> -> memref<1x80xi32, #tpu.memory_space<vmem>>
      %dma_start3A_667 = tpu.memref_squeeze %dma_start3A_666 : memref<1x80xi32, #tpu.memory_space<vmem>> -> memref<80xi32, #tpu.memory_space<vmem>>
      %dma_start3A_668 = arith.constant 0 : i32
      %dma_start3A_669 = arith.constant 0 : i32
      %dma_start3A_670 = tpu.memref_slice %arg2[%dma_start3A_668, %dma_start3A_669] : memref<10000x128xf32, #tpu.memory_space<hbm>> -> memref<10000x128xf32, #tpu.memory_space<hbm>>
      tpu.enqueue_indirect_dma source(%dma_start3A_670 : memref<10000x128xf32, #tpu.memory_space<hbm>>) target(%arg11 : memref<80x128xf32, #tpu.memory_space<vmem>>) offsets(%dma_start3A_667 : memref<80xi32, #tpu.memory_space<vmem>>) semaphore(%arg15 : memref<!tpu.dma_semaphore, #tpu.memory_space<semaphore_mem>>)
      %add3A_671 = arith.constant 1 : i32
      %add3A_672 = arith.addi %mul3A_652, %add3A_671 : i32
      %add3A_673 = arith.constant 1 : i32
      %add3A_674 = arith.addi %mul3A_652, %add3A_673 : i32
      %add3A_675 = arith.constant 3 : i32
      %add3A_676 = arith.addi %add3A_674, %add3A_675 : i32
      %dma_wait3A_677 = arith.constant 0 : i32
      %dma_wait3A_678 = tpu.memref_slice %arg8[%add3A_672, %dma_wait3A_677] : memref<25x80xi32, #tpu.memory_space<vmem>> -> memref<1x80xi32, #tpu.memory_space<vmem>>
      %dma_wait3A_679 = tpu.memref_squeeze %dma_wait3A_678 : memref<1x80xi32, #tpu.memory_space<vmem>> -> memref<80xi32, #tpu.memory_space<vmem>>
      %dma_wait3A_680 = arith.constant 0 : i32
      %dma_wait3A_681 = arith.constant 0 : i32
      %dma_wait3A_682 = tpu.memref_slice %arg2[%dma_wait3A_680, %dma_wait3A_681] : memref<10000x128xf32, #tpu.memory_space<hbm>> -> memref<10000x128xf32, #tpu.memory_space<hbm>>
      tpu.wait_indirect_dma semaphore(%arg16 : memref<!tpu.dma_semaphore, #tpu.memory_space<semaphore_mem>>) src(%dma_wait3A_682 : memref<10000x128xf32, #tpu.memory_space<hbm>>) dst(%arg12 : memref<80x128xf32, #tpu.memory_space<vmem>>)
      "tpu.region"() ({
        %run_scoped3A_707 = tpu.sem_alloc : memref<!tpu.dma_semaphore, #tpu.memory_space<semaphore_mem>>
        %dma_start3A_708 = arith.constant 0 : i32
        %dma_start3A_709 = tpu.memref_slice %arg9[%add3A_672, %dma_start3A_708] : memref<25x80xi32, #tpu.memory_space<vmem>> -> memref<1x80xi32, #tpu.memory_space<vmem>>
        %dma_start3A_710 = tpu.memref_squeeze %dma_start3A_709 : memref<1x80xi32, #tpu.memory_space<vmem>> -> memref<80xi32, #tpu.memory_space<vmem>>
        %dma_start3A_711 = arith.constant 0 : i32
        %dma_start3A_712 = arith.constant 0 : i32
        %dma_start3A_713 = tpu.memref_slice %arg13[%dma_start3A_711, %dma_start3A_712] : memref<10240x128xf32, #tpu.memory_space<vmem_shared>> -> memref<10240x128xf32, #tpu.memory_space<vmem_shared>>
        tpu.enqueue_indirect_dma source(%arg12 : memref<80x128xf32, #tpu.memory_space<vmem>>) target(%dma_start3A_713 : memref<10240x128xf32, #tpu.memory_space<vmem_shared>>) offsets(%dma_start3A_710 : memref<80xi32, #tpu.memory_space<vmem>>) semaphore(%run_scoped3A_707 : memref<!tpu.dma_semaphore, #tpu.memory_space<semaphore_mem>>) {add = true}
        %dma_wait3A_714 = arith.constant 0 : i32
        %dma_wait3A_715 = tpu.memref_slice %arg9[%add3A_672, %dma_wait3A_714] : memref<25x80xi32, #tpu.memory_space<vmem>> -> memref<1x80xi32, #tpu.memory_space<vmem>>
        %dma_wait3A_716 = tpu.memref_squeeze %dma_wait3A_715 : memref<1x80xi32, #tpu.memory_space<vmem>> -> memref<80xi32, #tpu.memory_space<vmem>>
        %dma_wait3A_717 = arith.constant 0 : i32
        %dma_wait3A_718 = arith.constant 0 : i32
        %dma_wait3A_719 = tpu.memref_slice %arg13[%dma_wait3A_717, %dma_wait3A_718] : memref<10240x128xf32, #tpu.memory_space<vmem_shared>> -> memref<10240x128xf32, #tpu.memory_space<vmem_shared>>
        tpu.wait_indirect_dma semaphore(%run_scoped3A_707 : memref<!tpu.dma_semaphore, #tpu.memory_space<semaphore_mem>>) src(%arg12 : memref<80x128xf32, #tpu.memory_space<vmem>>) dst(%dma_wait3A_719 : memref<10240x128xf32, #tpu.memory_space<vmem_shared>>)
        tpu.yield
      }) : () -> ()
      %dma_start3A_683 = arith.constant 0 : i32
      %dma_start3A_684 = tpu.memref_slice %arg8[%add3A_676, %dma_start3A_683] : memref<25x80xi32, #tpu.memory_space<vmem>> -> memref<1x80xi32, #tpu.memory_space<vmem>>
      %dma_start3A_685 = tpu.memref_squeeze %dma_start3A_684 : memref<1x80xi32, #tpu.memory_space<vmem>> -> memref<80xi32, #tpu.memory_space<vmem>>
      %dma_start3A_686 = arith.constant 0 : i32
      %dma_start3A_687 = arith.constant 0 : i32
      %dma_start3A_688 = tpu.memref_slice %arg2[%dma_start3A_686, %dma_start3A_687] : memref<10000x128xf32, #tpu.memory_space<hbm>> -> memref<10000x128xf32, #tpu.memory_space<hbm>>
      tpu.enqueue_indirect_dma source(%dma_start3A_688 : memref<10000x128xf32, #tpu.memory_space<hbm>>) target(%arg12 : memref<80x128xf32, #tpu.memory_space<vmem>>) offsets(%dma_start3A_685 : memref<80xi32, #tpu.memory_space<vmem>>) semaphore(%arg16 : memref<!tpu.dma_semaphore, #tpu.memory_space<semaphore_mem>>)
      %add3A_689 = arith.constant 2 : i32
      %add3A_690 = arith.addi %mul3A_652, %add3A_689 : i32
      %add3A_691 = arith.constant 2 : i32
      %add3A_692 = arith.addi %mul3A_652, %add3A_691 : i32
      %add3A_693 = arith.constant 3 : i32
      %add3A_694 = arith.addi %add3A_692, %add3A_693 : i32
      %dma_wait3A_695 = arith.constant 0 : i32
      %dma_wait3A_696 = tpu.memref_slice %arg8[%add3A_690, %dma_wait3A_695] : memref<25x80xi32, #tpu.memory_space<vmem>> -> memref<1x80xi32, #tpu.memory_space<vmem>>
      %dma_wait3A_697 = tpu.memref_squeeze %dma_wait3A_696 : memref<1x80xi32, #tpu.memory_space<vmem>> -> memref<80xi32, #tpu.memory_space<vmem>>
      %dma_wait3A_698 = arith.constant 0 : i32
      %dma_wait3A_699 = arith.constant 0 : i32
      %dma_wait3A_700 = tpu.memref_slice %arg2[%dma_wait3A_698, %dma_wait3A_699] : memref<10000x128xf32, #tpu.memory_space<hbm>> -> memref<10000x128xf32, #tpu.memory_space<hbm>>
      tpu.wait_indirect_dma semaphore(%arg14 : memref<!tpu.dma_semaphore, #tpu.memory_space<semaphore_mem>>) src(%dma_wait3A_700 : memref<10000x128xf32, #tpu.memory_space<hbm>>) dst(%arg10 : memref<80x128xf32, #tpu.memory_space<vmem>>)
      "tpu.region"() ({
        %run_scoped3A_707 = tpu.sem_alloc : memref<!tpu.dma_semaphore, #tpu.memory_space<semaphore_mem>>
        %dma_start3A_708 = arith.constant 0 : i32
        %dma_start3A_709 = tpu.memref_slice %arg9[%add3A_690, %dma_start3A_708] : memref<25x80xi32, #tpu.memory_space<vmem>> -> memref<1x80xi32, #tpu.memory_space<vmem>>
        %dma_start3A_710 = tpu.memref_squeeze %dma_start3A_709 : memref<1x80xi32, #tpu.memory_space<vmem>> -> memref<80xi32, #tpu.memory_space<vmem>>
        %dma_start3A_711 = arith.constant 0 : i32
        %dma_start3A_712 = arith.constant 0 : i32
        %dma_start3A_713 = tpu.memref_slice %arg13[%dma_start3A_711, %dma_start3A_712] : memref<10240x128xf32, #tpu.memory_space<vmem_shared>> -> memref<10240x128xf32, #tpu.memory_space<vmem_shared>>
        tpu.enqueue_indirect_dma source(%arg10 : memref<80x128xf32, #tpu.memory_space<vmem>>) target(%dma_start3A_713 : memref<10240x128xf32, #tpu.memory_space<vmem_shared>>) offsets(%dma_start3A_710 : memref<80xi32, #tpu.memory_space<vmem>>) semaphore(%run_scoped3A_707 : memref<!tpu.dma_semaphore, #tpu.memory_space<semaphore_mem>>) {add = true}
        %dma_wait3A_714 = arith.constant 0 : i32
        %dma_wait3A_715 = tpu.memref_slice %arg9[%add3A_690, %dma_wait3A_714] : memref<25x80xi32, #tpu.memory_space<vmem>> -> memref<1x80xi32, #tpu.memory_space<vmem>>
        %dma_wait3A_716 = tpu.memref_squeeze %dma_wait3A_715 : memref<1x80xi32, #tpu.memory_space<vmem>> -> memref<80xi32, #tpu.memory_space<vmem>>
        %dma_wait3A_717 = arith.constant 0 : i32
        %dma_wait3A_718 = arith.constant 0 : i32
        %dma_wait3A_719 = tpu.memref_slice %arg13[%dma_wait3A_717, %dma_wait3A_718] : memref<10240x128xf32, #tpu.memory_space<vmem_shared>> -> memref<10240x128xf32, #tpu.memory_space<vmem_shared>>
        tpu.wait_indirect_dma semaphore(%run_scoped3A_707 : memref<!tpu.dma_semaphore, #tpu.memory_space<semaphore_mem>>) src(%arg10 : memref<80x128xf32, #tpu.memory_space<vmem>>) dst(%dma_wait3A_719 : memref<10240x128xf32, #tpu.memory_space<vmem_shared>>)
        tpu.yield
      }) : () -> ()
      %dma_start3A_701 = arith.constant 0 : i32
      %dma_start3A_702 = tpu.memref_slice %arg8[%add3A_694, %dma_start3A_701] : memref<25x80xi32, #tpu.memory_space<vmem>> -> memref<1x80xi32, #tpu.memory_space<vmem>>
      %dma_start3A_703 = tpu.memref_squeeze %dma_start3A_702 : memref<1x80xi32, #tpu.memory_space<vmem>> -> memref<80xi32, #tpu.memory_space<vmem>>
      %dma_start3A_704 = arith.constant 0 : i32
      %dma_start3A_705 = arith.constant 0 : i32
      %dma_start3A_706 = tpu.memref_slice %arg2[%dma_start3A_704, %dma_start3A_705] : memref<10000x128xf32, #tpu.memory_space<hbm>> -> memref<10000x128xf32, #tpu.memory_space<hbm>>
      tpu.enqueue_indirect_dma source(%dma_start3A_706 : memref<10000x128xf32, #tpu.memory_space<hbm>>) target(%arg10 : memref<80x128xf32, #tpu.memory_space<vmem>>) offsets(%dma_start3A_703 : memref<80xi32, #tpu.memory_space<vmem>>) semaphore(%arg14 : memref<!tpu.dma_semaphore, #tpu.memory_space<semaphore_mem>>)
    }
    %scan3A_313 = arith.constant 7 : i32
    %dma_wait3A_314 = arith.constant 21 : i32
    %dma_wait3A_315 = arith.constant 0 : i32
    %dma_wait3A_316 = tpu.memref_slice %arg8[%dma_wait3A_314, %dma_wait3A_315] : memref<25x80xi32, #tpu.memory_space<vmem>> -> memref<1x80xi32, #tpu.memory_space<vmem>>
    %dma_wait3A_317 = tpu.memref_squeeze %dma_wait3A_316 : memref<1x80xi32, #tpu.memory_space<vmem>> -> memref<80xi32, #tpu.memory_space<vmem>>
    %dma_wait3A_318 = arith.constant 0 : i32
    %dma_wait3A_319 = arith.constant 0 : i32
    %dma_wait3A_320 = tpu.memref_slice %arg2[%dma_wait3A_318, %dma_wait3A_319] : memref<10000x128xf32, #tpu.memory_space<hbm>> -> memref<10000x128xf32, #tpu.memory_space<hbm>>
    tpu.wait_indirect_dma semaphore(%arg15 : memref<!tpu.dma_semaphore, #tpu.memory_space<semaphore_mem>>) src(%dma_wait3A_320 : memref<10000x128xf32, #tpu.memory_space<hbm>>) dst(%arg11 : memref<80x128xf32, #tpu.memory_space<vmem>>)
    %run_scoped3A_321 = arith.constant 21 : i32
    "tpu.region"() ({
      %run_scoped3A_650 = tpu.sem_alloc : memref<!tpu.dma_semaphore, #tpu.memory_space<semaphore_mem>>
      %dma_start3A_651 = arith.constant 0 : i32
      %dma_start3A_652 = tpu.memref_slice %arg9[%run_scoped3A_321, %dma_start3A_651] : memref<25x80xi32, #tpu.memory_space<vmem>> -> memref<1x80xi32, #tpu.memory_space<vmem>>
      %dma_start3A_653 = tpu.memref_squeeze %dma_start3A_652 : memref<1x80xi32, #tpu.memory_space<vmem>> -> memref<80xi32, #tpu.memory_space<vmem>>
      %dma_start3A_654 = arith.constant 0 : i32
      %dma_start3A_655 = arith.constant 0 : i32
      %dma_start3A_656 = tpu.memref_slice %arg13[%dma_start3A_654, %dma_start3A_655] : memref<10240x128xf32, #tpu.memory_space<vmem_shared>> -> memref<10240x128xf32, #tpu.memory_space<vmem_shared>>
      tpu.enqueue_indirect_dma source(%arg11 : memref<80x128xf32, #tpu.memory_space<vmem>>) target(%dma_start3A_656 : memref<10240x128xf32, #tpu.memory_space<vmem_shared>>) offsets(%dma_start3A_653 : memref<80xi32, #tpu.memory_space<vmem>>) semaphore(%run_scoped3A_650 : memref<!tpu.dma_semaphore, #tpu.memory_space<semaphore_mem>>) {add = true}
      %dma_wait3A_657 = arith.constant 0 : i32
      %dma_wait3A_658 = tpu.memref_slice %arg9[%run_scoped3A_321, %dma_wait3A_657] : memref<25x80xi32, #tpu.memory_space<vmem>> -> memref<1x80xi32, #tpu.memory_space<vmem>>
      %dma_wait3A_659 = tpu.memref_squeeze %dma_wait3A_658 : memref<1x80xi32, #tpu.memory_space<vmem>> -> memref<80xi32, #tpu.memory_space<vmem>>
      %dma_wait3A_660 = arith.constant 0 : i32
      %dma_wait3A_661 = arith.constant 0 : i32
      %dma_wait3A_662 = tpu.memref_slice %arg13[%dma_wait3A_660, %dma_wait3A_661] : memref<10240x128xf32, #tpu.memory_space<vmem_shared>> -> memref<10240x128xf32, #tpu.memory_space<vmem_shared>>
      tpu.wait_indirect_dma semaphore(%run_scoped3A_650 : memref<!tpu.dma_semaphore, #tpu.memory_space<semaphore_mem>>) src(%arg11 : memref<80x128xf32, #tpu.memory_space<vmem>>) dst(%dma_wait3A_662 : memref<10240x128xf32, #tpu.memory_space<vmem_shared>>)
      tpu.yield
    }) : () -> ()
    %dma_start3A_322 = arith.constant 24 : i32
    %dma_start3A_323 = arith.constant 0 : i32
    %dma_start3A_324 = tpu.memref_slice %arg8[%dma_start3A_322, %dma_start3A_323] : memref<25x80xi32, #tpu.memory_space<vmem>> -> memref<1x80xi32, #tpu.memory_space<vmem>>
    %dma_start3A_325 = tpu.memref_squeeze %dma_start3A_324 : memref<1x80xi32, #tpu.memory_space<vmem>> -> memref<80xi32, #tpu.memory_space<vmem>>
    %dma_start3A_326 = arith.constant 0 : i32
    %dma_start3A_327 = arith.constant 0 : i32
    %dma_start3A_328 = tpu.memref_slice %arg2[%dma_start3A_326, %dma_start3A_327] : memref<10000x128xf32, #tpu.memory_space<hbm>> -> memref<10000x128xf32, #tpu.memory_space<hbm>>
    tpu.enqueue_indirect_dma source(%dma_start3A_328 : memref<10000x128xf32, #tpu.memory_space<hbm>>) target(%arg11 : memref<80x128xf32, #tpu.memory_space<vmem>>) offsets(%dma_start3A_325 : memref<80xi32, #tpu.memory_space<vmem>>) semaphore(%arg15 : memref<!tpu.dma_semaphore, #tpu.memory_space<semaphore_mem>>)
    %dma_wait3A_329 = arith.constant 2 : i32
    %dma_wait3A_330 = arith.constant 0 : i32
    %dma_wait3A_331 = arith.constant 0 : i32
    %dma_wait3A_332 = tpu.memref_slice %arg3[%add3A, %dma_wait3A_329, %dma_wait3A_330, %dma_wait3A_331] : memref<32x5x25x80xi32, #tpu.memory_space<hbm>> -> memref<1x1x25x80xi32, #tpu.memory_space<hbm>>
    %dma_wait3A_333 = tpu.memref_squeeze %dma_wait3A_332 : memref<1x1x25x80xi32, #tpu.memory_space<hbm>> -> memref<25x80xi32, #tpu.memory_space<hbm>>
    %dma_wait3A_334 = arith.constant 0 : i32
    %dma_wait3A_335 = arith.constant 0 : i32
    %dma_wait3A_336 = tpu.memref_slice %arg3[%add3A, %dma_wait3A_329, %dma_wait3A_334, %dma_wait3A_335] : memref<32x5x25x80xi32, #tpu.memory_space<hbm>> -> memref<1x1x25x80xi32, #tpu.memory_space<hbm>>
    %dma_wait3A_337 = tpu.memref_squeeze %dma_wait3A_336 : memref<1x1x25x80xi32, #tpu.memory_space<hbm>> -> memref<25x80xi32, #tpu.memory_space<hbm>>
    tpu.wait_dma2 semaphore(%arg17 : memref<!tpu.dma_semaphore, #tpu.memory_space<semaphore_mem>>) src(%dma_wait3A_337 : memref<25x80xi32, #tpu.memory_space<hbm>>) dst(%arg6 : memref<25x80xi32, #tpu.memory_space<vmem>>)
    %dma_wait3A_338 = arith.constant 2 : i32
    %dma_wait3A_339 = arith.constant 0 : i32
    %dma_wait3A_340 = arith.constant 0 : i32
    %dma_wait3A_341 = tpu.memref_slice %arg4[%add3A, %dma_wait3A_338, %dma_wait3A_339, %dma_wait3A_340] : memref<32x5x25x80xi32, #tpu.memory_space<hbm>> -> memref<1x1x25x80xi32, #tpu.memory_space<hbm>>
    %dma_wait3A_342 = tpu.memref_squeeze %dma_wait3A_341 : memref<1x1x25x80xi32, #tpu.memory_space<hbm>> -> memref<25x80xi32, #tpu.memory_space<hbm>>
    %dma_wait3A_343 = arith.constant 0 : i32
    %dma_wait3A_344 = arith.constant 0 : i32
    %dma_wait3A_345 = tpu.memref_slice %arg4[%add3A, %dma_wait3A_338, %dma_wait3A_343, %dma_wait3A_344] : memref<32x5x25x80xi32, #tpu.memory_space<hbm>> -> memref<1x1x25x80xi32, #tpu.memory_space<hbm>>
    %dma_wait3A_346 = tpu.memref_squeeze %dma_wait3A_345 : memref<1x1x25x80xi32, #tpu.memory_space<hbm>> -> memref<25x80xi32, #tpu.memory_space<hbm>>
    tpu.wait_dma2 semaphore(%arg17 : memref<!tpu.dma_semaphore, #tpu.memory_space<semaphore_mem>>) src(%dma_wait3A_346 : memref<25x80xi32, #tpu.memory_space<hbm>>) dst(%arg7 : memref<25x80xi32, #tpu.memory_space<vmem>>)
    %dma_wait3A_347 = arith.constant 22 : i32
    %dma_wait3A_348 = arith.constant 0 : i32
    %dma_wait3A_349 = tpu.memref_slice %arg8[%dma_wait3A_347, %dma_wait3A_348] : memref<25x80xi32, #tpu.memory_space<vmem>> -> memref<1x80xi32, #tpu.memory_space<vmem>>
    %dma_wait3A_350 = tpu.memref_squeeze %dma_wait3A_349 : memref<1x80xi32, #tpu.memory_space<vmem>> -> memref<80xi32, #tpu.memory_space<vmem>>
    %dma_wait3A_351 = arith.constant 0 : i32
    %dma_wait3A_352 = arith.constant 0 : i32
    %dma_wait3A_353 = tpu.memref_slice %arg2[%dma_wait3A_351, %dma_wait3A_352] : memref<10000x128xf32, #tpu.memory_space<hbm>> -> memref<10000x128xf32, #tpu.memory_space<hbm>>
    tpu.wait_indirect_dma semaphore(%arg16 : memref<!tpu.dma_semaphore, #tpu.memory_space<semaphore_mem>>) src(%dma_wait3A_353 : memref<10000x128xf32, #tpu.memory_space<hbm>>) dst(%arg12 : memref<80x128xf32, #tpu.memory_space<vmem>>)
    %run_scoped3A_354 = arith.constant 22 : i32
    "tpu.region"() ({
      %run_scoped3A_650 = tpu.sem_alloc : memref<!tpu.dma_semaphore, #tpu.memory_space<semaphore_mem>>
      %dma_start3A_651 = arith.constant 0 : i32
      %dma_start3A_652 = tpu.memref_slice %arg9[%run_scoped3A_354, %dma_start3A_651] : memref<25x80xi32, #tpu.memory_space<vmem>> -> memref<1x80xi32, #tpu.memory_space<vmem>>
      %dma_start3A_653 = tpu.memref_squeeze %dma_start3A_652 : memref<1x80xi32, #tpu.memory_space<vmem>> -> memref<80xi32, #tpu.memory_space<vmem>>
      %dma_start3A_654 = arith.constant 0 : i32
      %dma_start3A_655 = arith.constant 0 : i32
      %dma_start3A_656 = tpu.memref_slice %arg13[%dma_start3A_654, %dma_start3A_655] : memref<10240x128xf32, #tpu.memory_space<vmem_shared>> -> memref<10240x128xf32, #tpu.memory_space<vmem_shared>>
      tpu.enqueue_indirect_dma source(%arg12 : memref<80x128xf32, #tpu.memory_space<vmem>>) target(%dma_start3A_656 : memref<10240x128xf32, #tpu.memory_space<vmem_shared>>) offsets(%dma_start3A_653 : memref<80xi32, #tpu.memory_space<vmem>>) semaphore(%run_scoped3A_650 : memref<!tpu.dma_semaphore, #tpu.memory_space<semaphore_mem>>) {add = true}
      %dma_wait3A_657 = arith.constant 0 : i32
      %dma_wait3A_658 = tpu.memref_slice %arg9[%run_scoped3A_354, %dma_wait3A_657] : memref<25x80xi32, #tpu.memory_space<vmem>> -> memref<1x80xi32, #tpu.memory_space<vmem>>
      %dma_wait3A_659 = tpu.memref_squeeze %dma_wait3A_658 : memref<1x80xi32, #tpu.memory_space<vmem>> -> memref<80xi32, #tpu.memory_space<vmem>>
      %dma_wait3A_660 = arith.constant 0 : i32
      %dma_wait3A_661 = arith.constant 0 : i32
      %dma_wait3A_662 = tpu.memref_slice %arg13[%dma_wait3A_660, %dma_wait3A_661] : memref<10240x128xf32, #tpu.memory_space<vmem_shared>> -> memref<10240x128xf32, #tpu.memory_space<vmem_shared>>
      tpu.wait_indirect_dma semaphore(%run_scoped3A_650 : memref<!tpu.dma_semaphore, #tpu.memory_space<semaphore_mem>>) src(%arg12 : memref<80x128xf32, #tpu.memory_space<vmem>>) dst(%dma_wait3A_662 : memref<10240x128xf32, #tpu.memory_space<vmem_shared>>)
      tpu.yield
    }) : () -> ()
    %dma_start3A_355 = arith.constant 0 : i32
    %dma_start3A_356 = arith.constant 0 : i32
    %dma_start3A_357 = tpu.memref_slice %arg6[%dma_start3A_355, %dma_start3A_356] : memref<25x80xi32, #tpu.memory_space<vmem>> -> memref<1x80xi32, #tpu.memory_space<vmem>>
    %dma_start3A_358 = tpu.memref_squeeze %dma_start3A_357 : memref<1x80xi32, #tpu.memory_space<vmem>> -> memref<80xi32, #tpu.memory_space<vmem>>
    %dma_start3A_359 = arith.constant 0 : i32
    %dma_start3A_360 = arith.constant 0 : i32
    %dma_start3A_361 = tpu.memref_slice %arg2[%dma_start3A_359, %dma_start3A_360] : memref<10000x128xf32, #tpu.memory_space<hbm>> -> memref<10000x128xf32, #tpu.memory_space<hbm>>
    tpu.enqueue_indirect_dma source(%dma_start3A_361 : memref<10000x128xf32, #tpu.memory_space<hbm>>) target(%arg12 : memref<80x128xf32, #tpu.memory_space<vmem>>) offsets(%dma_start3A_358 : memref<80xi32, #tpu.memory_space<vmem>>) semaphore(%arg16 : memref<!tpu.dma_semaphore, #tpu.memory_space<semaphore_mem>>)
    %dma_wait3A_362 = arith.constant 23 : i32
    %dma_wait3A_363 = arith.constant 0 : i32
    %dma_wait3A_364 = tpu.memref_slice %arg8[%dma_wait3A_362, %dma_wait3A_363] : memref<25x80xi32, #tpu.memory_space<vmem>> -> memref<1x80xi32, #tpu.memory_space<vmem>>
    %dma_wait3A_365 = tpu.memref_squeeze %dma_wait3A_364 : memref<1x80xi32, #tpu.memory_space<vmem>> -> memref<80xi32, #tpu.memory_space<vmem>>
    %dma_wait3A_366 = arith.constant 0 : i32
    %dma_wait3A_367 = arith.constant 0 : i32
    %dma_wait3A_368 = tpu.memref_slice %arg2[%dma_wait3A_366, %dma_wait3A_367] : memref<10000x128xf32, #tpu.memory_space<hbm>> -> memref<10000x128xf32, #tpu.memory_space<hbm>>
    tpu.wait_indirect_dma semaphore(%arg14 : memref<!tpu.dma_semaphore, #tpu.memory_space<semaphore_mem>>) src(%dma_wait3A_368 : memref<10000x128xf32, #tpu.memory_space<hbm>>) dst(%arg10 : memref<80x128xf32, #tpu.memory_space<vmem>>)
    %run_scoped3A_369 = arith.constant 23 : i32
    "tpu.region"() ({
      %run_scoped3A_650 = tpu.sem_alloc : memref<!tpu.dma_semaphore, #tpu.memory_space<semaphore_mem>>
      %dma_start3A_651 = arith.constant 0 : i32
      %dma_start3A_652 = tpu.memref_slice %arg9[%run_scoped3A_369, %dma_start3A_651] : memref<25x80xi32, #tpu.memory_space<vmem>> -> memref<1x80xi32, #tpu.memory_space<vmem>>
      %dma_start3A_653 = tpu.memref_squeeze %dma_start3A_652 : memref<1x80xi32, #tpu.memory_space<vmem>> -> memref<80xi32, #tpu.memory_space<vmem>>
      %dma_start3A_654 = arith.constant 0 : i32
      %dma_start3A_655 = arith.constant 0 : i32
      %dma_start3A_656 = tpu.memref_slice %arg13[%dma_start3A_654, %dma_start3A_655] : memref<10240x128xf32, #tpu.memory_space<vmem_shared>> -> memref<10240x128xf32, #tpu.memory_space<vmem_shared>>
      tpu.enqueue_indirect_dma source(%arg10 : memref<80x128xf32, #tpu.memory_space<vmem>>) target(%dma_start3A_656 : memref<10240x128xf32, #tpu.memory_space<vmem_shared>>) offsets(%dma_start3A_653 : memref<80xi32, #tpu.memory_space<vmem>>) semaphore(%run_scoped3A_650 : memref<!tpu.dma_semaphore, #tpu.memory_space<semaphore_mem>>) {add = true}
      %dma_wait3A_657 = arith.constant 0 : i32
      %dma_wait3A_658 = tpu.memref_slice %arg9[%run_scoped3A_369, %dma_wait3A_657] : memref<25x80xi32, #tpu.memory_space<vmem>> -> memref<1x80xi32, #tpu.memory_space<vmem>>
      %dma_wait3A_659 = tpu.memref_squeeze %dma_wait3A_658 : memref<1x80xi32, #tpu.memory_space<vmem>> -> memref<80xi32, #tpu.memory_space<vmem>>
      %dma_wait3A_660 = arith.constant 0 : i32
      %dma_wait3A_661 = arith.constant 0 : i32
      %dma_wait3A_662 = tpu.memref_slice %arg13[%dma_wait3A_660, %dma_wait3A_661] : memref<10240x128xf32, #tpu.memory_space<vmem_shared>> -> memref<10240x128xf32, #tpu.memory_space<vmem_shared>>
      tpu.wait_indirect_dma semaphore(%run_scoped3A_650 : memref<!tpu.dma_semaphore, #tpu.memory_space<semaphore_mem>>) src(%arg10 : memref<80x128xf32, #tpu.memory_space<vmem>>) dst(%dma_wait3A_662 : memref<10240x128xf32, #tpu.memory_space<vmem_shared>>)
      tpu.yield
    }) : () -> ()
    %dma_start3A_370 = arith.constant 1 : i32
    %dma_start3A_371 = arith.constant 0 : i32
    %dma_start3A_372 = tpu.memref_slice %arg6[%dma_start3A_370, %dma_start3A_371] : memref<25x80xi32, #tpu.memory_space<vmem>> -> memref<1x80xi32, #tpu.memory_space<vmem>>
    %dma_start3A_373 = tpu.memref_squeeze %dma_start3A_372 : memref<1x80xi32, #tpu.memory_space<vmem>> -> memref<80xi32, #tpu.memory_space<vmem>>
    %dma_start3A_374 = arith.constant 0 : i32
    %dma_start3A_375 = arith.constant 0 : i32
    %dma_start3A_376 = tpu.memref_slice %arg2[%dma_start3A_374, %dma_start3A_375] : memref<10000x128xf32, #tpu.memory_space<hbm>> -> memref<10000x128xf32, #tpu.memory_space<hbm>>
    tpu.enqueue_indirect_dma source(%dma_start3A_376 : memref<10000x128xf32, #tpu.memory_space<hbm>>) target(%arg10 : memref<80x128xf32, #tpu.memory_space<vmem>>) offsets(%dma_start3A_373 : memref<80xi32, #tpu.memory_space<vmem>>) semaphore(%arg14 : memref<!tpu.dma_semaphore, #tpu.memory_space<semaphore_mem>>)
    %dma_wait3A_377 = arith.constant 24 : i32
    %dma_wait3A_378 = arith.constant 0 : i32
    %dma_wait3A_379 = tpu.memref_slice %arg8[%dma_wait3A_377, %dma_wait3A_378] : memref<25x80xi32, #tpu.memory_space<vmem>> -> memref<1x80xi32, #tpu.memory_space<vmem>>
    %dma_wait3A_380 = tpu.memref_squeeze %dma_wait3A_379 : memref<1x80xi32, #tpu.memory_space<vmem>> -> memref<80xi32, #tpu.memory_space<vmem>>
    %dma_wait3A_381 = arith.constant 0 : i32
    %dma_wait3A_382 = arith.constant 0 : i32
    %dma_wait3A_383 = tpu.memref_slice %arg2[%dma_wait3A_381, %dma_wait3A_382] : memref<10000x128xf32, #tpu.memory_space<hbm>> -> memref<10000x128xf32, #tpu.memory_space<hbm>>
    tpu.wait_indirect_dma semaphore(%arg15 : memref<!tpu.dma_semaphore, #tpu.memory_space<semaphore_mem>>) src(%dma_wait3A_383 : memref<10000x128xf32, #tpu.memory_space<hbm>>) dst(%arg11 : memref<80x128xf32, #tpu.memory_space<vmem>>)
    %run_scoped3A_384 = arith.constant 24 : i32
    "tpu.region"() ({
      %run_scoped3A_650 = tpu.sem_alloc : memref<!tpu.dma_semaphore, #tpu.memory_space<semaphore_mem>>
      %dma_start3A_651 = arith.constant 0 : i32
      %dma_start3A_652 = tpu.memref_slice %arg9[%run_scoped3A_384, %dma_start3A_651] : memref<25x80xi32, #tpu.memory_space<vmem>> -> memref<1x80xi32, #tpu.memory_space<vmem>>
      %dma_start3A_653 = tpu.memref_squeeze %dma_start3A_652 : memref<1x80xi32, #tpu.memory_space<vmem>> -> memref<80xi32, #tpu.memory_space<vmem>>
      %dma_start3A_654 = arith.constant 0 : i32
      %dma_start3A_655 = arith.constant 0 : i32
      %dma_start3A_656 = tpu.memref_slice %arg13[%dma_start3A_654, %dma_start3A_655] : memref<10240x128xf32, #tpu.memory_space<vmem_shared>> -> memref<10240x128xf32, #tpu.memory_space<vmem_shared>>
      tpu.enqueue_indirect_dma source(%arg11 : memref<80x128xf32, #tpu.memory_space<vmem>>) target(%dma_start3A_656 : memref<10240x128xf32, #tpu.memory_space<vmem_shared>>) offsets(%dma_start3A_653 : memref<80xi32, #tpu.memory_space<vmem>>) semaphore(%run_scoped3A_650 : memref<!tpu.dma_semaphore, #tpu.memory_space<semaphore_mem>>) {add = true}
      %dma_wait3A_657 = arith.constant 0 : i32
      %dma_wait3A_658 = tpu.memref_slice %arg9[%run_scoped3A_384, %dma_wait3A_657] : memref<25x80xi32, #tpu.memory_space<vmem>> -> memref<1x80xi32, #tpu.memory_space<vmem>>
      %dma_wait3A_659 = tpu.memref_squeeze %dma_wait3A_658 : memref<1x80xi32, #tpu.memory_space<vmem>> -> memref<80xi32, #tpu.memory_space<vmem>>
      %dma_wait3A_660 = arith.constant 0 : i32
      %dma_wait3A_661 = arith.constant 0 : i32
      %dma_wait3A_662 = tpu.memref_slice %arg13[%dma_wait3A_660, %dma_wait3A_661] : memref<10240x128xf32, #tpu.memory_space<vmem_shared>> -> memref<10240x128xf32, #tpu.memory_space<vmem_shared>>
      tpu.wait_indirect_dma semaphore(%run_scoped3A_650 : memref<!tpu.dma_semaphore, #tpu.memory_space<semaphore_mem>>) src(%arg11 : memref<80x128xf32, #tpu.memory_space<vmem>>) dst(%dma_wait3A_662 : memref<10240x128xf32, #tpu.memory_space<vmem_shared>>)
      tpu.yield
    }) : () -> ()
    %dma_start3A_385 = arith.constant 2 : i32
    %dma_start3A_386 = arith.constant 0 : i32
    %dma_start3A_387 = tpu.memref_slice %arg6[%dma_start3A_385, %dma_start3A_386] : memref<25x80xi32, #tpu.memory_space<vmem>> -> memref<1x80xi32, #tpu.memory_space<vmem>>
    %dma_start3A_388 = tpu.memref_squeeze %dma_start3A_387 : memref<1x80xi32, #tpu.memory_space<vmem>> -> memref<80xi32, #tpu.memory_space<vmem>>
    %dma_start3A_389 = arith.constant 0 : i32
    %dma_start3A_390 = arith.constant 0 : i32
    %dma_start3A_391 = tpu.memref_slice %arg2[%dma_start3A_389, %dma_start3A_390] : memref<10000x128xf32, #tpu.memory_space<hbm>> -> memref<10000x128xf32, #tpu.memory_space<hbm>>
    tpu.enqueue_indirect_dma source(%dma_start3A_391 : memref<10000x128xf32, #tpu.memory_space<hbm>>) target(%arg11 : memref<80x128xf32, #tpu.memory_space<vmem>>) offsets(%dma_start3A_388 : memref<80xi32, #tpu.memory_space<vmem>>) semaphore(%arg15 : memref<!tpu.dma_semaphore, #tpu.memory_space<semaphore_mem>>)
    %dma_start3A_392 = arith.constant 3 : i32
    %dma_start3A_393 = arith.constant 0 : i32
    %dma_start3A_394 = arith.constant 0 : i32
    %dma_start3A_395 = tpu.memref_slice %arg3[%add3A, %dma_start3A_392, %dma_start3A_393, %dma_start3A_394] : memref<32x5x25x80xi32, #tpu.memory_space<hbm>> -> memref<1x1x25x80xi32, #tpu.memory_space<hbm>>
    %dma_start3A_396 = tpu.memref_squeeze %dma_start3A_395 : memref<1x1x25x80xi32, #tpu.memory_space<hbm>> -> memref<25x80xi32, #tpu.memory_space<hbm>>
    %dma_start3A_397 = arith.constant 0 : i32
    %dma_start3A_398 = arith.constant 0 : i32
    %dma_start3A_399 = tpu.memref_slice %arg3[%add3A, %dma_start3A_392, %dma_start3A_397, %dma_start3A_398] : memref<32x5x25x80xi32, #tpu.memory_space<hbm>> -> memref<1x1x25x80xi32, #tpu.memory_space<hbm>>
    %dma_start3A_400 = tpu.memref_squeeze %dma_start3A_399 : memref<1x1x25x80xi32, #tpu.memory_space<hbm>> -> memref<25x80xi32, #tpu.memory_space<hbm>>
    tpu.enqueue_dma source(%dma_start3A_400 : memref<25x80xi32, #tpu.memory_space<hbm>>) target(%arg8 : memref<25x80xi32, #tpu.memory_space<vmem>>) target_semaphore(%arg17 : memref<!tpu.dma_semaphore, #tpu.memory_space<semaphore_mem>>)
    %dma_start3A_401 = arith.constant 3 : i32
    %dma_start3A_402 = arith.constant 0 : i32
    %dma_start3A_403 = arith.constant 0 : i32
    %dma_start3A_404 = tpu.memref_slice %arg4[%add3A, %dma_start3A_401, %dma_start3A_402, %dma_start3A_403] : memref<32x5x25x80xi32, #tpu.memory_space<hbm>> -> memref<1x1x25x80xi32, #tpu.memory_space<hbm>>
    %dma_start3A_405 = tpu.memref_squeeze %dma_start3A_404 : memref<1x1x25x80xi32, #tpu.memory_space<hbm>> -> memref<25x80xi32, #tpu.memory_space<hbm>>
    %dma_start3A_406 = arith.constant 0 : i32
    %dma_start3A_407 = arith.constant 0 : i32
    %dma_start3A_408 = tpu.memref_slice %arg4[%add3A, %dma_start3A_401, %dma_start3A_406, %dma_start3A_407] : memref<32x5x25x80xi32, #tpu.memory_space<hbm>> -> memref<1x1x25x80xi32, #tpu.memory_space<hbm>>
    %dma_start3A_409 = tpu.memref_squeeze %dma_start3A_408 : memref<1x1x25x80xi32, #tpu.memory_space<hbm>> -> memref<25x80xi32, #tpu.memory_space<hbm>>
    tpu.enqueue_dma source(%dma_start3A_409 : memref<25x80xi32, #tpu.memory_space<hbm>>) target(%arg9 : memref<25x80xi32, #tpu.memory_space<vmem>>) target_semaphore(%arg17 : memref<!tpu.dma_semaphore, #tpu.memory_space<semaphore_mem>>)
    %scan3A_410 = arith.constant 0 : i32
    %scan3A_411 = arith.constant 0 : i32
    %scan3A_412 = arith.constant 7 : i32
    %scan3A_413 = arith.addi %scan3A_411, %scan3A_412 : i32
    %scan3A_414 = arith.constant 1 : i32
    scf.for %scan3A_650 = %scan3A_411 to %scan3A_413 step %scan3A_414  : i32 {
      %mul3A_651 = arith.constant 3 : i32
      %mul3A_652 = arith.muli %mul3A_651, %scan3A_650 : i32
      %add3A_653 = arith.constant 0 : i32
      %add3A_654 = arith.addi %mul3A_652, %add3A_653 : i32
      %add3A_655 = arith.constant 0 : i32
      %add3A_656 = arith.addi %mul3A_652, %add3A_655 : i32
      %add3A_657 = arith.constant 3 : i32
      %add3A_658 = arith.addi %add3A_656, %add3A_657 : i32
      %dma_wait3A_659 = arith.constant 0 : i32
      %dma_wait3A_660 = tpu.memref_slice %arg6[%add3A_654, %dma_wait3A_659] : memref<25x80xi32, #tpu.memory_space<vmem>> -> memref<1x80xi32, #tpu.memory_space<vmem>>
      %dma_wait3A_661 = tpu.memref_squeeze %dma_wait3A_660 : memref<1x80xi32, #tpu.memory_space<vmem>> -> memref<80xi32, #tpu.memory_space<vmem>>
      %dma_wait3A_662 = arith.constant 0 : i32
      %dma_wait3A_663 = arith.constant 0 : i32
      %dma_wait3A_664 = tpu.memref_slice %arg2[%dma_wait3A_662, %dma_wait3A_663] : memref<10000x128xf32, #tpu.memory_space<hbm>> -> memref<10000x128xf32, #tpu.memory_space<hbm>>
      tpu.wait_indirect_dma semaphore(%arg16 : memref<!tpu.dma_semaphore, #tpu.memory_space<semaphore_mem>>) src(%dma_wait3A_664 : memref<10000x128xf32, #tpu.memory_space<hbm>>) dst(%arg12 : memref<80x128xf32, #tpu.memory_space<vmem>>)
      "tpu.region"() ({
        %run_scoped3A_707 = tpu.sem_alloc : memref<!tpu.dma_semaphore, #tpu.memory_space<semaphore_mem>>
        %dma_start3A_708 = arith.constant 0 : i32
        %dma_start3A_709 = tpu.memref_slice %arg7[%add3A_654, %dma_start3A_708] : memref<25x80xi32, #tpu.memory_space<vmem>> -> memref<1x80xi32, #tpu.memory_space<vmem>>
        %dma_start3A_710 = tpu.memref_squeeze %dma_start3A_709 : memref<1x80xi32, #tpu.memory_space<vmem>> -> memref<80xi32, #tpu.memory_space<vmem>>
        %dma_start3A_711 = arith.constant 0 : i32
        %dma_start3A_712 = arith.constant 0 : i32
        %dma_start3A_713 = tpu.memref_slice %arg13[%dma_start3A_711, %dma_start3A_712] : memref<10240x128xf32, #tpu.memory_space<vmem_shared>> -> memref<10240x128xf32, #tpu.memory_space<vmem_shared>>
        tpu.enqueue_indirect_dma source(%arg12 : memref<80x128xf32, #tpu.memory_space<vmem>>) target(%dma_start3A_713 : memref<10240x128xf32, #tpu.memory_space<vmem_shared>>) offsets(%dma_start3A_710 : memref<80xi32, #tpu.memory_space<vmem>>) semaphore(%run_scoped3A_707 : memref<!tpu.dma_semaphore, #tpu.memory_space<semaphore_mem>>) {add = true}
        %dma_wait3A_714 = arith.constant 0 : i32
        %dma_wait3A_715 = tpu.memref_slice %arg7[%add3A_654, %dma_wait3A_714] : memref<25x80xi32, #tpu.memory_space<vmem>> -> memref<1x80xi32, #tpu.memory_space<vmem>>
        %dma_wait3A_716 = tpu.memref_squeeze %dma_wait3A_715 : memref<1x80xi32, #tpu.memory_space<vmem>> -> memref<80xi32, #tpu.memory_space<vmem>>
        %dma_wait3A_717 = arith.constant 0 : i32
        %dma_wait3A_718 = arith.constant 0 : i32
        %dma_wait3A_719 = tpu.memref_slice %arg13[%dma_wait3A_717, %dma_wait3A_718] : memref<10240x128xf32, #tpu.memory_space<vmem_shared>> -> memref<10240x128xf32, #tpu.memory_space<vmem_shared>>
        tpu.wait_indirect_dma semaphore(%run_scoped3A_707 : memref<!tpu.dma_semaphore, #tpu.memory_space<semaphore_mem>>) src(%arg12 : memref<80x128xf32, #tpu.memory_space<vmem>>) dst(%dma_wait3A_719 : memref<10240x128xf32, #tpu.memory_space<vmem_shared>>)
        tpu.yield
      }) : () -> ()
      %dma_start3A_665 = arith.constant 0 : i32
      %dma_start3A_666 = tpu.memref_slice %arg6[%add3A_658, %dma_start3A_665] : memref<25x80xi32, #tpu.memory_space<vmem>> -> memref<1x80xi32, #tpu.memory_space<vmem>>
      %dma_start3A_667 = tpu.memref_squeeze %dma_start3A_666 : memref<1x80xi32, #tpu.memory_space<vmem>> -> memref<80xi32, #tpu.memory_space<vmem>>
      %dma_start3A_668 = arith.constant 0 : i32
      %dma_start3A_669 = arith.constant 0 : i32
      %dma_start3A_670 = tpu.memref_slice %arg2[%dma_start3A_668, %dma_start3A_669] : memref<10000x128xf32, #tpu.memory_space<hbm>> -> memref<10000x128xf32, #tpu.memory_space<hbm>>
      tpu.enqueue_indirect_dma source(%dma_start3A_670 : memref<10000x128xf32, #tpu.memory_space<hbm>>) target(%arg12 : memref<80x128xf32, #tpu.memory_space<vmem>>) offsets(%dma_start3A_667 : memref<80xi32, #tpu.memory_space<vmem>>) semaphore(%arg16 : memref<!tpu.dma_semaphore, #tpu.memory_space<semaphore_mem>>)
      %add3A_671 = arith.constant 1 : i32
      %add3A_672 = arith.addi %mul3A_652, %add3A_671 : i32
      %add3A_673 = arith.constant 1 : i32
      %add3A_674 = arith.addi %mul3A_652, %add3A_673 : i32
      %add3A_675 = arith.constant 3 : i32
      %add3A_676 = arith.addi %add3A_674, %add3A_675 : i32
      %dma_wait3A_677 = arith.constant 0 : i32
      %dma_wait3A_678 = tpu.memref_slice %arg6[%add3A_672, %dma_wait3A_677] : memref<25x80xi32, #tpu.memory_space<vmem>> -> memref<1x80xi32, #tpu.memory_space<vmem>>
      %dma_wait3A_679 = tpu.memref_squeeze %dma_wait3A_678 : memref<1x80xi32, #tpu.memory_space<vmem>> -> memref<80xi32, #tpu.memory_space<vmem>>
      %dma_wait3A_680 = arith.constant 0 : i32
      %dma_wait3A_681 = arith.constant 0 : i32
      %dma_wait3A_682 = tpu.memref_slice %arg2[%dma_wait3A_680, %dma_wait3A_681] : memref<10000x128xf32, #tpu.memory_space<hbm>> -> memref<10000x128xf32, #tpu.memory_space<hbm>>
      tpu.wait_indirect_dma semaphore(%arg14 : memref<!tpu.dma_semaphore, #tpu.memory_space<semaphore_mem>>) src(%dma_wait3A_682 : memref<10000x128xf32, #tpu.memory_space<hbm>>) dst(%arg10 : memref<80x128xf32, #tpu.memory_space<vmem>>)
      "tpu.region"() ({
        %run_scoped3A_707 = tpu.sem_alloc : memref<!tpu.dma_semaphore, #tpu.memory_space<semaphore_mem>>
        %dma_start3A_708 = arith.constant 0 : i32
        %dma_start3A_709 = tpu.memref_slice %arg7[%add3A_672, %dma_start3A_708] : memref<25x80xi32, #tpu.memory_space<vmem>> -> memref<1x80xi32, #tpu.memory_space<vmem>>
        %dma_start3A_710 = tpu.memref_squeeze %dma_start3A_709 : memref<1x80xi32, #tpu.memory_space<vmem>> -> memref<80xi32, #tpu.memory_space<vmem>>
        %dma_start3A_711 = arith.constant 0 : i32
        %dma_start3A_712 = arith.constant 0 : i32
        %dma_start3A_713 = tpu.memref_slice %arg13[%dma_start3A_711, %dma_start3A_712] : memref<10240x128xf32, #tpu.memory_space<vmem_shared>> -> memref<10240x128xf32, #tpu.memory_space<vmem_shared>>
        tpu.enqueue_indirect_dma source(%arg10 : memref<80x128xf32, #tpu.memory_space<vmem>>) target(%dma_start3A_713 : memref<10240x128xf32, #tpu.memory_space<vmem_shared>>) offsets(%dma_start3A_710 : memref<80xi32, #tpu.memory_space<vmem>>) semaphore(%run_scoped3A_707 : memref<!tpu.dma_semaphore, #tpu.memory_space<semaphore_mem>>) {add = true}
        %dma_wait3A_714 = arith.constant 0 : i32
        %dma_wait3A_715 = tpu.memref_slice %arg7[%add3A_672, %dma_wait3A_714] : memref<25x80xi32, #tpu.memory_space<vmem>> -> memref<1x80xi32, #tpu.memory_space<vmem>>
        %dma_wait3A_716 = tpu.memref_squeeze %dma_wait3A_715 : memref<1x80xi32, #tpu.memory_space<vmem>> -> memref<80xi32, #tpu.memory_space<vmem>>
        %dma_wait3A_717 = arith.constant 0 : i32
        %dma_wait3A_718 = arith.constant 0 : i32
        %dma_wait3A_719 = tpu.memref_slice %arg13[%dma_wait3A_717, %dma_wait3A_718] : memref<10240x128xf32, #tpu.memory_space<vmem_shared>> -> memref<10240x128xf32, #tpu.memory_space<vmem_shared>>
        tpu.wait_indirect_dma semaphore(%run_scoped3A_707 : memref<!tpu.dma_semaphore, #tpu.memory_space<semaphore_mem>>) src(%arg10 : memref<80x128xf32, #tpu.memory_space<vmem>>) dst(%dma_wait3A_719 : memref<10240x128xf32, #tpu.memory_space<vmem_shared>>)
        tpu.yield
      }) : () -> ()
      %dma_start3A_683 = arith.constant 0 : i32
      %dma_start3A_684 = tpu.memref_slice %arg6[%add3A_676, %dma_start3A_683] : memref<25x80xi32, #tpu.memory_space<vmem>> -> memref<1x80xi32, #tpu.memory_space<vmem>>
      %dma_start3A_685 = tpu.memref_squeeze %dma_start3A_684 : memref<1x80xi32, #tpu.memory_space<vmem>> -> memref<80xi32, #tpu.memory_space<vmem>>
      %dma_start3A_686 = arith.constant 0 : i32
      %dma_start3A_687 = arith.constant 0 : i32
      %dma_start3A_688 = tpu.memref_slice %arg2[%dma_start3A_686, %dma_start3A_687] : memref<10000x128xf32, #tpu.memory_space<hbm>> -> memref<10000x128xf32, #tpu.memory_space<hbm>>
      tpu.enqueue_indirect_dma source(%dma_start3A_688 : memref<10000x128xf32, #tpu.memory_space<hbm>>) target(%arg10 : memref<80x128xf32, #tpu.memory_space<vmem>>) offsets(%dma_start3A_685 : memref<80xi32, #tpu.memory_space<vmem>>) semaphore(%arg14 : memref<!tpu.dma_semaphore, #tpu.memory_space<semaphore_mem>>)
      %add3A_689 = arith.constant 2 : i32
      %add3A_690 = arith.addi %mul3A_652, %add3A_689 : i32
      %add3A_691 = arith.constant 2 : i32
      %add3A_692 = arith.addi %mul3A_652, %add3A_691 : i32
      %add3A_693 = arith.constant 3 : i32
      %add3A_694 = arith.addi %add3A_692, %add3A_693 : i32
      %dma_wait3A_695 = arith.constant 0 : i32
      %dma_wait3A_696 = tpu.memref_slice %arg6[%add3A_690, %dma_wait3A_695] : memref<25x80xi32, #tpu.memory_space<vmem>> -> memref<1x80xi32, #tpu.memory_space<vmem>>
      %dma_wait3A_697 = tpu.memref_squeeze %dma_wait3A_696 : memref<1x80xi32, #tpu.memory_space<vmem>> -> memref<80xi32, #tpu.memory_space<vmem>>
      %dma_wait3A_698 = arith.constant 0 : i32
      %dma_wait3A_699 = arith.constant 0 : i32
      %dma_wait3A_700 = tpu.memref_slice %arg2[%dma_wait3A_698, %dma_wait3A_699] : memref<10000x128xf32, #tpu.memory_space<hbm>> -> memref<10000x128xf32, #tpu.memory_space<hbm>>
      tpu.wait_indirect_dma semaphore(%arg15 : memref<!tpu.dma_semaphore, #tpu.memory_space<semaphore_mem>>) src(%dma_wait3A_700 : memref<10000x128xf32, #tpu.memory_space<hbm>>) dst(%arg11 : memref<80x128xf32, #tpu.memory_space<vmem>>)
      "tpu.region"() ({
        %run_scoped3A_707 = tpu.sem_alloc : memref<!tpu.dma_semaphore, #tpu.memory_space<semaphore_mem>>
        %dma_start3A_708 = arith.constant 0 : i32
        %dma_start3A_709 = tpu.memref_slice %arg7[%add3A_690, %dma_start3A_708] : memref<25x80xi32, #tpu.memory_space<vmem>> -> memref<1x80xi32, #tpu.memory_space<vmem>>
        %dma_start3A_710 = tpu.memref_squeeze %dma_start3A_709 : memref<1x80xi32, #tpu.memory_space<vmem>> -> memref<80xi32, #tpu.memory_space<vmem>>
        %dma_start3A_711 = arith.constant 0 : i32
        %dma_start3A_712 = arith.constant 0 : i32
        %dma_start3A_713 = tpu.memref_slice %arg13[%dma_start3A_711, %dma_start3A_712] : memref<10240x128xf32, #tpu.memory_space<vmem_shared>> -> memref<10240x128xf32, #tpu.memory_space<vmem_shared>>
        tpu.enqueue_indirect_dma source(%arg11 : memref<80x128xf32, #tpu.memory_space<vmem>>) target(%dma_start3A_713 : memref<10240x128xf32, #tpu.memory_space<vmem_shared>>) offsets(%dma_start3A_710 : memref<80xi32, #tpu.memory_space<vmem>>) semaphore(%run_scoped3A_707 : memref<!tpu.dma_semaphore, #tpu.memory_space<semaphore_mem>>) {add = true}
        %dma_wait3A_714 = arith.constant 0 : i32
        %dma_wait3A_715 = tpu.memref_slice %arg7[%add3A_690, %dma_wait3A_714] : memref<25x80xi32, #tpu.memory_space<vmem>> -> memref<1x80xi32, #tpu.memory_space<vmem>>
        %dma_wait3A_716 = tpu.memref_squeeze %dma_wait3A_715 : memref<1x80xi32, #tpu.memory_space<vmem>> -> memref<80xi32, #tpu.memory_space<vmem>>
        %dma_wait3A_717 = arith.constant 0 : i32
        %dma_wait3A_718 = arith.constant 0 : i32
        %dma_wait3A_719 = tpu.memref_slice %arg13[%dma_wait3A_717, %dma_wait3A_718] : memref<10240x128xf32, #tpu.memory_space<vmem_shared>> -> memref<10240x128xf32, #tpu.memory_space<vmem_shared>>
        tpu.wait_indirect_dma semaphore(%run_scoped3A_707 : memref<!tpu.dma_semaphore, #tpu.memory_space<semaphore_mem>>) src(%arg11 : memref<80x128xf32, #tpu.memory_space<vmem>>) dst(%dma_wait3A_719 : memref<10240x128xf32, #tpu.memory_space<vmem_shared>>)
        tpu.yield
      }) : () -> ()
      %dma_start3A_701 = arith.constant 0 : i32
      %dma_start3A_702 = tpu.memref_slice %arg6[%add3A_694, %dma_start3A_701] : memref<25x80xi32, #tpu.memory_space<vmem>> -> memref<1x80xi32, #tpu.memory_space<vmem>>
      %dma_start3A_703 = tpu.memref_squeeze %dma_start3A_702 : memref<1x80xi32, #tpu.memory_space<vmem>> -> memref<80xi32, #tpu.memory_space<vmem>>
      %dma_start3A_704 = arith.constant 0 : i32
      %dma_start3A_705 = arith.constant 0 : i32
      %dma_start3A_706 = tpu.memref_slice %arg2[%dma_start3A_704, %dma_start3A_705] : memref<10000x128xf32, #tpu.memory_space<hbm>> -> memref<10000x128xf32, #tpu.memory_space<hbm>>
      tpu.enqueue_indirect_dma source(%dma_start3A_706 : memref<10000x128xf32, #tpu.memory_space<hbm>>) target(%arg11 : memref<80x128xf32, #tpu.memory_space<vmem>>) offsets(%dma_start3A_703 : memref<80xi32, #tpu.memory_space<vmem>>) semaphore(%arg15 : memref<!tpu.dma_semaphore, #tpu.memory_space<semaphore_mem>>)
    }
    %scan3A_415 = arith.constant 7 : i32
    %dma_wait3A_416 = arith.constant 21 : i32
    %dma_wait3A_417 = arith.constant 0 : i32
    %dma_wait3A_418 = tpu.memref_slice %arg6[%dma_wait3A_416, %dma_wait3A_417] : memref<25x80xi32, #tpu.memory_space<vmem>> -> memref<1x80xi32, #tpu.memory_space<vmem>>
    %dma_wait3A_419 = tpu.memref_squeeze %dma_wait3A_418 : memref<1x80xi32, #tpu.memory_space<vmem>> -> memref<80xi32, #tpu.memory_space<vmem>>
    %dma_wait3A_420 = arith.constant 0 : i32
    %dma_wait3A_421 = arith.constant 0 : i32
    %dma_wait3A_422 = tpu.memref_slice %arg2[%dma_wait3A_420, %dma_wait3A_421] : memref<10000x128xf32, #tpu.memory_space<hbm>> -> memref<10000x128xf32, #tpu.memory_space<hbm>>
    tpu.wait_indirect_dma semaphore(%arg16 : memref<!tpu.dma_semaphore, #tpu.memory_space<semaphore_mem>>) src(%dma_wait3A_422 : memref<10000x128xf32, #tpu.memory_space<hbm>>) dst(%arg12 : memref<80x128xf32, #tpu.memory_space<vmem>>)
    %run_scoped3A_423 = arith.constant 21 : i32
    "tpu.region"() ({
      %run_scoped3A_650 = tpu.sem_alloc : memref<!tpu.dma_semaphore, #tpu.memory_space<semaphore_mem>>
      %dma_start3A_651 = arith.constant 0 : i32
      %dma_start3A_652 = tpu.memref_slice %arg7[%run_scoped3A_423, %dma_start3A_651] : memref<25x80xi32, #tpu.memory_space<vmem>> -> memref<1x80xi32, #tpu.memory_space<vmem>>
      %dma_start3A_653 = tpu.memref_squeeze %dma_start3A_652 : memref<1x80xi32, #tpu.memory_space<vmem>> -> memref<80xi32, #tpu.memory_space<vmem>>
      %dma_start3A_654 = arith.constant 0 : i32
      %dma_start3A_655 = arith.constant 0 : i32
      %dma_start3A_656 = tpu.memref_slice %arg13[%dma_start3A_654, %dma_start3A_655] : memref<10240x128xf32, #tpu.memory_space<vmem_shared>> -> memref<10240x128xf32, #tpu.memory_space<vmem_shared>>
      tpu.enqueue_indirect_dma source(%arg12 : memref<80x128xf32, #tpu.memory_space<vmem>>) target(%dma_start3A_656 : memref<10240x128xf32, #tpu.memory_space<vmem_shared>>) offsets(%dma_start3A_653 : memref<80xi32, #tpu.memory_space<vmem>>) semaphore(%run_scoped3A_650 : memref<!tpu.dma_semaphore, #tpu.memory_space<semaphore_mem>>) {add = true}
      %dma_wait3A_657 = arith.constant 0 : i32
      %dma_wait3A_658 = tpu.memref_slice %arg7[%run_scoped3A_423, %dma_wait3A_657] : memref<25x80xi32, #tpu.memory_space<vmem>> -> memref<1x80xi32, #tpu.memory_space<vmem>>
      %dma_wait3A_659 = tpu.memref_squeeze %dma_wait3A_658 : memref<1x80xi32, #tpu.memory_space<vmem>> -> memref<80xi32, #tpu.memory_space<vmem>>
      %dma_wait3A_660 = arith.constant 0 : i32
      %dma_wait3A_661 = arith.constant 0 : i32
      %dma_wait3A_662 = tpu.memref_slice %arg13[%dma_wait3A_660, %dma_wait3A_661] : memref<10240x128xf32, #tpu.memory_space<vmem_shared>> -> memref<10240x128xf32, #tpu.memory_space<vmem_shared>>
      tpu.wait_indirect_dma semaphore(%run_scoped3A_650 : memref<!tpu.dma_semaphore, #tpu.memory_space<semaphore_mem>>) src(%arg12 : memref<80x128xf32, #tpu.memory_space<vmem>>) dst(%dma_wait3A_662 : memref<10240x128xf32, #tpu.memory_space<vmem_shared>>)
      tpu.yield
    }) : () -> ()
    %dma_start3A_424 = arith.constant 24 : i32
    %dma_start3A_425 = arith.constant 0 : i32
    %dma_start3A_426 = tpu.memref_slice %arg6[%dma_start3A_424, %dma_start3A_425] : memref<25x80xi32, #tpu.memory_space<vmem>> -> memref<1x80xi32, #tpu.memory_space<vmem>>
    %dma_start3A_427 = tpu.memref_squeeze %dma_start3A_426 : memref<1x80xi32, #tpu.memory_space<vmem>> -> memref<80xi32, #tpu.memory_space<vmem>>
    %dma_start3A_428 = arith.constant 0 : i32
    %dma_start3A_429 = arith.constant 0 : i32
    %dma_start3A_430 = tpu.memref_slice %arg2[%dma_start3A_428, %dma_start3A_429] : memref<10000x128xf32, #tpu.memory_space<hbm>> -> memref<10000x128xf32, #tpu.memory_space<hbm>>
    tpu.enqueue_indirect_dma source(%dma_start3A_430 : memref<10000x128xf32, #tpu.memory_space<hbm>>) target(%arg12 : memref<80x128xf32, #tpu.memory_space<vmem>>) offsets(%dma_start3A_427 : memref<80xi32, #tpu.memory_space<vmem>>) semaphore(%arg16 : memref<!tpu.dma_semaphore, #tpu.memory_space<semaphore_mem>>)
    %dma_wait3A_431 = arith.constant 3 : i32
    %dma_wait3A_432 = arith.constant 0 : i32
    %dma_wait3A_433 = arith.constant 0 : i32
    %dma_wait3A_434 = tpu.memref_slice %arg3[%add3A, %dma_wait3A_431, %dma_wait3A_432, %dma_wait3A_433] : memref<32x5x25x80xi32, #tpu.memory_space<hbm>> -> memref<1x1x25x80xi32, #tpu.memory_space<hbm>>
    %dma_wait3A_435 = tpu.memref_squeeze %dma_wait3A_434 : memref<1x1x25x80xi32, #tpu.memory_space<hbm>> -> memref<25x80xi32, #tpu.memory_space<hbm>>
    %dma_wait3A_436 = arith.constant 0 : i32
    %dma_wait3A_437 = arith.constant 0 : i32
    %dma_wait3A_438 = tpu.memref_slice %arg3[%add3A, %dma_wait3A_431, %dma_wait3A_436, %dma_wait3A_437] : memref<32x5x25x80xi32, #tpu.memory_space<hbm>> -> memref<1x1x25x80xi32, #tpu.memory_space<hbm>>
    %dma_wait3A_439 = tpu.memref_squeeze %dma_wait3A_438 : memref<1x1x25x80xi32, #tpu.memory_space<hbm>> -> memref<25x80xi32, #tpu.memory_space<hbm>>
    tpu.wait_dma2 semaphore(%arg17 : memref<!tpu.dma_semaphore, #tpu.memory_space<semaphore_mem>>) src(%dma_wait3A_439 : memref<25x80xi32, #tpu.memory_space<hbm>>) dst(%arg8 : memref<25x80xi32, #tpu.memory_space<vmem>>)
    %dma_wait3A_440 = arith.constant 3 : i32
    %dma_wait3A_441 = arith.constant 0 : i32
    %dma_wait3A_442 = arith.constant 0 : i32
    %dma_wait3A_443 = tpu.memref_slice %arg4[%add3A, %dma_wait3A_440, %dma_wait3A_441, %dma_wait3A_442] : memref<32x5x25x80xi32, #tpu.memory_space<hbm>> -> memref<1x1x25x80xi32, #tpu.memory_space<hbm>>
    %dma_wait3A_444 = tpu.memref_squeeze %dma_wait3A_443 : memref<1x1x25x80xi32, #tpu.memory_space<hbm>> -> memref<25x80xi32, #tpu.memory_space<hbm>>
    %dma_wait3A_445 = arith.constant 0 : i32
    %dma_wait3A_446 = arith.constant 0 : i32
    %dma_wait3A_447 = tpu.memref_slice %arg4[%add3A, %dma_wait3A_440, %dma_wait3A_445, %dma_wait3A_446] : memref<32x5x25x80xi32, #tpu.memory_space<hbm>> -> memref<1x1x25x80xi32, #tpu.memory_space<hbm>>
    %dma_wait3A_448 = tpu.memref_squeeze %dma_wait3A_447 : memref<1x1x25x80xi32, #tpu.memory_space<hbm>> -> memref<25x80xi32, #tpu.memory_space<hbm>>
    tpu.wait_dma2 semaphore(%arg17 : memref<!tpu.dma_semaphore, #tpu.memory_space<semaphore_mem>>) src(%dma_wait3A_448 : memref<25x80xi32, #tpu.memory_space<hbm>>) dst(%arg9 : memref<25x80xi32, #tpu.memory_space<vmem>>)
    %dma_wait3A_449 = arith.constant 22 : i32
    %dma_wait3A_450 = arith.constant 0 : i32
    %dma_wait3A_451 = tpu.memref_slice %arg6[%dma_wait3A_449, %dma_wait3A_450] : memref<25x80xi32, #tpu.memory_space<vmem>> -> memref<1x80xi32, #tpu.memory_space<vmem>>
    %dma_wait3A_452 = tpu.memref_squeeze %dma_wait3A_451 : memref<1x80xi32, #tpu.memory_space<vmem>> -> memref<80xi32, #tpu.memory_space<vmem>>
    %dma_wait3A_453 = arith.constant 0 : i32
    %dma_wait3A_454 = arith.constant 0 : i32
    %dma_wait3A_455 = tpu.memref_slice %arg2[%dma_wait3A_453, %dma_wait3A_454] : memref<10000x128xf32, #tpu.memory_space<hbm>> -> memref<10000x128xf32, #tpu.memory_space<hbm>>
    tpu.wait_indirect_dma semaphore(%arg14 : memref<!tpu.dma_semaphore, #tpu.memory_space<semaphore_mem>>) src(%dma_wait3A_455 : memref<10000x128xf32, #tpu.memory_space<hbm>>) dst(%arg10 : memref<80x128xf32, #tpu.memory_space<vmem>>)
    %run_scoped3A_456 = arith.constant 22 : i32
    "tpu.region"() ({
      %run_scoped3A_650 = tpu.sem_alloc : memref<!tpu.dma_semaphore, #tpu.memory_space<semaphore_mem>>
      %dma_start3A_651 = arith.constant 0 : i32
      %dma_start3A_652 = tpu.memref_slice %arg7[%run_scoped3A_456, %dma_start3A_651] : memref<25x80xi32, #tpu.memory_space<vmem>> -> memref<1x80xi32, #tpu.memory_space<vmem>>
      %dma_start3A_653 = tpu.memref_squeeze %dma_start3A_652 : memref<1x80xi32, #tpu.memory_space<vmem>> -> memref<80xi32, #tpu.memory_space<vmem>>
      %dma_start3A_654 = arith.constant 0 : i32
      %dma_start3A_655 = arith.constant 0 : i32
      %dma_start3A_656 = tpu.memref_slice %arg13[%dma_start3A_654, %dma_start3A_655] : memref<10240x128xf32, #tpu.memory_space<vmem_shared>> -> memref<10240x128xf32, #tpu.memory_space<vmem_shared>>
      tpu.enqueue_indirect_dma source(%arg10 : memref<80x128xf32, #tpu.memory_space<vmem>>) target(%dma_start3A_656 : memref<10240x128xf32, #tpu.memory_space<vmem_shared>>) offsets(%dma_start3A_653 : memref<80xi32, #tpu.memory_space<vmem>>) semaphore(%run_scoped3A_650 : memref<!tpu.dma_semaphore, #tpu.memory_space<semaphore_mem>>) {add = true}
      %dma_wait3A_657 = arith.constant 0 : i32
      %dma_wait3A_658 = tpu.memref_slice %arg7[%run_scoped3A_456, %dma_wait3A_657] : memref<25x80xi32, #tpu.memory_space<vmem>> -> memref<1x80xi32, #tpu.memory_space<vmem>>
      %dma_wait3A_659 = tpu.memref_squeeze %dma_wait3A_658 : memref<1x80xi32, #tpu.memory_space<vmem>> -> memref<80xi32, #tpu.memory_space<vmem>>
      %dma_wait3A_660 = arith.constant 0 : i32
      %dma_wait3A_661 = arith.constant 0 : i32
      %dma_wait3A_662 = tpu.memref_slice %arg13[%dma_wait3A_660, %dma_wait3A_661] : memref<10240x128xf32, #tpu.memory_space<vmem_shared>> -> memref<10240x128xf32, #tpu.memory_space<vmem_shared>>
      tpu.wait_indirect_dma semaphore(%run_scoped3A_650 : memref<!tpu.dma_semaphore, #tpu.memory_space<semaphore_mem>>) src(%arg10 : memref<80x128xf32, #tpu.memory_space<vmem>>) dst(%dma_wait3A_662 : memref<10240x128xf32, #tpu.memory_space<vmem_shared>>)
      tpu.yield
    }) : () -> ()
    %dma_start3A_457 = arith.constant 0 : i32
    %dma_start3A_458 = arith.constant 0 : i32
    %dma_start3A_459 = tpu.memref_slice %arg8[%dma_start3A_457, %dma_start3A_458] : memref<25x80xi32, #tpu.memory_space<vmem>> -> memref<1x80xi32, #tpu.memory_space<vmem>>
    %dma_start3A_460 = tpu.memref_squeeze %dma_start3A_459 : memref<1x80xi32, #tpu.memory_space<vmem>> -> memref<80xi32, #tpu.memory_space<vmem>>
    %dma_start3A_461 = arith.constant 0 : i32
    %dma_start3A_462 = arith.constant 0 : i32
    %dma_start3A_463 = tpu.memref_slice %arg2[%dma_start3A_461, %dma_start3A_462] : memref<10000x128xf32, #tpu.memory_space<hbm>> -> memref<10000x128xf32, #tpu.memory_space<hbm>>
    tpu.enqueue_indirect_dma source(%dma_start3A_463 : memref<10000x128xf32, #tpu.memory_space<hbm>>) target(%arg10 : memref<80x128xf32, #tpu.memory_space<vmem>>) offsets(%dma_start3A_460 : memref<80xi32, #tpu.memory_space<vmem>>) semaphore(%arg14 : memref<!tpu.dma_semaphore, #tpu.memory_space<semaphore_mem>>)
    %dma_wait3A_464 = arith.constant 23 : i32
    %dma_wait3A_465 = arith.constant 0 : i32
    %dma_wait3A_466 = tpu.memref_slice %arg6[%dma_wait3A_464, %dma_wait3A_465] : memref<25x80xi32, #tpu.memory_space<vmem>> -> memref<1x80xi32, #tpu.memory_space<vmem>>
    %dma_wait3A_467 = tpu.memref_squeeze %dma_wait3A_466 : memref<1x80xi32, #tpu.memory_space<vmem>> -> memref<80xi32, #tpu.memory_space<vmem>>
    %dma_wait3A_468 = arith.constant 0 : i32
    %dma_wait3A_469 = arith.constant 0 : i32
    %dma_wait3A_470 = tpu.memref_slice %arg2[%dma_wait3A_468, %dma_wait3A_469] : memref<10000x128xf32, #tpu.memory_space<hbm>> -> memref<10000x128xf32, #tpu.memory_space<hbm>>
    tpu.wait_indirect_dma semaphore(%arg15 : memref<!tpu.dma_semaphore, #tpu.memory_space<semaphore_mem>>) src(%dma_wait3A_470 : memref<10000x128xf32, #tpu.memory_space<hbm>>) dst(%arg11 : memref<80x128xf32, #tpu.memory_space<vmem>>)
    %run_scoped3A_471 = arith.constant 23 : i32
    "tpu.region"() ({
      %run_scoped3A_650 = tpu.sem_alloc : memref<!tpu.dma_semaphore, #tpu.memory_space<semaphore_mem>>
      %dma_start3A_651 = arith.constant 0 : i32
      %dma_start3A_652 = tpu.memref_slice %arg7[%run_scoped3A_471, %dma_start3A_651] : memref<25x80xi32, #tpu.memory_space<vmem>> -> memref<1x80xi32, #tpu.memory_space<vmem>>
      %dma_start3A_653 = tpu.memref_squeeze %dma_start3A_652 : memref<1x80xi32, #tpu.memory_space<vmem>> -> memref<80xi32, #tpu.memory_space<vmem>>
      %dma_start3A_654 = arith.constant 0 : i32
      %dma_start3A_655 = arith.constant 0 : i32
      %dma_start3A_656 = tpu.memref_slice %arg13[%dma_start3A_654, %dma_start3A_655] : memref<10240x128xf32, #tpu.memory_space<vmem_shared>> -> memref<10240x128xf32, #tpu.memory_space<vmem_shared>>
      tpu.enqueue_indirect_dma source(%arg11 : memref<80x128xf32, #tpu.memory_space<vmem>>) target(%dma_start3A_656 : memref<10240x128xf32, #tpu.memory_space<vmem_shared>>) offsets(%dma_start3A_653 : memref<80xi32, #tpu.memory_space<vmem>>) semaphore(%run_scoped3A_650 : memref<!tpu.dma_semaphore, #tpu.memory_space<semaphore_mem>>) {add = true}
      %dma_wait3A_657 = arith.constant 0 : i32
      %dma_wait3A_658 = tpu.memref_slice %arg7[%run_scoped3A_471, %dma_wait3A_657] : memref<25x80xi32, #tpu.memory_space<vmem>> -> memref<1x80xi32, #tpu.memory_space<vmem>>
      %dma_wait3A_659 = tpu.memref_squeeze %dma_wait3A_658 : memref<1x80xi32, #tpu.memory_space<vmem>> -> memref<80xi32, #tpu.memory_space<vmem>>
      %dma_wait3A_660 = arith.constant 0 : i32
      %dma_wait3A_661 = arith.constant 0 : i32
      %dma_wait3A_662 = tpu.memref_slice %arg13[%dma_wait3A_660, %dma_wait3A_661] : memref<10240x128xf32, #tpu.memory_space<vmem_shared>> -> memref<10240x128xf32, #tpu.memory_space<vmem_shared>>
      tpu.wait_indirect_dma semaphore(%run_scoped3A_650 : memref<!tpu.dma_semaphore, #tpu.memory_space<semaphore_mem>>) src(%arg11 : memref<80x128xf32, #tpu.memory_space<vmem>>) dst(%dma_wait3A_662 : memref<10240x128xf32, #tpu.memory_space<vmem_shared>>)
      tpu.yield
    }) : () -> ()
    %dma_start3A_472 = arith.constant 1 : i32
    %dma_start3A_473 = arith.constant 0 : i32
    %dma_start3A_474 = tpu.memref_slice %arg8[%dma_start3A_472, %dma_start3A_473] : memref<25x80xi32, #tpu.memory_space<vmem>> -> memref<1x80xi32, #tpu.memory_space<vmem>>
    %dma_start3A_475 = tpu.memref_squeeze %dma_start3A_474 : memref<1x80xi32, #tpu.memory_space<vmem>> -> memref<80xi32, #tpu.memory_space<vmem>>
    %dma_start3A_476 = arith.constant 0 : i32
    %dma_start3A_477 = arith.constant 0 : i32
    %dma_start3A_478 = tpu.memref_slice %arg2[%dma_start3A_476, %dma_start3A_477] : memref<10000x128xf32, #tpu.memory_space<hbm>> -> memref<10000x128xf32, #tpu.memory_space<hbm>>
    tpu.enqueue_indirect_dma source(%dma_start3A_478 : memref<10000x128xf32, #tpu.memory_space<hbm>>) target(%arg11 : memref<80x128xf32, #tpu.memory_space<vmem>>) offsets(%dma_start3A_475 : memref<80xi32, #tpu.memory_space<vmem>>) semaphore(%arg15 : memref<!tpu.dma_semaphore, #tpu.memory_space<semaphore_mem>>)
    %dma_wait3A_479 = arith.constant 24 : i32
    %dma_wait3A_480 = arith.constant 0 : i32
    %dma_wait3A_481 = tpu.memref_slice %arg6[%dma_wait3A_479, %dma_wait3A_480] : memref<25x80xi32, #tpu.memory_space<vmem>> -> memref<1x80xi32, #tpu.memory_space<vmem>>
    %dma_wait3A_482 = tpu.memref_squeeze %dma_wait3A_481 : memref<1x80xi32, #tpu.memory_space<vmem>> -> memref<80xi32, #tpu.memory_space<vmem>>
    %dma_wait3A_483 = arith.constant 0 : i32
    %dma_wait3A_484 = arith.constant 0 : i32
    %dma_wait3A_485 = tpu.memref_slice %arg2[%dma_wait3A_483, %dma_wait3A_484] : memref<10000x128xf32, #tpu.memory_space<hbm>> -> memref<10000x128xf32, #tpu.memory_space<hbm>>
    tpu.wait_indirect_dma semaphore(%arg16 : memref<!tpu.dma_semaphore, #tpu.memory_space<semaphore_mem>>) src(%dma_wait3A_485 : memref<10000x128xf32, #tpu.memory_space<hbm>>) dst(%arg12 : memref<80x128xf32, #tpu.memory_space<vmem>>)
    %run_scoped3A_486 = arith.constant 24 : i32
    "tpu.region"() ({
      %run_scoped3A_650 = tpu.sem_alloc : memref<!tpu.dma_semaphore, #tpu.memory_space<semaphore_mem>>
      %dma_start3A_651 = arith.constant 0 : i32
      %dma_start3A_652 = tpu.memref_slice %arg7[%run_scoped3A_486, %dma_start3A_651] : memref<25x80xi32, #tpu.memory_space<vmem>> -> memref<1x80xi32, #tpu.memory_space<vmem>>
      %dma_start3A_653 = tpu.memref_squeeze %dma_start3A_652 : memref<1x80xi32, #tpu.memory_space<vmem>> -> memref<80xi32, #tpu.memory_space<vmem>>
      %dma_start3A_654 = arith.constant 0 : i32
      %dma_start3A_655 = arith.constant 0 : i32
      %dma_start3A_656 = tpu.memref_slice %arg13[%dma_start3A_654, %dma_start3A_655] : memref<10240x128xf32, #tpu.memory_space<vmem_shared>> -> memref<10240x128xf32, #tpu.memory_space<vmem_shared>>
      tpu.enqueue_indirect_dma source(%arg12 : memref<80x128xf32, #tpu.memory_space<vmem>>) target(%dma_start3A_656 : memref<10240x128xf32, #tpu.memory_space<vmem_shared>>) offsets(%dma_start3A_653 : memref<80xi32, #tpu.memory_space<vmem>>) semaphore(%run_scoped3A_650 : memref<!tpu.dma_semaphore, #tpu.memory_space<semaphore_mem>>) {add = true}
      %dma_wait3A_657 = arith.constant 0 : i32
      %dma_wait3A_658 = tpu.memref_slice %arg7[%run_scoped3A_486, %dma_wait3A_657] : memref<25x80xi32, #tpu.memory_space<vmem>> -> memref<1x80xi32, #tpu.memory_space<vmem>>
      %dma_wait3A_659 = tpu.memref_squeeze %dma_wait3A_658 : memref<1x80xi32, #tpu.memory_space<vmem>> -> memref<80xi32, #tpu.memory_space<vmem>>
      %dma_wait3A_660 = arith.constant 0 : i32
      %dma_wait3A_661 = arith.constant 0 : i32
      %dma_wait3A_662 = tpu.memref_slice %arg13[%dma_wait3A_660, %dma_wait3A_661] : memref<10240x128xf32, #tpu.memory_space<vmem_shared>> -> memref<10240x128xf32, #tpu.memory_space<vmem_shared>>
      tpu.wait_indirect_dma semaphore(%run_scoped3A_650 : memref<!tpu.dma_semaphore, #tpu.memory_space<semaphore_mem>>) src(%arg12 : memref<80x128xf32, #tpu.memory_space<vmem>>) dst(%dma_wait3A_662 : memref<10240x128xf32, #tpu.memory_space<vmem_shared>>)
      tpu.yield
    }) : () -> ()
    %dma_start3A_487 = arith.constant 2 : i32
    %dma_start3A_488 = arith.constant 0 : i32
    %dma_start3A_489 = tpu.memref_slice %arg8[%dma_start3A_487, %dma_start3A_488] : memref<25x80xi32, #tpu.memory_space<vmem>> -> memref<1x80xi32, #tpu.memory_space<vmem>>
    %dma_start3A_490 = tpu.memref_squeeze %dma_start3A_489 : memref<1x80xi32, #tpu.memory_space<vmem>> -> memref<80xi32, #tpu.memory_space<vmem>>
    %dma_start3A_491 = arith.constant 0 : i32
    %dma_start3A_492 = arith.constant 0 : i32
    %dma_start3A_493 = tpu.memref_slice %arg2[%dma_start3A_491, %dma_start3A_492] : memref<10000x128xf32, #tpu.memory_space<hbm>> -> memref<10000x128xf32, #tpu.memory_space<hbm>>
    tpu.enqueue_indirect_dma source(%dma_start3A_493 : memref<10000x128xf32, #tpu.memory_space<hbm>>) target(%arg12 : memref<80x128xf32, #tpu.memory_space<vmem>>) offsets(%dma_start3A_490 : memref<80xi32, #tpu.memory_space<vmem>>) semaphore(%arg16 : memref<!tpu.dma_semaphore, #tpu.memory_space<semaphore_mem>>)
    %dma_start3A_494 = arith.constant 4 : i32
    %dma_start3A_495 = arith.constant 0 : i32
    %dma_start3A_496 = arith.constant 0 : i32
    %dma_start3A_497 = tpu.memref_slice %arg3[%add3A, %dma_start3A_494, %dma_start3A_495, %dma_start3A_496] : memref<32x5x25x80xi32, #tpu.memory_space<hbm>> -> memref<1x1x25x80xi32, #tpu.memory_space<hbm>>
    %dma_start3A_498 = tpu.memref_squeeze %dma_start3A_497 : memref<1x1x25x80xi32, #tpu.memory_space<hbm>> -> memref<25x80xi32, #tpu.memory_space<hbm>>
    %dma_start3A_499 = arith.constant 0 : i32
    %dma_start3A_500 = arith.constant 0 : i32
    %dma_start3A_501 = tpu.memref_slice %arg3[%add3A, %dma_start3A_494, %dma_start3A_499, %dma_start3A_500] : memref<32x5x25x80xi32, #tpu.memory_space<hbm>> -> memref<1x1x25x80xi32, #tpu.memory_space<hbm>>
    %dma_start3A_502 = tpu.memref_squeeze %dma_start3A_501 : memref<1x1x25x80xi32, #tpu.memory_space<hbm>> -> memref<25x80xi32, #tpu.memory_space<hbm>>
    tpu.enqueue_dma source(%dma_start3A_502 : memref<25x80xi32, #tpu.memory_space<hbm>>) target(%arg6 : memref<25x80xi32, #tpu.memory_space<vmem>>) target_semaphore(%arg17 : memref<!tpu.dma_semaphore, #tpu.memory_space<semaphore_mem>>)
    %dma_start3A_503 = arith.constant 4 : i32
    %dma_start3A_504 = arith.constant 0 : i32
    %dma_start3A_505 = arith.constant 0 : i32
    %dma_start3A_506 = tpu.memref_slice %arg4[%add3A, %dma_start3A_503, %dma_start3A_504, %dma_start3A_505] : memref<32x5x25x80xi32, #tpu.memory_space<hbm>> -> memref<1x1x25x80xi32, #tpu.memory_space<hbm>>
    %dma_start3A_507 = tpu.memref_squeeze %dma_start3A_506 : memref<1x1x25x80xi32, #tpu.memory_space<hbm>> -> memref<25x80xi32, #tpu.memory_space<hbm>>
    %dma_start3A_508 = arith.constant 0 : i32
    %dma_start3A_509 = arith.constant 0 : i32
    %dma_start3A_510 = tpu.memref_slice %arg4[%add3A, %dma_start3A_503, %dma_start3A_508, %dma_start3A_509] : memref<32x5x25x80xi32, #tpu.memory_space<hbm>> -> memref<1x1x25x80xi32, #tpu.memory_space<hbm>>
    %dma_start3A_511 = tpu.memref_squeeze %dma_start3A_510 : memref<1x1x25x80xi32, #tpu.memory_space<hbm>> -> memref<25x80xi32, #tpu.memory_space<hbm>>
    tpu.enqueue_dma source(%dma_start3A_511 : memref<25x80xi32, #tpu.memory_space<hbm>>) target(%arg7 : memref<25x80xi32, #tpu.memory_space<vmem>>) target_semaphore(%arg17 : memref<!tpu.dma_semaphore, #tpu.memory_space<semaphore_mem>>)
    %scan3A_512 = arith.constant 0 : i32
    %scan3A_513 = arith.constant 0 : i32
    %scan3A_514 = arith.constant 7 : i32
    %scan3A_515 = arith.addi %scan3A_513, %scan3A_514 : i32
    %scan3A_516 = arith.constant 1 : i32
    scf.for %scan3A_650 = %scan3A_513 to %scan3A_515 step %scan3A_516  : i32 {
      %mul3A_651 = arith.constant 3 : i32
      %mul3A_652 = arith.muli %mul3A_651, %scan3A_650 : i32
      %add3A_653 = arith.constant 0 : i32
      %add3A_654 = arith.addi %mul3A_652, %add3A_653 : i32
      %add3A_655 = arith.constant 0 : i32
      %add3A_656 = arith.addi %mul3A_652, %add3A_655 : i32
      %add3A_657 = arith.constant 3 : i32
      %add3A_658 = arith.addi %add3A_656, %add3A_657 : i32
      %dma_wait3A_659 = arith.constant 0 : i32
      %dma_wait3A_660 = tpu.memref_slice %arg8[%add3A_654, %dma_wait3A_659] : memref<25x80xi32, #tpu.memory_space<vmem>> -> memref<1x80xi32, #tpu.memory_space<vmem>>
      %dma_wait3A_661 = tpu.memref_squeeze %dma_wait3A_660 : memref<1x80xi32, #tpu.memory_space<vmem>> -> memref<80xi32, #tpu.memory_space<vmem>>
      %dma_wait3A_662 = arith.constant 0 : i32
      %dma_wait3A_663 = arith.constant 0 : i32
      %dma_wait3A_664 = tpu.memref_slice %arg2[%dma_wait3A_662, %dma_wait3A_663] : memref<10000x128xf32, #tpu.memory_space<hbm>> -> memref<10000x128xf32, #tpu.memory_space<hbm>>
      tpu.wait_indirect_dma semaphore(%arg14 : memref<!tpu.dma_semaphore, #tpu.memory_space<semaphore_mem>>) src(%dma_wait3A_664 : memref<10000x128xf32, #tpu.memory_space<hbm>>) dst(%arg10 : memref<80x128xf32, #tpu.memory_space<vmem>>)
      "tpu.region"() ({
        %run_scoped3A_707 = tpu.sem_alloc : memref<!tpu.dma_semaphore, #tpu.memory_space<semaphore_mem>>
        %dma_start3A_708 = arith.constant 0 : i32
        %dma_start3A_709 = tpu.memref_slice %arg9[%add3A_654, %dma_start3A_708] : memref<25x80xi32, #tpu.memory_space<vmem>> -> memref<1x80xi32, #tpu.memory_space<vmem>>
        %dma_start3A_710 = tpu.memref_squeeze %dma_start3A_709 : memref<1x80xi32, #tpu.memory_space<vmem>> -> memref<80xi32, #tpu.memory_space<vmem>>
        %dma_start3A_711 = arith.constant 0 : i32
        %dma_start3A_712 = arith.constant 0 : i32
        %dma_start3A_713 = tpu.memref_slice %arg13[%dma_start3A_711, %dma_start3A_712] : memref<10240x128xf32, #tpu.memory_space<vmem_shared>> -> memref<10240x128xf32, #tpu.memory_space<vmem_shared>>
        tpu.enqueue_indirect_dma source(%arg10 : memref<80x128xf32, #tpu.memory_space<vmem>>) target(%dma_start3A_713 : memref<10240x128xf32, #tpu.memory_space<vmem_shared>>) offsets(%dma_start3A_710 : memref<80xi32, #tpu.memory_space<vmem>>) semaphore(%run_scoped3A_707 : memref<!tpu.dma_semaphore, #tpu.memory_space<semaphore_mem>>) {add = true}
        %dma_wait3A_714 = arith.constant 0 : i32
        %dma_wait3A_715 = tpu.memref_slice %arg9[%add3A_654, %dma_wait3A_714] : memref<25x80xi32, #tpu.memory_space<vmem>> -> memref<1x80xi32, #tpu.memory_space<vmem>>
        %dma_wait3A_716 = tpu.memref_squeeze %dma_wait3A_715 : memref<1x80xi32, #tpu.memory_space<vmem>> -> memref<80xi32, #tpu.memory_space<vmem>>
        %dma_wait3A_717 = arith.constant 0 : i32
        %dma_wait3A_718 = arith.constant 0 : i32
        %dma_wait3A_719 = tpu.memref_slice %arg13[%dma_wait3A_717, %dma_wait3A_718] : memref<10240x128xf32, #tpu.memory_space<vmem_shared>> -> memref<10240x128xf32, #tpu.memory_space<vmem_shared>>
        tpu.wait_indirect_dma semaphore(%run_scoped3A_707 : memref<!tpu.dma_semaphore, #tpu.memory_space<semaphore_mem>>) src(%arg10 : memref<80x128xf32, #tpu.memory_space<vmem>>) dst(%dma_wait3A_719 : memref<10240x128xf32, #tpu.memory_space<vmem_shared>>)
        tpu.yield
      }) : () -> ()
      %dma_start3A_665 = arith.constant 0 : i32
      %dma_start3A_666 = tpu.memref_slice %arg8[%add3A_658, %dma_start3A_665] : memref<25x80xi32, #tpu.memory_space<vmem>> -> memref<1x80xi32, #tpu.memory_space<vmem>>
      %dma_start3A_667 = tpu.memref_squeeze %dma_start3A_666 : memref<1x80xi32, #tpu.memory_space<vmem>> -> memref<80xi32, #tpu.memory_space<vmem>>
      %dma_start3A_668 = arith.constant 0 : i32
      %dma_start3A_669 = arith.constant 0 : i32
      %dma_start3A_670 = tpu.memref_slice %arg2[%dma_start3A_668, %dma_start3A_669] : memref<10000x128xf32, #tpu.memory_space<hbm>> -> memref<10000x128xf32, #tpu.memory_space<hbm>>
      tpu.enqueue_indirect_dma source(%dma_start3A_670 : memref<10000x128xf32, #tpu.memory_space<hbm>>) target(%arg10 : memref<80x128xf32, #tpu.memory_space<vmem>>) offsets(%dma_start3A_667 : memref<80xi32, #tpu.memory_space<vmem>>) semaphore(%arg14 : memref<!tpu.dma_semaphore, #tpu.memory_space<semaphore_mem>>)
      %add3A_671 = arith.constant 1 : i32
      %add3A_672 = arith.addi %mul3A_652, %add3A_671 : i32
      %add3A_673 = arith.constant 1 : i32
      %add3A_674 = arith.addi %mul3A_652, %add3A_673 : i32
      %add3A_675 = arith.constant 3 : i32
      %add3A_676 = arith.addi %add3A_674, %add3A_675 : i32
      %dma_wait3A_677 = arith.constant 0 : i32
      %dma_wait3A_678 = tpu.memref_slice %arg8[%add3A_672, %dma_wait3A_677] : memref<25x80xi32, #tpu.memory_space<vmem>> -> memref<1x80xi32, #tpu.memory_space<vmem>>
      %dma_wait3A_679 = tpu.memref_squeeze %dma_wait3A_678 : memref<1x80xi32, #tpu.memory_space<vmem>> -> memref<80xi32, #tpu.memory_space<vmem>>
      %dma_wait3A_680 = arith.constant 0 : i32
      %dma_wait3A_681 = arith.constant 0 : i32
      %dma_wait3A_682 = tpu.memref_slice %arg2[%dma_wait3A_680, %dma_wait3A_681] : memref<10000x128xf32, #tpu.memory_space<hbm>> -> memref<10000x128xf32, #tpu.memory_space<hbm>>
      tpu.wait_indirect_dma semaphore(%arg15 : memref<!tpu.dma_semaphore, #tpu.memory_space<semaphore_mem>>) src(%dma_wait3A_682 : memref<10000x128xf32, #tpu.memory_space<hbm>>) dst(%arg11 : memref<80x128xf32, #tpu.memory_space<vmem>>)
      "tpu.region"() ({
        %run_scoped3A_707 = tpu.sem_alloc : memref<!tpu.dma_semaphore, #tpu.memory_space<semaphore_mem>>
        %dma_start3A_708 = arith.constant 0 : i32
        %dma_start3A_709 = tpu.memref_slice %arg9[%add3A_672, %dma_start3A_708] : memref<25x80xi32, #tpu.memory_space<vmem>> -> memref<1x80xi32, #tpu.memory_space<vmem>>
        %dma_start3A_710 = tpu.memref_squeeze %dma_start3A_709 : memref<1x80xi32, #tpu.memory_space<vmem>> -> memref<80xi32, #tpu.memory_space<vmem>>
        %dma_start3A_711 = arith.constant 0 : i32
        %dma_start3A_712 = arith.constant 0 : i32
        %dma_start3A_713 = tpu.memref_slice %arg13[%dma_start3A_711, %dma_start3A_712] : memref<10240x128xf32, #tpu.memory_space<vmem_shared>> -> memref<10240x128xf32, #tpu.memory_space<vmem_shared>>
        tpu.enqueue_indirect_dma source(%arg11 : memref<80x128xf32, #tpu.memory_space<vmem>>) target(%dma_start3A_713 : memref<10240x128xf32, #tpu.memory_space<vmem_shared>>) offsets(%dma_start3A_710 : memref<80xi32, #tpu.memory_space<vmem>>) semaphore(%run_scoped3A_707 : memref<!tpu.dma_semaphore, #tpu.memory_space<semaphore_mem>>) {add = true}
        %dma_wait3A_714 = arith.constant 0 : i32
        %dma_wait3A_715 = tpu.memref_slice %arg9[%add3A_672, %dma_wait3A_714] : memref<25x80xi32, #tpu.memory_space<vmem>> -> memref<1x80xi32, #tpu.memory_space<vmem>>
        %dma_wait3A_716 = tpu.memref_squeeze %dma_wait3A_715 : memref<1x80xi32, #tpu.memory_space<vmem>> -> memref<80xi32, #tpu.memory_space<vmem>>
        %dma_wait3A_717 = arith.constant 0 : i32
        %dma_wait3A_718 = arith.constant 0 : i32
        %dma_wait3A_719 = tpu.memref_slice %arg13[%dma_wait3A_717, %dma_wait3A_718] : memref<10240x128xf32, #tpu.memory_space<vmem_shared>> -> memref<10240x128xf32, #tpu.memory_space<vmem_shared>>
        tpu.wait_indirect_dma semaphore(%run_scoped3A_707 : memref<!tpu.dma_semaphore, #tpu.memory_space<semaphore_mem>>) src(%arg11 : memref<80x128xf32, #tpu.memory_space<vmem>>) dst(%dma_wait3A_719 : memref<10240x128xf32, #tpu.memory_space<vmem_shared>>)
        tpu.yield
      }) : () -> ()
      %dma_start3A_683 = arith.constant 0 : i32
      %dma_start3A_684 = tpu.memref_slice %arg8[%add3A_676, %dma_start3A_683] : memref<25x80xi32, #tpu.memory_space<vmem>> -> memref<1x80xi32, #tpu.memory_space<vmem>>
      %dma_start3A_685 = tpu.memref_squeeze %dma_start3A_684 : memref<1x80xi32, #tpu.memory_space<vmem>> -> memref<80xi32, #tpu.memory_space<vmem>>
      %dma_start3A_686 = arith.constant 0 : i32
      %dma_start3A_687 = arith.constant 0 : i32
      %dma_start3A_688 = tpu.memref_slice %arg2[%dma_start3A_686, %dma_start3A_687] : memref<10000x128xf32, #tpu.memory_space<hbm>> -> memref<10000x128xf32, #tpu.memory_space<hbm>>
      tpu.enqueue_indirect_dma source(%dma_start3A_688 : memref<10000x128xf32, #tpu.memory_space<hbm>>) target(%arg11 : memref<80x128xf32, #tpu.memory_space<vmem>>) offsets(%dma_start3A_685 : memref<80xi32, #tpu.memory_space<vmem>>) semaphore(%arg15 : memref<!tpu.dma_semaphore, #tpu.memory_space<semaphore_mem>>)
      %add3A_689 = arith.constant 2 : i32
      %add3A_690 = arith.addi %mul3A_652, %add3A_689 : i32
      %add3A_691 = arith.constant 2 : i32
      %add3A_692 = arith.addi %mul3A_652, %add3A_691 : i32
      %add3A_693 = arith.constant 3 : i32
      %add3A_694 = arith.addi %add3A_692, %add3A_693 : i32
      %dma_wait3A_695 = arith.constant 0 : i32
      %dma_wait3A_696 = tpu.memref_slice %arg8[%add3A_690, %dma_wait3A_695] : memref<25x80xi32, #tpu.memory_space<vmem>> -> memref<1x80xi32, #tpu.memory_space<vmem>>
      %dma_wait3A_697 = tpu.memref_squeeze %dma_wait3A_696 : memref<1x80xi32, #tpu.memory_space<vmem>> -> memref<80xi32, #tpu.memory_space<vmem>>
      %dma_wait3A_698 = arith.constant 0 : i32
      %dma_wait3A_699 = arith.constant 0 : i32
      %dma_wait3A_700 = tpu.memref_slice %arg2[%dma_wait3A_698, %dma_wait3A_699] : memref<10000x128xf32, #tpu.memory_space<hbm>> -> memref<10000x128xf32, #tpu.memory_space<hbm>>
      tpu.wait_indirect_dma semaphore(%arg16 : memref<!tpu.dma_semaphore, #tpu.memory_space<semaphore_mem>>) src(%dma_wait3A_700 : memref<10000x128xf32, #tpu.memory_space<hbm>>) dst(%arg12 : memref<80x128xf32, #tpu.memory_space<vmem>>)
      "tpu.region"() ({
        %run_scoped3A_707 = tpu.sem_alloc : memref<!tpu.dma_semaphore, #tpu.memory_space<semaphore_mem>>
        %dma_start3A_708 = arith.constant 0 : i32
        %dma_start3A_709 = tpu.memref_slice %arg9[%add3A_690, %dma_start3A_708] : memref<25x80xi32, #tpu.memory_space<vmem>> -> memref<1x80xi32, #tpu.memory_space<vmem>>
        %dma_start3A_710 = tpu.memref_squeeze %dma_start3A_709 : memref<1x80xi32, #tpu.memory_space<vmem>> -> memref<80xi32, #tpu.memory_space<vmem>>
        %dma_start3A_711 = arith.constant 0 : i32
        %dma_start3A_712 = arith.constant 0 : i32
        %dma_start3A_713 = tpu.memref_slice %arg13[%dma_start3A_711, %dma_start3A_712] : memref<10240x128xf32, #tpu.memory_space<vmem_shared>> -> memref<10240x128xf32, #tpu.memory_space<vmem_shared>>
        tpu.enqueue_indirect_dma source(%arg12 : memref<80x128xf32, #tpu.memory_space<vmem>>) target(%dma_start3A_713 : memref<10240x128xf32, #tpu.memory_space<vmem_shared>>) offsets(%dma_start3A_710 : memref<80xi32, #tpu.memory_space<vmem>>) semaphore(%run_scoped3A_707 : memref<!tpu.dma_semaphore, #tpu.memory_space<semaphore_mem>>) {add = true}
        %dma_wait3A_714 = arith.constant 0 : i32
        %dma_wait3A_715 = tpu.memref_slice %arg9[%add3A_690, %dma_wait3A_714] : memref<25x80xi32, #tpu.memory_space<vmem>> -> memref<1x80xi32, #tpu.memory_space<vmem>>
        %dma_wait3A_716 = tpu.memref_squeeze %dma_wait3A_715 : memref<1x80xi32, #tpu.memory_space<vmem>> -> memref<80xi32, #tpu.memory_space<vmem>>
        %dma_wait3A_717 = arith.constant 0 : i32
        %dma_wait3A_718 = arith.constant 0 : i32
        %dma_wait3A_719 = tpu.memref_slice %arg13[%dma_wait3A_717, %dma_wait3A_718] : memref<10240x128xf32, #tpu.memory_space<vmem_shared>> -> memref<10240x128xf32, #tpu.memory_space<vmem_shared>>
        tpu.wait_indirect_dma semaphore(%run_scoped3A_707 : memref<!tpu.dma_semaphore, #tpu.memory_space<semaphore_mem>>) src(%arg12 : memref<80x128xf32, #tpu.memory_space<vmem>>) dst(%dma_wait3A_719 : memref<10240x128xf32, #tpu.memory_space<vmem_shared>>)
        tpu.yield
      }) : () -> ()
      %dma_start3A_701 = arith.constant 0 : i32
      %dma_start3A_702 = tpu.memref_slice %arg8[%add3A_694, %dma_start3A_701] : memref<25x80xi32, #tpu.memory_space<vmem>> -> memref<1x80xi32, #tpu.memory_space<vmem>>
      %dma_start3A_703 = tpu.memref_squeeze %dma_start3A_702 : memref<1x80xi32, #tpu.memory_space<vmem>> -> memref<80xi32, #tpu.memory_space<vmem>>
      %dma_start3A_704 = arith.constant 0 : i32
      %dma_start3A_705 = arith.constant 0 : i32
      %dma_start3A_706 = tpu.memref_slice %arg2[%dma_start3A_704, %dma_start3A_705] : memref<10000x128xf32, #tpu.memory_space<hbm>> -> memref<10000x128xf32, #tpu.memory_space<hbm>>
      tpu.enqueue_indirect_dma source(%dma_start3A_706 : memref<10000x128xf32, #tpu.memory_space<hbm>>) target(%arg12 : memref<80x128xf32, #tpu.memory_space<vmem>>) offsets(%dma_start3A_703 : memref<80xi32, #tpu.memory_space<vmem>>) semaphore(%arg16 : memref<!tpu.dma_semaphore, #tpu.memory_space<semaphore_mem>>)
    }
    %scan3A_517 = arith.constant 7 : i32
    %dma_wait3A_518 = arith.constant 21 : i32
    %dma_wait3A_519 = arith.constant 0 : i32
    %dma_wait3A_520 = tpu.memref_slice %arg8[%dma_wait3A_518, %dma_wait3A_519] : memref<25x80xi32, #tpu.memory_space<vmem>> -> memref<1x80xi32, #tpu.memory_space<vmem>>
    %dma_wait3A_521 = tpu.memref_squeeze %dma_wait3A_520 : memref<1x80xi32, #tpu.memory_space<vmem>> -> memref<80xi32, #tpu.memory_space<vmem>>
    %dma_wait3A_522 = arith.constant 0 : i32
    %dma_wait3A_523 = arith.constant 0 : i32
    %dma_wait3A_524 = tpu.memref_slice %arg2[%dma_wait3A_522, %dma_wait3A_523] : memref<10000x128xf32, #tpu.memory_space<hbm>> -> memref<10000x128xf32, #tpu.memory_space<hbm>>
    tpu.wait_indirect_dma semaphore(%arg14 : memref<!tpu.dma_semaphore, #tpu.memory_space<semaphore_mem>>) src(%dma_wait3A_524 : memref<10000x128xf32, #tpu.memory_space<hbm>>) dst(%arg10 : memref<80x128xf32, #tpu.memory_space<vmem>>)
    %run_scoped3A_525 = arith.constant 21 : i32
    "tpu.region"() ({
      %run_scoped3A_650 = tpu.sem_alloc : memref<!tpu.dma_semaphore, #tpu.memory_space<semaphore_mem>>
      %dma_start3A_651 = arith.constant 0 : i32
      %dma_start3A_652 = tpu.memref_slice %arg9[%run_scoped3A_525, %dma_start3A_651] : memref<25x80xi32, #tpu.memory_space<vmem>> -> memref<1x80xi32, #tpu.memory_space<vmem>>
      %dma_start3A_653 = tpu.memref_squeeze %dma_start3A_652 : memref<1x80xi32, #tpu.memory_space<vmem>> -> memref<80xi32, #tpu.memory_space<vmem>>
      %dma_start3A_654 = arith.constant 0 : i32
      %dma_start3A_655 = arith.constant 0 : i32
      %dma_start3A_656 = tpu.memref_slice %arg13[%dma_start3A_654, %dma_start3A_655] : memref<10240x128xf32, #tpu.memory_space<vmem_shared>> -> memref<10240x128xf32, #tpu.memory_space<vmem_shared>>
      tpu.enqueue_indirect_dma source(%arg10 : memref<80x128xf32, #tpu.memory_space<vmem>>) target(%dma_start3A_656 : memref<10240x128xf32, #tpu.memory_space<vmem_shared>>) offsets(%dma_start3A_653 : memref<80xi32, #tpu.memory_space<vmem>>) semaphore(%run_scoped3A_650 : memref<!tpu.dma_semaphore, #tpu.memory_space<semaphore_mem>>) {add = true}
      %dma_wait3A_657 = arith.constant 0 : i32
      %dma_wait3A_658 = tpu.memref_slice %arg9[%run_scoped3A_525, %dma_wait3A_657] : memref<25x80xi32, #tpu.memory_space<vmem>> -> memref<1x80xi32, #tpu.memory_space<vmem>>
      %dma_wait3A_659 = tpu.memref_squeeze %dma_wait3A_658 : memref<1x80xi32, #tpu.memory_space<vmem>> -> memref<80xi32, #tpu.memory_space<vmem>>
      %dma_wait3A_660 = arith.constant 0 : i32
      %dma_wait3A_661 = arith.constant 0 : i32
      %dma_wait3A_662 = tpu.memref_slice %arg13[%dma_wait3A_660, %dma_wait3A_661] : memref<10240x128xf32, #tpu.memory_space<vmem_shared>> -> memref<10240x128xf32, #tpu.memory_space<vmem_shared>>
      tpu.wait_indirect_dma semaphore(%run_scoped3A_650 : memref<!tpu.dma_semaphore, #tpu.memory_space<semaphore_mem>>) src(%arg10 : memref<80x128xf32, #tpu.memory_space<vmem>>) dst(%dma_wait3A_662 : memref<10240x128xf32, #tpu.memory_space<vmem_shared>>)
      tpu.yield
    }) : () -> ()
    %dma_start3A_526 = arith.constant 24 : i32
    %dma_start3A_527 = arith.constant 0 : i32
    %dma_start3A_528 = tpu.memref_slice %arg8[%dma_start3A_526, %dma_start3A_527] : memref<25x80xi32, #tpu.memory_space<vmem>> -> memref<1x80xi32, #tpu.memory_space<vmem>>
    %dma_start3A_529 = tpu.memref_squeeze %dma_start3A_528 : memref<1x80xi32, #tpu.memory_space<vmem>> -> memref<80xi32, #tpu.memory_space<vmem>>
    %dma_start3A_530 = arith.constant 0 : i32
    %dma_start3A_531 = arith.constant 0 : i32
    %dma_start3A_532 = tpu.memref_slice %arg2[%dma_start3A_530, %dma_start3A_531] : memref<10000x128xf32, #tpu.memory_space<hbm>> -> memref<10000x128xf32, #tpu.memory_space<hbm>>
    tpu.enqueue_indirect_dma source(%dma_start3A_532 : memref<10000x128xf32, #tpu.memory_space<hbm>>) target(%arg10 : memref<80x128xf32, #tpu.memory_space<vmem>>) offsets(%dma_start3A_529 : memref<80xi32, #tpu.memory_space<vmem>>) semaphore(%arg14 : memref<!tpu.dma_semaphore, #tpu.memory_space<semaphore_mem>>)
    %dma_wait3A_533 = arith.constant 4 : i32
    %dma_wait3A_534 = arith.constant 0 : i32
    %dma_wait3A_535 = arith.constant 0 : i32
    %dma_wait3A_536 = tpu.memref_slice %arg3[%add3A, %dma_wait3A_533, %dma_wait3A_534, %dma_wait3A_535] : memref<32x5x25x80xi32, #tpu.memory_space<hbm>> -> memref<1x1x25x80xi32, #tpu.memory_space<hbm>>
    %dma_wait3A_537 = tpu.memref_squeeze %dma_wait3A_536 : memref<1x1x25x80xi32, #tpu.memory_space<hbm>> -> memref<25x80xi32, #tpu.memory_space<hbm>>
    %dma_wait3A_538 = arith.constant 0 : i32
    %dma_wait3A_539 = arith.constant 0 : i32
    %dma_wait3A_540 = tpu.memref_slice %arg3[%add3A, %dma_wait3A_533, %dma_wait3A_538, %dma_wait3A_539] : memref<32x5x25x80xi32, #tpu.memory_space<hbm>> -> memref<1x1x25x80xi32, #tpu.memory_space<hbm>>
    %dma_wait3A_541 = tpu.memref_squeeze %dma_wait3A_540 : memref<1x1x25x80xi32, #tpu.memory_space<hbm>> -> memref<25x80xi32, #tpu.memory_space<hbm>>
    tpu.wait_dma2 semaphore(%arg17 : memref<!tpu.dma_semaphore, #tpu.memory_space<semaphore_mem>>) src(%dma_wait3A_541 : memref<25x80xi32, #tpu.memory_space<hbm>>) dst(%arg6 : memref<25x80xi32, #tpu.memory_space<vmem>>)
    %dma_wait3A_542 = arith.constant 4 : i32
    %dma_wait3A_543 = arith.constant 0 : i32
    %dma_wait3A_544 = arith.constant 0 : i32
    %dma_wait3A_545 = tpu.memref_slice %arg4[%add3A, %dma_wait3A_542, %dma_wait3A_543, %dma_wait3A_544] : memref<32x5x25x80xi32, #tpu.memory_space<hbm>> -> memref<1x1x25x80xi32, #tpu.memory_space<hbm>>
    %dma_wait3A_546 = tpu.memref_squeeze %dma_wait3A_545 : memref<1x1x25x80xi32, #tpu.memory_space<hbm>> -> memref<25x80xi32, #tpu.memory_space<hbm>>
    %dma_wait3A_547 = arith.constant 0 : i32
    %dma_wait3A_548 = arith.constant 0 : i32
    %dma_wait3A_549 = tpu.memref_slice %arg4[%add3A, %dma_wait3A_542, %dma_wait3A_547, %dma_wait3A_548] : memref<32x5x25x80xi32, #tpu.memory_space<hbm>> -> memref<1x1x25x80xi32, #tpu.memory_space<hbm>>
    %dma_wait3A_550 = tpu.memref_squeeze %dma_wait3A_549 : memref<1x1x25x80xi32, #tpu.memory_space<hbm>> -> memref<25x80xi32, #tpu.memory_space<hbm>>
    tpu.wait_dma2 semaphore(%arg17 : memref<!tpu.dma_semaphore, #tpu.memory_space<semaphore_mem>>) src(%dma_wait3A_550 : memref<25x80xi32, #tpu.memory_space<hbm>>) dst(%arg7 : memref<25x80xi32, #tpu.memory_space<vmem>>)
    %dma_wait3A_551 = arith.constant 22 : i32
    %dma_wait3A_552 = arith.constant 0 : i32
    %dma_wait3A_553 = tpu.memref_slice %arg8[%dma_wait3A_551, %dma_wait3A_552] : memref<25x80xi32, #tpu.memory_space<vmem>> -> memref<1x80xi32, #tpu.memory_space<vmem>>
    %dma_wait3A_554 = tpu.memref_squeeze %dma_wait3A_553 : memref<1x80xi32, #tpu.memory_space<vmem>> -> memref<80xi32, #tpu.memory_space<vmem>>
    %dma_wait3A_555 = arith.constant 0 : i32
    %dma_wait3A_556 = arith.constant 0 : i32
    %dma_wait3A_557 = tpu.memref_slice %arg2[%dma_wait3A_555, %dma_wait3A_556] : memref<10000x128xf32, #tpu.memory_space<hbm>> -> memref<10000x128xf32, #tpu.memory_space<hbm>>
    tpu.wait_indirect_dma semaphore(%arg15 : memref<!tpu.dma_semaphore, #tpu.memory_space<semaphore_mem>>) src(%dma_wait3A_557 : memref<10000x128xf32, #tpu.memory_space<hbm>>) dst(%arg11 : memref<80x128xf32, #tpu.memory_space<vmem>>)
    %run_scoped3A_558 = arith.constant 22 : i32
    "tpu.region"() ({
      %run_scoped3A_650 = tpu.sem_alloc : memref<!tpu.dma_semaphore, #tpu.memory_space<semaphore_mem>>
      %dma_start3A_651 = arith.constant 0 : i32
      %dma_start3A_652 = tpu.memref_slice %arg9[%run_scoped3A_558, %dma_start3A_651] : memref<25x80xi32, #tpu.memory_space<vmem>> -> memref<1x80xi32, #tpu.memory_space<vmem>>
      %dma_start3A_653 = tpu.memref_squeeze %dma_start3A_652 : memref<1x80xi32, #tpu.memory_space<vmem>> -> memref<80xi32, #tpu.memory_space<vmem>>
      %dma_start3A_654 = arith.constant 0 : i32
      %dma_start3A_655 = arith.constant 0 : i32
      %dma_start3A_656 = tpu.memref_slice %arg13[%dma_start3A_654, %dma_start3A_655] : memref<10240x128xf32, #tpu.memory_space<vmem_shared>> -> memref<10240x128xf32, #tpu.memory_space<vmem_shared>>
      tpu.enqueue_indirect_dma source(%arg11 : memref<80x128xf32, #tpu.memory_space<vmem>>) target(%dma_start3A_656 : memref<10240x128xf32, #tpu.memory_space<vmem_shared>>) offsets(%dma_start3A_653 : memref<80xi32, #tpu.memory_space<vmem>>) semaphore(%run_scoped3A_650 : memref<!tpu.dma_semaphore, #tpu.memory_space<semaphore_mem>>) {add = true}
      %dma_wait3A_657 = arith.constant 0 : i32
      %dma_wait3A_658 = tpu.memref_slice %arg9[%run_scoped3A_558, %dma_wait3A_657] : memref<25x80xi32, #tpu.memory_space<vmem>> -> memref<1x80xi32, #tpu.memory_space<vmem>>
      %dma_wait3A_659 = tpu.memref_squeeze %dma_wait3A_658 : memref<1x80xi32, #tpu.memory_space<vmem>> -> memref<80xi32, #tpu.memory_space<vmem>>
      %dma_wait3A_660 = arith.constant 0 : i32
      %dma_wait3A_661 = arith.constant 0 : i32
      %dma_wait3A_662 = tpu.memref_slice %arg13[%dma_wait3A_660, %dma_wait3A_661] : memref<10240x128xf32, #tpu.memory_space<vmem_shared>> -> memref<10240x128xf32, #tpu.memory_space<vmem_shared>>
      tpu.wait_indirect_dma semaphore(%run_scoped3A_650 : memref<!tpu.dma_semaphore, #tpu.memory_space<semaphore_mem>>) src(%arg11 : memref<80x128xf32, #tpu.memory_space<vmem>>) dst(%dma_wait3A_662 : memref<10240x128xf32, #tpu.memory_space<vmem_shared>>)
      tpu.yield
    }) : () -> ()
    %dma_start3A_559 = arith.constant 0 : i32
    %dma_start3A_560 = arith.constant 0 : i32
    %dma_start3A_561 = tpu.memref_slice %arg6[%dma_start3A_559, %dma_start3A_560] : memref<25x80xi32, #tpu.memory_space<vmem>> -> memref<1x80xi32, #tpu.memory_space<vmem>>
    %dma_start3A_562 = tpu.memref_squeeze %dma_start3A_561 : memref<1x80xi32, #tpu.memory_space<vmem>> -> memref<80xi32, #tpu.memory_space<vmem>>
    %dma_start3A_563 = arith.constant 0 : i32
    %dma_start3A_564 = arith.constant 0 : i32
    %dma_start3A_565 = tpu.memref_slice %arg2[%dma_start3A_563, %dma_start3A_564] : memref<10000x128xf32, #tpu.memory_space<hbm>> -> memref<10000x128xf32, #tpu.memory_space<hbm>>
    tpu.enqueue_indirect_dma source(%dma_start3A_565 : memref<10000x128xf32, #tpu.memory_space<hbm>>) target(%arg11 : memref<80x128xf32, #tpu.memory_space<vmem>>) offsets(%dma_start3A_562 : memref<80xi32, #tpu.memory_space<vmem>>) semaphore(%arg15 : memref<!tpu.dma_semaphore, #tpu.memory_space<semaphore_mem>>)
    %dma_wait3A_566 = arith.constant 23 : i32
    %dma_wait3A_567 = arith.constant 0 : i32
    %dma_wait3A_568 = tpu.memref_slice %arg8[%dma_wait3A_566, %dma_wait3A_567] : memref<25x80xi32, #tpu.memory_space<vmem>> -> memref<1x80xi32, #tpu.memory_space<vmem>>
    %dma_wait3A_569 = tpu.memref_squeeze %dma_wait3A_568 : memref<1x80xi32, #tpu.memory_space<vmem>> -> memref<80xi32, #tpu.memory_space<vmem>>
    %dma_wait3A_570 = arith.constant 0 : i32
    %dma_wait3A_571 = arith.constant 0 : i32
    %dma_wait3A_572 = tpu.memref_slice %arg2[%dma_wait3A_570, %dma_wait3A_571] : memref<10000x128xf32, #tpu.memory_space<hbm>> -> memref<10000x128xf32, #tpu.memory_space<hbm>>
    tpu.wait_indirect_dma semaphore(%arg16 : memref<!tpu.dma_semaphore, #tpu.memory_space<semaphore_mem>>) src(%dma_wait3A_572 : memref<10000x128xf32, #tpu.memory_space<hbm>>) dst(%arg12 : memref<80x128xf32, #tpu.memory_space<vmem>>)
    %run_scoped3A_573 = arith.constant 23 : i32
    "tpu.region"() ({
      %run_scoped3A_650 = tpu.sem_alloc : memref<!tpu.dma_semaphore, #tpu.memory_space<semaphore_mem>>
      %dma_start3A_651 = arith.constant 0 : i32
      %dma_start3A_652 = tpu.memref_slice %arg9[%run_scoped3A_573, %dma_start3A_651] : memref<25x80xi32, #tpu.memory_space<vmem>> -> memref<1x80xi32, #tpu.memory_space<vmem>>
      %dma_start3A_653 = tpu.memref_squeeze %dma_start3A_652 : memref<1x80xi32, #tpu.memory_space<vmem>> -> memref<80xi32, #tpu.memory_space<vmem>>
      %dma_start3A_654 = arith.constant 0 : i32
      %dma_start3A_655 = arith.constant 0 : i32
      %dma_start3A_656 = tpu.memref_slice %arg13[%dma_start3A_654, %dma_start3A_655] : memref<10240x128xf32, #tpu.memory_space<vmem_shared>> -> memref<10240x128xf32, #tpu.memory_space<vmem_shared>>
      tpu.enqueue_indirect_dma source(%arg12 : memref<80x128xf32, #tpu.memory_space<vmem>>) target(%dma_start3A_656 : memref<10240x128xf32, #tpu.memory_space<vmem_shared>>) offsets(%dma_start3A_653 : memref<80xi32, #tpu.memory_space<vmem>>) semaphore(%run_scoped3A_650 : memref<!tpu.dma_semaphore, #tpu.memory_space<semaphore_mem>>) {add = true}
      %dma_wait3A_657 = arith.constant 0 : i32
      %dma_wait3A_658 = tpu.memref_slice %arg9[%run_scoped3A_573, %dma_wait3A_657] : memref<25x80xi32, #tpu.memory_space<vmem>> -> memref<1x80xi32, #tpu.memory_space<vmem>>
      %dma_wait3A_659 = tpu.memref_squeeze %dma_wait3A_658 : memref<1x80xi32, #tpu.memory_space<vmem>> -> memref<80xi32, #tpu.memory_space<vmem>>
      %dma_wait3A_660 = arith.constant 0 : i32
      %dma_wait3A_661 = arith.constant 0 : i32
      %dma_wait3A_662 = tpu.memref_slice %arg13[%dma_wait3A_660, %dma_wait3A_661] : memref<10240x128xf32, #tpu.memory_space<vmem_shared>> -> memref<10240x128xf32, #tpu.memory_space<vmem_shared>>
      tpu.wait_indirect_dma semaphore(%run_scoped3A_650 : memref<!tpu.dma_semaphore, #tpu.memory_space<semaphore_mem>>) src(%arg12 : memref<80x128xf32, #tpu.memory_space<vmem>>) dst(%dma_wait3A_662 : memref<10240x128xf32, #tpu.memory_space<vmem_shared>>)
      tpu.yield
    }) : () -> ()
    %dma_start3A_574 = arith.constant 1 : i32
    %dma_start3A_575 = arith.constant 0 : i32
    %dma_start3A_576 = tpu.memref_slice %arg6[%dma_start3A_574, %dma_start3A_575] : memref<25x80xi32, #tpu.memory_space<vmem>> -> memref<1x80xi32, #tpu.memory_space<vmem>>
    %dma_start3A_577 = tpu.memref_squeeze %dma_start3A_576 : memref<1x80xi32, #tpu.memory_space<vmem>> -> memref<80xi32, #tpu.memory_space<vmem>>
    %dma_start3A_578 = arith.constant 0 : i32
    %dma_start3A_579 = arith.constant 0 : i32
    %dma_start3A_580 = tpu.memref_slice %arg2[%dma_start3A_578, %dma_start3A_579] : memref<10000x128xf32, #tpu.memory_space<hbm>> -> memref<10000x128xf32, #tpu.memory_space<hbm>>
    tpu.enqueue_indirect_dma source(%dma_start3A_580 : memref<10000x128xf32, #tpu.memory_space<hbm>>) target(%arg12 : memref<80x128xf32, #tpu.memory_space<vmem>>) offsets(%dma_start3A_577 : memref<80xi32, #tpu.memory_space<vmem>>) semaphore(%arg16 : memref<!tpu.dma_semaphore, #tpu.memory_space<semaphore_mem>>)
    %dma_wait3A_581 = arith.constant 24 : i32
    %dma_wait3A_582 = arith.constant 0 : i32
    %dma_wait3A_583 = tpu.memref_slice %arg8[%dma_wait3A_581, %dma_wait3A_582] : memref<25x80xi32, #tpu.memory_space<vmem>> -> memref<1x80xi32, #tpu.memory_space<vmem>>
    %dma_wait3A_584 = tpu.memref_squeeze %dma_wait3A_583 : memref<1x80xi32, #tpu.memory_space<vmem>> -> memref<80xi32, #tpu.memory_space<vmem>>
    %dma_wait3A_585 = arith.constant 0 : i32
    %dma_wait3A_586 = arith.constant 0 : i32
    %dma_wait3A_587 = tpu.memref_slice %arg2[%dma_wait3A_585, %dma_wait3A_586] : memref<10000x128xf32, #tpu.memory_space<hbm>> -> memref<10000x128xf32, #tpu.memory_space<hbm>>
    tpu.wait_indirect_dma semaphore(%arg14 : memref<!tpu.dma_semaphore, #tpu.memory_space<semaphore_mem>>) src(%dma_wait3A_587 : memref<10000x128xf32, #tpu.memory_space<hbm>>) dst(%arg10 : memref<80x128xf32, #tpu.memory_space<vmem>>)
    %run_scoped3A_588 = arith.constant 24 : i32
    "tpu.region"() ({
      %run_scoped3A_650 = tpu.sem_alloc : memref<!tpu.dma_semaphore, #tpu.memory_space<semaphore_mem>>
      %dma_start3A_651 = arith.constant 0 : i32
      %dma_start3A_652 = tpu.memref_slice %arg9[%run_scoped3A_588, %dma_start3A_651] : memref<25x80xi32, #tpu.memory_space<vmem>> -> memref<1x80xi32, #tpu.memory_space<vmem>>
      %dma_start3A_653 = tpu.memref_squeeze %dma_start3A_652 : memref<1x80xi32, #tpu.memory_space<vmem>> -> memref<80xi32, #tpu.memory_space<vmem>>
      %dma_start3A_654 = arith.constant 0 : i32
      %dma_start3A_655 = arith.constant 0 : i32
      %dma_start3A_656 = tpu.memref_slice %arg13[%dma_start3A_654, %dma_start3A_655] : memref<10240x128xf32, #tpu.memory_space<vmem_shared>> -> memref<10240x128xf32, #tpu.memory_space<vmem_shared>>
      tpu.enqueue_indirect_dma source(%arg10 : memref<80x128xf32, #tpu.memory_space<vmem>>) target(%dma_start3A_656 : memref<10240x128xf32, #tpu.memory_space<vmem_shared>>) offsets(%dma_start3A_653 : memref<80xi32, #tpu.memory_space<vmem>>) semaphore(%run_scoped3A_650 : memref<!tpu.dma_semaphore, #tpu.memory_space<semaphore_mem>>) {add = true}
      %dma_wait3A_657 = arith.constant 0 : i32
      %dma_wait3A_658 = tpu.memref_slice %arg9[%run_scoped3A_588, %dma_wait3A_657] : memref<25x80xi32, #tpu.memory_space<vmem>> -> memref<1x80xi32, #tpu.memory_space<vmem>>
      %dma_wait3A_659 = tpu.memref_squeeze %dma_wait3A_658 : memref<1x80xi32, #tpu.memory_space<vmem>> -> memref<80xi32, #tpu.memory_space<vmem>>
      %dma_wait3A_660 = arith.constant 0 : i32
      %dma_wait3A_661 = arith.constant 0 : i32
      %dma_wait3A_662 = tpu.memref_slice %arg13[%dma_wait3A_660, %dma_wait3A_661] : memref<10240x128xf32, #tpu.memory_space<vmem_shared>> -> memref<10240x128xf32, #tpu.memory_space<vmem_shared>>
      tpu.wait_indirect_dma semaphore(%run_scoped3A_650 : memref<!tpu.dma_semaphore, #tpu.memory_space<semaphore_mem>>) src(%arg10 : memref<80x128xf32, #tpu.memory_space<vmem>>) dst(%dma_wait3A_662 : memref<10240x128xf32, #tpu.memory_space<vmem_shared>>)
      tpu.yield
    }) : () -> ()
    %dma_start3A_589 = arith.constant 2 : i32
    %dma_start3A_590 = arith.constant 0 : i32
    %dma_start3A_591 = tpu.memref_slice %arg6[%dma_start3A_589, %dma_start3A_590] : memref<25x80xi32, #tpu.memory_space<vmem>> -> memref<1x80xi32, #tpu.memory_space<vmem>>
    %dma_start3A_592 = tpu.memref_squeeze %dma_start3A_591 : memref<1x80xi32, #tpu.memory_space<vmem>> -> memref<80xi32, #tpu.memory_space<vmem>>
    %dma_start3A_593 = arith.constant 0 : i32
    %dma_start3A_594 = arith.constant 0 : i32
    %dma_start3A_595 = tpu.memref_slice %arg2[%dma_start3A_593, %dma_start3A_594] : memref<10000x128xf32, #tpu.memory_space<hbm>> -> memref<10000x128xf32, #tpu.memory_space<hbm>>
    tpu.enqueue_indirect_dma source(%dma_start3A_595 : memref<10000x128xf32, #tpu.memory_space<hbm>>) target(%arg10 : memref<80x128xf32, #tpu.memory_space<vmem>>) offsets(%dma_start3A_592 : memref<80xi32, #tpu.memory_space<vmem>>) semaphore(%arg14 : memref<!tpu.dma_semaphore, #tpu.memory_space<semaphore_mem>>)
    %scan3A_596 = arith.constant 0 : i32
    %scan3A_597 = arith.constant 0 : i32
    %scan3A_598 = arith.constant 7 : i32
    %scan3A_599 = arith.addi %scan3A_597, %scan3A_598 : i32
    %scan3A_600 = arith.constant 1 : i32
    scf.for %scan3A_650 = %scan3A_597 to %scan3A_599 step %scan3A_600  : i32 {
      %mul3A_651 = arith.constant 3 : i32
      %mul3A_652 = arith.muli %mul3A_651, %scan3A_650 : i32
      %add3A_653 = arith.constant 0 : i32
      %add3A_654 = arith.addi %mul3A_652, %add3A_653 : i32
      %add3A_655 = arith.constant 0 : i32
      %add3A_656 = arith.addi %mul3A_652, %add3A_655 : i32
      %add3A_657 = arith.constant 3 : i32
      %add3A_658 = arith.addi %add3A_656, %add3A_657 : i32
      %dma_wait3A_659 = arith.constant 0 : i32
      %dma_wait3A_660 = tpu.memref_slice %arg6[%add3A_654, %dma_wait3A_659] : memref<25x80xi32, #tpu.memory_space<vmem>> -> memref<1x80xi32, #tpu.memory_space<vmem>>
      %dma_wait3A_661 = tpu.memref_squeeze %dma_wait3A_660 : memref<1x80xi32, #tpu.memory_space<vmem>> -> memref<80xi32, #tpu.memory_space<vmem>>
      %dma_wait3A_662 = arith.constant 0 : i32
      %dma_wait3A_663 = arith.constant 0 : i32
      %dma_wait3A_664 = tpu.memref_slice %arg2[%dma_wait3A_662, %dma_wait3A_663] : memref<10000x128xf32, #tpu.memory_space<hbm>> -> memref<10000x128xf32, #tpu.memory_space<hbm>>
      tpu.wait_indirect_dma semaphore(%arg15 : memref<!tpu.dma_semaphore, #tpu.memory_space<semaphore_mem>>) src(%dma_wait3A_664 : memref<10000x128xf32, #tpu.memory_space<hbm>>) dst(%arg11 : memref<80x128xf32, #tpu.memory_space<vmem>>)
      "tpu.region"() ({
        %run_scoped3A_707 = tpu.sem_alloc : memref<!tpu.dma_semaphore, #tpu.memory_space<semaphore_mem>>
        %dma_start3A_708 = arith.constant 0 : i32
        %dma_start3A_709 = tpu.memref_slice %arg7[%add3A_654, %dma_start3A_708] : memref<25x80xi32, #tpu.memory_space<vmem>> -> memref<1x80xi32, #tpu.memory_space<vmem>>
        %dma_start3A_710 = tpu.memref_squeeze %dma_start3A_709 : memref<1x80xi32, #tpu.memory_space<vmem>> -> memref<80xi32, #tpu.memory_space<vmem>>
        %dma_start3A_711 = arith.constant 0 : i32
        %dma_start3A_712 = arith.constant 0 : i32
        %dma_start3A_713 = tpu.memref_slice %arg13[%dma_start3A_711, %dma_start3A_712] : memref<10240x128xf32, #tpu.memory_space<vmem_shared>> -> memref<10240x128xf32, #tpu.memory_space<vmem_shared>>
        tpu.enqueue_indirect_dma source(%arg11 : memref<80x128xf32, #tpu.memory_space<vmem>>) target(%dma_start3A_713 : memref<10240x128xf32, #tpu.memory_space<vmem_shared>>) offsets(%dma_start3A_710 : memref<80xi32, #tpu.memory_space<vmem>>) semaphore(%run_scoped3A_707 : memref<!tpu.dma_semaphore, #tpu.memory_space<semaphore_mem>>) {add = true}
        %dma_wait3A_714 = arith.constant 0 : i32
        %dma_wait3A_715 = tpu.memref_slice %arg7[%add3A_654, %dma_wait3A_714] : memref<25x80xi32, #tpu.memory_space<vmem>> -> memref<1x80xi32, #tpu.memory_space<vmem>>
        %dma_wait3A_716 = tpu.memref_squeeze %dma_wait3A_715 : memref<1x80xi32, #tpu.memory_space<vmem>> -> memref<80xi32, #tpu.memory_space<vmem>>
        %dma_wait3A_717 = arith.constant 0 : i32
        %dma_wait3A_718 = arith.constant 0 : i32
        %dma_wait3A_719 = tpu.memref_slice %arg13[%dma_wait3A_717, %dma_wait3A_718] : memref<10240x128xf32, #tpu.memory_space<vmem_shared>> -> memref<10240x128xf32, #tpu.memory_space<vmem_shared>>
        tpu.wait_indirect_dma semaphore(%run_scoped3A_707 : memref<!tpu.dma_semaphore, #tpu.memory_space<semaphore_mem>>) src(%arg11 : memref<80x128xf32, #tpu.memory_space<vmem>>) dst(%dma_wait3A_719 : memref<10240x128xf32, #tpu.memory_space<vmem_shared>>)
        tpu.yield
      }) : () -> ()
      %dma_start3A_665 = arith.constant 0 : i32
      %dma_start3A_666 = tpu.memref_slice %arg6[%add3A_658, %dma_start3A_665] : memref<25x80xi32, #tpu.memory_space<vmem>> -> memref<1x80xi32, #tpu.memory_space<vmem>>
      %dma_start3A_667 = tpu.memref_squeeze %dma_start3A_666 : memref<1x80xi32, #tpu.memory_space<vmem>> -> memref<80xi32, #tpu.memory_space<vmem>>
      %dma_start3A_668 = arith.constant 0 : i32
      %dma_start3A_669 = arith.constant 0 : i32
      %dma_start3A_670 = tpu.memref_slice %arg2[%dma_start3A_668, %dma_start3A_669] : memref<10000x128xf32, #tpu.memory_space<hbm>> -> memref<10000x128xf32, #tpu.memory_space<hbm>>
      tpu.enqueue_indirect_dma source(%dma_start3A_670 : memref<10000x128xf32, #tpu.memory_space<hbm>>) target(%arg11 : memref<80x128xf32, #tpu.memory_space<vmem>>) offsets(%dma_start3A_667 : memref<80xi32, #tpu.memory_space<vmem>>) semaphore(%arg15 : memref<!tpu.dma_semaphore, #tpu.memory_space<semaphore_mem>>)
      %add3A_671 = arith.constant 1 : i32
      %add3A_672 = arith.addi %mul3A_652, %add3A_671 : i32
      %add3A_673 = arith.constant 1 : i32
      %add3A_674 = arith.addi %mul3A_652, %add3A_673 : i32
      %add3A_675 = arith.constant 3 : i32
      %add3A_676 = arith.addi %add3A_674, %add3A_675 : i32
      %dma_wait3A_677 = arith.constant 0 : i32
      %dma_wait3A_678 = tpu.memref_slice %arg6[%add3A_672, %dma_wait3A_677] : memref<25x80xi32, #tpu.memory_space<vmem>> -> memref<1x80xi32, #tpu.memory_space<vmem>>
      %dma_wait3A_679 = tpu.memref_squeeze %dma_wait3A_678 : memref<1x80xi32, #tpu.memory_space<vmem>> -> memref<80xi32, #tpu.memory_space<vmem>>
      %dma_wait3A_680 = arith.constant 0 : i32
      %dma_wait3A_681 = arith.constant 0 : i32
      %dma_wait3A_682 = tpu.memref_slice %arg2[%dma_wait3A_680, %dma_wait3A_681] : memref<10000x128xf32, #tpu.memory_space<hbm>> -> memref<10000x128xf32, #tpu.memory_space<hbm>>
      tpu.wait_indirect_dma semaphore(%arg16 : memref<!tpu.dma_semaphore, #tpu.memory_space<semaphore_mem>>) src(%dma_wait3A_682 : memref<10000x128xf32, #tpu.memory_space<hbm>>) dst(%arg12 : memref<80x128xf32, #tpu.memory_space<vmem>>)
      "tpu.region"() ({
        %run_scoped3A_707 = tpu.sem_alloc : memref<!tpu.dma_semaphore, #tpu.memory_space<semaphore_mem>>
        %dma_start3A_708 = arith.constant 0 : i32
        %dma_start3A_709 = tpu.memref_slice %arg7[%add3A_672, %dma_start3A_708] : memref<25x80xi32, #tpu.memory_space<vmem>> -> memref<1x80xi32, #tpu.memory_space<vmem>>
        %dma_start3A_710 = tpu.memref_squeeze %dma_start3A_709 : memref<1x80xi32, #tpu.memory_space<vmem>> -> memref<80xi32, #tpu.memory_space<vmem>>
        %dma_start3A_711 = arith.constant 0 : i32
        %dma_start3A_712 = arith.constant 0 : i32
        %dma_start3A_713 = tpu.memref_slice %arg13[%dma_start3A_711, %dma_start3A_712] : memref<10240x128xf32, #tpu.memory_space<vmem_shared>> -> memref<10240x128xf32, #tpu.memory_space<vmem_shared>>
        tpu.enqueue_indirect_dma source(%arg12 : memref<80x128xf32, #tpu.memory_space<vmem>>) target(%dma_start3A_713 : memref<10240x128xf32, #tpu.memory_space<vmem_shared>>) offsets(%dma_start3A_710 : memref<80xi32, #tpu.memory_space<vmem>>) semaphore(%run_scoped3A_707 : memref<!tpu.dma_semaphore, #tpu.memory_space<semaphore_mem>>) {add = true}
        %dma_wait3A_714 = arith.constant 0 : i32
        %dma_wait3A_715 = tpu.memref_slice %arg7[%add3A_672, %dma_wait3A_714] : memref<25x80xi32, #tpu.memory_space<vmem>> -> memref<1x80xi32, #tpu.memory_space<vmem>>
        %dma_wait3A_716 = tpu.memref_squeeze %dma_wait3A_715 : memref<1x80xi32, #tpu.memory_space<vmem>> -> memref<80xi32, #tpu.memory_space<vmem>>
        %dma_wait3A_717 = arith.constant 0 : i32
        %dma_wait3A_718 = arith.constant 0 : i32
        %dma_wait3A_719 = tpu.memref_slice %arg13[%dma_wait3A_717, %dma_wait3A_718] : memref<10240x128xf32, #tpu.memory_space<vmem_shared>> -> memref<10240x128xf32, #tpu.memory_space<vmem_shared>>
        tpu.wait_indirect_dma semaphore(%run_scoped3A_707 : memref<!tpu.dma_semaphore, #tpu.memory_space<semaphore_mem>>) src(%arg12 : memref<80x128xf32, #tpu.memory_space<vmem>>) dst(%dma_wait3A_719 : memref<10240x128xf32, #tpu.memory_space<vmem_shared>>)
        tpu.yield
      }) : () -> ()
      %dma_start3A_683 = arith.constant 0 : i32
      %dma_start3A_684 = tpu.memref_slice %arg6[%add3A_676, %dma_start3A_683] : memref<25x80xi32, #tpu.memory_space<vmem>> -> memref<1x80xi32, #tpu.memory_space<vmem>>
      %dma_start3A_685 = tpu.memref_squeeze %dma_start3A_684 : memref<1x80xi32, #tpu.memory_space<vmem>> -> memref<80xi32, #tpu.memory_space<vmem>>
      %dma_start3A_686 = arith.constant 0 : i32
      %dma_start3A_687 = arith.constant 0 : i32
      %dma_start3A_688 = tpu.memref_slice %arg2[%dma_start3A_686, %dma_start3A_687] : memref<10000x128xf32, #tpu.memory_space<hbm>> -> memref<10000x128xf32, #tpu.memory_space<hbm>>
      tpu.enqueue_indirect_dma source(%dma_start3A_688 : memref<10000x128xf32, #tpu.memory_space<hbm>>) target(%arg12 : memref<80x128xf32, #tpu.memory_space<vmem>>) offsets(%dma_start3A_685 : memref<80xi32, #tpu.memory_space<vmem>>) semaphore(%arg16 : memref<!tpu.dma_semaphore, #tpu.memory_space<semaphore_mem>>)
      %add3A_689 = arith.constant 2 : i32
      %add3A_690 = arith.addi %mul3A_652, %add3A_689 : i32
      %add3A_691 = arith.constant 2 : i32
      %add3A_692 = arith.addi %mul3A_652, %add3A_691 : i32
      %add3A_693 = arith.constant 3 : i32
      %add3A_694 = arith.addi %add3A_692, %add3A_693 : i32
      %dma_wait3A_695 = arith.constant 0 : i32
      %dma_wait3A_696 = tpu.memref_slice %arg6[%add3A_690, %dma_wait3A_695] : memref<25x80xi32, #tpu.memory_space<vmem>> -> memref<1x80xi32, #tpu.memory_space<vmem>>
      %dma_wait3A_697 = tpu.memref_squeeze %dma_wait3A_696 : memref<1x80xi32, #tpu.memory_space<vmem>> -> memref<80xi32, #tpu.memory_space<vmem>>
      %dma_wait3A_698 = arith.constant 0 : i32
      %dma_wait3A_699 = arith.constant 0 : i32
      %dma_wait3A_700 = tpu.memref_slice %arg2[%dma_wait3A_698, %dma_wait3A_699] : memref<10000x128xf32, #tpu.memory_space<hbm>> -> memref<10000x128xf32, #tpu.memory_space<hbm>>
      tpu.wait_indirect_dma semaphore(%arg14 : memref<!tpu.dma_semaphore, #tpu.memory_space<semaphore_mem>>) src(%dma_wait3A_700 : memref<10000x128xf32, #tpu.memory_space<hbm>>) dst(%arg10 : memref<80x128xf32, #tpu.memory_space<vmem>>)
      "tpu.region"() ({
        %run_scoped3A_707 = tpu.sem_alloc : memref<!tpu.dma_semaphore, #tpu.memory_space<semaphore_mem>>
        %dma_start3A_708 = arith.constant 0 : i32
        %dma_start3A_709 = tpu.memref_slice %arg7[%add3A_690, %dma_start3A_708] : memref<25x80xi32, #tpu.memory_space<vmem>> -> memref<1x80xi32, #tpu.memory_space<vmem>>
        %dma_start3A_710 = tpu.memref_squeeze %dma_start3A_709 : memref<1x80xi32, #tpu.memory_space<vmem>> -> memref<80xi32, #tpu.memory_space<vmem>>
        %dma_start3A_711 = arith.constant 0 : i32
        %dma_start3A_712 = arith.constant 0 : i32
        %dma_start3A_713 = tpu.memref_slice %arg13[%dma_start3A_711, %dma_start3A_712] : memref<10240x128xf32, #tpu.memory_space<vmem_shared>> -> memref<10240x128xf32, #tpu.memory_space<vmem_shared>>
        tpu.enqueue_indirect_dma source(%arg10 : memref<80x128xf32, #tpu.memory_space<vmem>>) target(%dma_start3A_713 : memref<10240x128xf32, #tpu.memory_space<vmem_shared>>) offsets(%dma_start3A_710 : memref<80xi32, #tpu.memory_space<vmem>>) semaphore(%run_scoped3A_707 : memref<!tpu.dma_semaphore, #tpu.memory_space<semaphore_mem>>) {add = true}
        %dma_wait3A_714 = arith.constant 0 : i32
        %dma_wait3A_715 = tpu.memref_slice %arg7[%add3A_690, %dma_wait3A_714] : memref<25x80xi32, #tpu.memory_space<vmem>> -> memref<1x80xi32, #tpu.memory_space<vmem>>
        %dma_wait3A_716 = tpu.memref_squeeze %dma_wait3A_715 : memref<1x80xi32, #tpu.memory_space<vmem>> -> memref<80xi32, #tpu.memory_space<vmem>>
        %dma_wait3A_717 = arith.constant 0 : i32
        %dma_wait3A_718 = arith.constant 0 : i32
        %dma_wait3A_719 = tpu.memref_slice %arg13[%dma_wait3A_717, %dma_wait3A_718] : memref<10240x128xf32, #tpu.memory_space<vmem_shared>> -> memref<10240x128xf32, #tpu.memory_space<vmem_shared>>
        tpu.wait_indirect_dma semaphore(%run_scoped3A_707 : memref<!tpu.dma_semaphore, #tpu.memory_space<semaphore_mem>>) src(%arg10 : memref<80x128xf32, #tpu.memory_space<vmem>>) dst(%dma_wait3A_719 : memref<10240x128xf32, #tpu.memory_space<vmem_shared>>)
        tpu.yield
      }) : () -> ()
      %dma_start3A_701 = arith.constant 0 : i32
      %dma_start3A_702 = tpu.memref_slice %arg6[%add3A_694, %dma_start3A_701] : memref<25x80xi32, #tpu.memory_space<vmem>> -> memref<1x80xi32, #tpu.memory_space<vmem>>
      %dma_start3A_703 = tpu.memref_squeeze %dma_start3A_702 : memref<1x80xi32, #tpu.memory_space<vmem>> -> memref<80xi32, #tpu.memory_space<vmem>>
      %dma_start3A_704 = arith.constant 0 : i32
      %dma_start3A_705 = arith.constant 0 : i32
      %dma_start3A_706 = tpu.memref_slice %arg2[%dma_start3A_704, %dma_start3A_705] : memref<10000x128xf32, #tpu.memory_space<hbm>> -> memref<10000x128xf32, #tpu.memory_space<hbm>>
      tpu.enqueue_indirect_dma source(%dma_start3A_706 : memref<10000x128xf32, #tpu.memory_space<hbm>>) target(%arg10 : memref<80x128xf32, #tpu.memory_space<vmem>>) offsets(%dma_start3A_703 : memref<80xi32, #tpu.memory_space<vmem>>) semaphore(%arg14 : memref<!tpu.dma_semaphore, #tpu.memory_space<semaphore_mem>>)
    }
    %scan3A_601 = arith.constant 7 : i32
    %dma_wait3A_602 = arith.constant 21 : i32
    %dma_wait3A_603 = arith.constant 0 : i32
    %dma_wait3A_604 = tpu.memref_slice %arg6[%dma_wait3A_602, %dma_wait3A_603] : memref<25x80xi32, #tpu.memory_space<vmem>> -> memref<1x80xi32, #tpu.memory_space<vmem>>
    %dma_wait3A_605 = tpu.memref_squeeze %dma_wait3A_604 : memref<1x80xi32, #tpu.memory_space<vmem>> -> memref<80xi32, #tpu.memory_space<vmem>>
    %dma_wait3A_606 = arith.constant 0 : i32
    %dma_wait3A_607 = arith.constant 0 : i32
    %dma_wait3A_608 = tpu.memref_slice %arg2[%dma_wait3A_606, %dma_wait3A_607] : memref<10000x128xf32, #tpu.memory_space<hbm>> -> memref<10000x128xf32, #tpu.memory_space<hbm>>
    tpu.wait_indirect_dma semaphore(%arg15 : memref<!tpu.dma_semaphore, #tpu.memory_space<semaphore_mem>>) src(%dma_wait3A_608 : memref<10000x128xf32, #tpu.memory_space<hbm>>) dst(%arg11 : memref<80x128xf32, #tpu.memory_space<vmem>>)
    %run_scoped3A_609 = arith.constant 21 : i32
    "tpu.region"() ({
      %run_scoped3A_650 = tpu.sem_alloc : memref<!tpu.dma_semaphore, #tpu.memory_space<semaphore_mem>>
      %dma_start3A_651 = arith.constant 0 : i32
      %dma_start3A_652 = tpu.memref_slice %arg7[%run_scoped3A_609, %dma_start3A_651] : memref<25x80xi32, #tpu.memory_space<vmem>> -> memref<1x80xi32, #tpu.memory_space<vmem>>
      %dma_start3A_653 = tpu.memref_squeeze %dma_start3A_652 : memref<1x80xi32, #tpu.memory_space<vmem>> -> memref<80xi32, #tpu.memory_space<vmem>>
      %dma_start3A_654 = arith.constant 0 : i32
      %dma_start3A_655 = arith.constant 0 : i32
      %dma_start3A_656 = tpu.memref_slice %arg13[%dma_start3A_654, %dma_start3A_655] : memref<10240x128xf32, #tpu.memory_space<vmem_shared>> -> memref<10240x128xf32, #tpu.memory_space<vmem_shared>>
      tpu.enqueue_indirect_dma source(%arg11 : memref<80x128xf32, #tpu.memory_space<vmem>>) target(%dma_start3A_656 : memref<10240x128xf32, #tpu.memory_space<vmem_shared>>) offsets(%dma_start3A_653 : memref<80xi32, #tpu.memory_space<vmem>>) semaphore(%run_scoped3A_650 : memref<!tpu.dma_semaphore, #tpu.memory_space<semaphore_mem>>) {add = true}
      %dma_wait3A_657 = arith.constant 0 : i32
      %dma_wait3A_658 = tpu.memref_slice %arg7[%run_scoped3A_609, %dma_wait3A_657] : memref<25x80xi32, #tpu.memory_space<vmem>> -> memref<1x80xi32, #tpu.memory_space<vmem>>
      %dma_wait3A_659 = tpu.memref_squeeze %dma_wait3A_658 : memref<1x80xi32, #tpu.memory_space<vmem>> -> memref<80xi32, #tpu.memory_space<vmem>>
      %dma_wait3A_660 = arith.constant 0 : i32
      %dma_wait3A_661 = arith.constant 0 : i32
      %dma_wait3A_662 = tpu.memref_slice %arg13[%dma_wait3A_660, %dma_wait3A_661] : memref<10240x128xf32, #tpu.memory_space<vmem_shared>> -> memref<10240x128xf32, #tpu.memory_space<vmem_shared>>
      tpu.wait_indirect_dma semaphore(%run_scoped3A_650 : memref<!tpu.dma_semaphore, #tpu.memory_space<semaphore_mem>>) src(%arg11 : memref<80x128xf32, #tpu.memory_space<vmem>>) dst(%dma_wait3A_662 : memref<10240x128xf32, #tpu.memory_space<vmem_shared>>)
      tpu.yield
    }) : () -> ()
    %dma_start3A_610 = arith.constant 24 : i32
    %dma_start3A_611 = arith.constant 0 : i32
    %dma_start3A_612 = tpu.memref_slice %arg6[%dma_start3A_610, %dma_start3A_611] : memref<25x80xi32, #tpu.memory_space<vmem>> -> memref<1x80xi32, #tpu.memory_space<vmem>>
    %dma_start3A_613 = tpu.memref_squeeze %dma_start3A_612 : memref<1x80xi32, #tpu.memory_space<vmem>> -> memref<80xi32, #tpu.memory_space<vmem>>
    %dma_start3A_614 = arith.constant 0 : i32
    %dma_start3A_615 = arith.constant 0 : i32
    %dma_start3A_616 = tpu.memref_slice %arg2[%dma_start3A_614, %dma_start3A_615] : memref<10000x128xf32, #tpu.memory_space<hbm>> -> memref<10000x128xf32, #tpu.memory_space<hbm>>
    tpu.enqueue_indirect_dma source(%dma_start3A_616 : memref<10000x128xf32, #tpu.memory_space<hbm>>) target(%arg11 : memref<80x128xf32, #tpu.memory_space<vmem>>) offsets(%dma_start3A_613 : memref<80xi32, #tpu.memory_space<vmem>>) semaphore(%arg15 : memref<!tpu.dma_semaphore, #tpu.memory_space<semaphore_mem>>)
    %dma_wait3A_617 = arith.constant 22 : i32
    %dma_wait3A_618 = arith.constant 0 : i32
    %dma_wait3A_619 = tpu.memref_slice %arg6[%dma_wait3A_617, %dma_wait3A_618] : memref<25x80xi32, #tpu.memory_space<vmem>> -> memref<1x80xi32, #tpu.memory_space<vmem>>
    %dma_wait3A_620 = tpu.memref_squeeze %dma_wait3A_619 : memref<1x80xi32, #tpu.memory_space<vmem>> -> memref<80xi32, #tpu.memory_space<vmem>>
    %dma_wait3A_621 = arith.constant 0 : i32
    %dma_wait3A_622 = arith.constant 0 : i32
    %dma_wait3A_623 = tpu.memref_slice %arg2[%dma_wait3A_621, %dma_wait3A_622] : memref<10000x128xf32, #tpu.memory_space<hbm>> -> memref<10000x128xf32, #tpu.memory_space<hbm>>
    tpu.wait_indirect_dma semaphore(%arg16 : memref<!tpu.dma_semaphore, #tpu.memory_space<semaphore_mem>>) src(%dma_wait3A_623 : memref<10000x128xf32, #tpu.memory_space<hbm>>) dst(%arg12 : memref<80x128xf32, #tpu.memory_space<vmem>>)
    %run_scoped3A_624 = arith.constant 22 : i32
    "tpu.region"() ({
      %run_scoped3A_650 = tpu.sem_alloc : memref<!tpu.dma_semaphore, #tpu.memory_space<semaphore_mem>>
      %dma_start3A_651 = arith.constant 0 : i32
      %dma_start3A_652 = tpu.memref_slice %arg7[%run_scoped3A_624, %dma_start3A_651] : memref<25x80xi32, #tpu.memory_space<vmem>> -> memref<1x80xi32, #tpu.memory_space<vmem>>
      %dma_start3A_653 = tpu.memref_squeeze %dma_start3A_652 : memref<1x80xi32, #tpu.memory_space<vmem>> -> memref<80xi32, #tpu.memory_space<vmem>>
      %dma_start3A_654 = arith.constant 0 : i32
      %dma_start3A_655 = arith.constant 0 : i32
      %dma_start3A_656 = tpu.memref_slice %arg13[%dma_start3A_654, %dma_start3A_655] : memref<10240x128xf32, #tpu.memory_space<vmem_shared>> -> memref<10240x128xf32, #tpu.memory_space<vmem_shared>>
      tpu.enqueue_indirect_dma source(%arg12 : memref<80x128xf32, #tpu.memory_space<vmem>>) target(%dma_start3A_656 : memref<10240x128xf32, #tpu.memory_space<vmem_shared>>) offsets(%dma_start3A_653 : memref<80xi32, #tpu.memory_space<vmem>>) semaphore(%run_scoped3A_650 : memref<!tpu.dma_semaphore, #tpu.memory_space<semaphore_mem>>) {add = true}
      %dma_wait3A_657 = arith.constant 0 : i32
      %dma_wait3A_658 = tpu.memref_slice %arg7[%run_scoped3A_624, %dma_wait3A_657] : memref<25x80xi32, #tpu.memory_space<vmem>> -> memref<1x80xi32, #tpu.memory_space<vmem>>
      %dma_wait3A_659 = tpu.memref_squeeze %dma_wait3A_658 : memref<1x80xi32, #tpu.memory_space<vmem>> -> memref<80xi32, #tpu.memory_space<vmem>>
      %dma_wait3A_660 = arith.constant 0 : i32
      %dma_wait3A_661 = arith.constant 0 : i32
      %dma_wait3A_662 = tpu.memref_slice %arg13[%dma_wait3A_660, %dma_wait3A_661] : memref<10240x128xf32, #tpu.memory_space<vmem_shared>> -> memref<10240x128xf32, #tpu.memory_space<vmem_shared>>
      tpu.wait_indirect_dma semaphore(%run_scoped3A_650 : memref<!tpu.dma_semaphore, #tpu.memory_space<semaphore_mem>>) src(%arg12 : memref<80x128xf32, #tpu.memory_space<vmem>>) dst(%dma_wait3A_662 : memref<10240x128xf32, #tpu.memory_space<vmem_shared>>)
      tpu.yield
    }) : () -> ()
    %dma_wait3A_625 = arith.constant 23 : i32
    %dma_wait3A_626 = arith.constant 0 : i32
    %dma_wait3A_627 = tpu.memref_slice %arg6[%dma_wait3A_625, %dma_wait3A_626] : memref<25x80xi32, #tpu.memory_space<vmem>> -> memref<1x80xi32, #tpu.memory_space<vmem>>
    %dma_wait3A_628 = tpu.memref_squeeze %dma_wait3A_627 : memref<1x80xi32, #tpu.memory_space<vmem>> -> memref<80xi32, #tpu.memory_space<vmem>>
    %dma_wait3A_629 = arith.constant 0 : i32
    %dma_wait3A_630 = arith.constant 0 : i32
    %dma_wait3A_631 = tpu.memref_slice %arg2[%dma_wait3A_629, %dma_wait3A_630] : memref<10000x128xf32, #tpu.memory_space<hbm>> -> memref<10000x128xf32, #tpu.memory_space<hbm>>
    tpu.wait_indirect_dma semaphore(%arg14 : memref<!tpu.dma_semaphore, #tpu.memory_space<semaphore_mem>>) src(%dma_wait3A_631 : memref<10000x128xf32, #tpu.memory_space<hbm>>) dst(%arg10 : memref<80x128xf32, #tpu.memory_space<vmem>>)
    %run_scoped3A_632 = arith.constant 23 : i32
    "tpu.region"() ({
      %run_scoped3A_650 = tpu.sem_alloc : memref<!tpu.dma_semaphore, #tpu.memory_space<semaphore_mem>>
      %dma_start3A_651 = arith.constant 0 : i32
      %dma_start3A_652 = tpu.memref_slice %arg7[%run_scoped3A_632, %dma_start3A_651] : memref<25x80xi32, #tpu.memory_space<vmem>> -> memref<1x80xi32, #tpu.memory_space<vmem>>
      %dma_start3A_653 = tpu.memref_squeeze %dma_start3A_652 : memref<1x80xi32, #tpu.memory_space<vmem>> -> memref<80xi32, #tpu.memory_space<vmem>>
      %dma_start3A_654 = arith.constant 0 : i32
      %dma_start3A_655 = arith.constant 0 : i32
      %dma_start3A_656 = tpu.memref_slice %arg13[%dma_start3A_654, %dma_start3A_655] : memref<10240x128xf32, #tpu.memory_space<vmem_shared>> -> memref<10240x128xf32, #tpu.memory_space<vmem_shared>>
      tpu.enqueue_indirect_dma source(%arg10 : memref<80x128xf32, #tpu.memory_space<vmem>>) target(%dma_start3A_656 : memref<10240x128xf32, #tpu.memory_space<vmem_shared>>) offsets(%dma_start3A_653 : memref<80xi32, #tpu.memory_space<vmem>>) semaphore(%run_scoped3A_650 : memref<!tpu.dma_semaphore, #tpu.memory_space<semaphore_mem>>) {add = true}
      %dma_wait3A_657 = arith.constant 0 : i32
      %dma_wait3A_658 = tpu.memref_slice %arg7[%run_scoped3A_632, %dma_wait3A_657] : memref<25x80xi32, #tpu.memory_space<vmem>> -> memref<1x80xi32, #tpu.memory_space<vmem>>
      %dma_wait3A_659 = tpu.memref_squeeze %dma_wait3A_658 : memref<1x80xi32, #tpu.memory_space<vmem>> -> memref<80xi32, #tpu.memory_space<vmem>>
      %dma_wait3A_660 = arith.constant 0 : i32
      %dma_wait3A_661 = arith.constant 0 : i32
      %dma_wait3A_662 = tpu.memref_slice %arg13[%dma_wait3A_660, %dma_wait3A_661] : memref<10240x128xf32, #tpu.memory_space<vmem_shared>> -> memref<10240x128xf32, #tpu.memory_space<vmem_shared>>
      tpu.wait_indirect_dma semaphore(%run_scoped3A_650 : memref<!tpu.dma_semaphore, #tpu.memory_space<semaphore_mem>>) src(%arg10 : memref<80x128xf32, #tpu.memory_space<vmem>>) dst(%dma_wait3A_662 : memref<10240x128xf32, #tpu.memory_space<vmem_shared>>)
      tpu.yield
    }) : () -> ()
    %dma_wait3A_633 = arith.constant 24 : i32
    %dma_wait3A_634 = arith.constant 0 : i32
    %dma_wait3A_635 = tpu.memref_slice %arg6[%dma_wait3A_633, %dma_wait3A_634] : memref<25x80xi32, #tpu.memory_space<vmem>> -> memref<1x80xi32, #tpu.memory_space<vmem>>
    %dma_wait3A_636 = tpu.memref_squeeze %dma_wait3A_635 : memref<1x80xi32, #tpu.memory_space<vmem>> -> memref<80xi32, #tpu.memory_space<vmem>>
    %dma_wait3A_637 = arith.constant 0 : i32
    %dma_wait3A_638 = arith.constant 0 : i32
    %dma_wait3A_639 = tpu.memref_slice %arg2[%dma_wait3A_637, %dma_wait3A_638] : memref<10000x128xf32, #tpu.memory_space<hbm>> -> memref<10000x128xf32, #tpu.memory_space<hbm>>
    tpu.wait_indirect_dma semaphore(%arg15 : memref<!tpu.dma_semaphore, #tpu.memory_space<semaphore_mem>>) src(%dma_wait3A_639 : memref<10000x128xf32, #tpu.memory_space<hbm>>) dst(%arg11 : memref<80x128xf32, #tpu.memory_space<vmem>>)
    %run_scoped3A_640 = arith.constant 24 : i32
    "tpu.region"() ({
      %run_scoped3A_650 = tpu.sem_alloc : memref<!tpu.dma_semaphore, #tpu.memory_space<semaphore_mem>>
      %dma_start3A_651 = arith.constant 0 : i32
      %dma_start3A_652 = tpu.memref_slice %arg7[%run_scoped3A_640, %dma_start3A_651] : memref<25x80xi32, #tpu.memory_space<vmem>> -> memref<1x80xi32, #tpu.memory_space<vmem>>
      %dma_start3A_653 = tpu.memref_squeeze %dma_start3A_652 : memref<1x80xi32, #tpu.memory_space<vmem>> -> memref<80xi32, #tpu.memory_space<vmem>>
      %dma_start3A_654 = arith.constant 0 : i32
      %dma_start3A_655 = arith.constant 0 : i32
      %dma_start3A_656 = tpu.memref_slice %arg13[%dma_start3A_654, %dma_start3A_655] : memref<10240x128xf32, #tpu.memory_space<vmem_shared>> -> memref<10240x128xf32, #tpu.memory_space<vmem_shared>>
      tpu.enqueue_indirect_dma source(%arg11 : memref<80x128xf32, #tpu.memory_space<vmem>>) target(%dma_start3A_656 : memref<10240x128xf32, #tpu.memory_space<vmem_shared>>) offsets(%dma_start3A_653 : memref<80xi32, #tpu.memory_space<vmem>>) semaphore(%run_scoped3A_650 : memref<!tpu.dma_semaphore, #tpu.memory_space<semaphore_mem>>) {add = true}
      %dma_wait3A_657 = arith.constant 0 : i32
      %dma_wait3A_658 = tpu.memref_slice %arg7[%run_scoped3A_640, %dma_wait3A_657] : memref<25x80xi32, #tpu.memory_space<vmem>> -> memref<1x80xi32, #tpu.memory_space<vmem>>
      %dma_wait3A_659 = tpu.memref_squeeze %dma_wait3A_658 : memref<1x80xi32, #tpu.memory_space<vmem>> -> memref<80xi32, #tpu.memory_space<vmem>>
      %dma_wait3A_660 = arith.constant 0 : i32
      %dma_wait3A_661 = arith.constant 0 : i32
      %dma_wait3A_662 = tpu.memref_slice %arg13[%dma_wait3A_660, %dma_wait3A_661] : memref<10240x128xf32, #tpu.memory_space<vmem_shared>> -> memref<10240x128xf32, #tpu.memory_space<vmem_shared>>
      tpu.wait_indirect_dma semaphore(%run_scoped3A_650 : memref<!tpu.dma_semaphore, #tpu.memory_space<semaphore_mem>>) src(%arg11 : memref<80x128xf32, #tpu.memory_space<vmem>>) dst(%dma_wait3A_662 : memref<10240x128xf32, #tpu.memory_space<vmem_shared>>)
      tpu.yield
    }) : () -> ()
    %barrier3A_641 = arith.constant 0 : index
    tpu.barrier barrier_id(%barrier3A_641)
    %barrier3A_642 = arith.constant 0 : index
    tpu.barrier barrier_id(%barrier3A_642)
    %mul3A_643 = arith.constant 10240 : i32
    %mul3A_644 = arith.muli %arg0, %mul3A_643 : i32
    %mul3A_645 = arith.constant 640 : i32
    %mul3A_646 = arith.muli %arg1, %mul3A_645 : i32
    %add3A_647 = arith.addi %mul3A_644, %mul3A_646 : i32
    %mul3A_648 = arith.constant 640 : i32
    %mul3A_649 = arith.muli %arg1, %mul3A_648 : i32
    "tpu.region"() ({
      %run_scoped3A_650 = tpu.sem_alloc : memref<!tpu.dma_semaphore, #tpu.memory_space<semaphore_mem>>
      %dma_start3A_651 = arith.constant 0 : i32
      %dma_start3A_652 = tpu.memref_slice %arg5[%add3A_647, %dma_start3A_651] : memref<20480x128xf32, #tpu.memory_space<hbm>> -> memref<640x128xf32, #tpu.memory_space<hbm>>
      %dma_start3A_653 = arith.constant 0 : i32
      %dma_start3A_654 = tpu.memref_slice %arg13[%mul3A_649, %dma_start3A_653] : memref<10240x128xf32, #tpu.memory_space<vmem_shared>> -> memref<640x128xf32, #tpu.memory_space<vmem_shared>>
      tpu.enqueue_dma source(%dma_start3A_654 : memref<640x128xf32, #tpu.memory_space<vmem_shared>>) target(%dma_start3A_652 : memref<640x128xf32, #tpu.memory_space<hbm>>) target_semaphore(%run_scoped3A_650 : memref<!tpu.dma_semaphore, #tpu.memory_space<semaphore_mem>>)
      %dma_wait3A_655 = arith.constant 0 : i32
      %dma_wait3A_656 = tpu.memref_slice %arg5[%add3A_647, %dma_wait3A_655] : memref<20480x128xf32, #tpu.memory_space<hbm>> -> memref<640x128xf32, #tpu.memory_space<hbm>>
      %dma_wait3A_657 = arith.constant 0 : i32
      %dma_wait3A_658 = tpu.memref_slice %arg13[%mul3A_649, %dma_wait3A_657] : memref<10240x128xf32, #tpu.memory_space<vmem_shared>> -> memref<640x128xf32, #tpu.memory_space<vmem_shared>>
      tpu.wait_dma2 semaphore(%run_scoped3A_650 : memref<!tpu.dma_semaphore, #tpu.memory_space<semaphore_mem>>) src(%dma_wait3A_658 : memref<640x128xf32, #tpu.memory_space<vmem_shared>>) dst(%dma_wait3A_656 : memref<640x128xf32, #tpu.memory_space<hbm>>)
      tpu.yield
    }) : () -> ()
    return
  }
}

module attributes {stable_mosaic.version = 14 : i64} {
  func.func @body(%arg0: i32, %arg1: memref<2x1000x128xf32, #tpu.memory_space<vmem>>, %arg2: memref<1000x128xf32, #tpu.memory_space<vmem>>, %arg3: memref<256x128xf32, #tpu.memory_space<vmem>>, %arg4: memref<1x128xf32, #tpu.memory_space<vmem>>, %arg5: memref<1000x128xf32, #tpu.memory_space<vmem>>) attributes {dimension_semantics = [#tpu.dimension_semantics<arbitrary>], iteration_bounds = array<i64: 10>, scalar_prefetch = 0 : i64, scratch_operands = 0 : i64, tpu.core_type = #tpu.core_type<tc>, window_params = [{transform_indices = @transform_0, window_bounds = array<i64: 2, 1000, 128>}, {transform_indices = @transform_1, window_bounds = array<i64: 1000, 128>}, {pipeline_mode = #tpu.pipeline_mode<synchronous>, transform_indices = @transform_2, window_bounds = array<i64: 256, 128>}, {pipeline_mode = #tpu.pipeline_mode<synchronous>, transform_indices = @transform_3, window_bounds = array<i64: 1, 128>}, {transform_indices = @transform_4, window_bounds = array<i64: 1000, 128>}]} {
    %get3A = arith.constant 0 : index
    %get3A_0 = arith.constant 0 : index
    %get3A_1 = arith.constant 0 : index
    %get3A_2 = vector.load %arg1[%get3A, %get3A_0, %get3A_1] : memref<2x1000x128xf32, #tpu.memory_space<vmem>>, vector<1x1000x128xf32>
    %get3A_3 = vector.shape_cast %get3A_2 : vector<1x1000x128xf32> to vector<1000x128xf32>
    %get3A_4 = arith.constant 1 : index
    %get3A_5 = arith.constant 0 : index
    %get3A_6 = arith.constant 0 : index
    %get3A_7 = vector.load %arg1[%get3A_4, %get3A_5, %get3A_6] : memref<2x1000x128xf32, #tpu.memory_space<vmem>>, vector<1x1000x128xf32>
    %get3A_8 = vector.shape_cast %get3A_7 : vector<1x1000x128xf32> to vector<1000x128xf32>
    %add3A = arith.addf %get3A_3, %get3A_8 : vector<1000x128xf32>
    %get3A_9 = arith.constant 0 : index
    %get3A_10 = arith.constant 0 : index
    %get3A_11 = vector.load %arg3[%get3A_9, %get3A_10] : memref<256x128xf32, #tpu.memory_space<vmem>>, vector<128x128xf32>
    %dot_general3A = arith.constant dense<0.000000e+00> : vector<1000x128xf32>
    %dot_general3A_12 = tpu.matmul %add3A, %get3A_11, %dot_general3A {dimension_numbers = #tpu.dot_dimension_numbers<[1], [0], [0], [1], [0, 0, 1, 1], [], []>, transpose_lhs_hint = false} : vector<1000x128xf32>, vector<128x128xf32>, vector<1000x128xf32> -> vector<1000x128xf32>
    %get3A_13 = arith.constant 0 : index
    %get3A_14 = arith.constant 0 : index
    %get3A_15 = vector.load %arg2[%get3A_13, %get3A_14] : memref<1000x128xf32, #tpu.memory_space<vmem>>, vector<1000x128xf32>
    %get3A_16 = arith.constant 128 : index
    %get3A_17 = arith.constant 0 : index
    %get3A_18 = vector.load %arg3[%get3A_16, %get3A_17] : memref<256x128xf32, #tpu.memory_space<vmem>>, vector<128x128xf32>
    %dot_general3A_19 = arith.constant dense<0.000000e+00> : vector<1000x128xf32>
    %dot_general3A_20 = tpu.matmul %get3A_15, %get3A_18, %dot_general3A_19 {dimension_numbers = #tpu.dot_dimension_numbers<[1], [0], [0], [1], [0, 0, 1, 1], [], []>, transpose_lhs_hint = false} : vector<1000x128xf32>, vector<128x128xf32>, vector<1000x128xf32> -> vector<1000x128xf32>
    %add3A_21 = arith.addf %dot_general3A_12, %dot_general3A_20 : vector<1000x128xf32>
    %get3A_22 = arith.constant 0 : index
    %get3A_23 = arith.constant 0 : index
    %get3A_24 = vector.load %arg4[%get3A_22, %get3A_23] : memref<1x128xf32, #tpu.memory_space<vmem>>, vector<1x128xf32>
    %add3A_25 = vector.broadcast %get3A_24 : vector<1x128xf32> to vector<1000x128xf32>
    %add3A_26 = arith.addf %add3A_21, %add3A_25 : vector<1000x128xf32>
    %swap3A = arith.constant 0 : index
    %swap3A_27 = arith.constant 0 : index
    %swap3A_28 = vector.load %arg5[%swap3A, %swap3A_27] : memref<1000x128xf32, #tpu.memory_space<vmem>>, vector<1000x128xf32>
    tpu.vector_store %arg5[%swap3A, %swap3A_27], %add3A_26 {strides = array<i32>} : memref<1000x128xf32, #tpu.memory_space<vmem>>, vector<1000x128xf32>,
    return
  }
  func.func @transform_0(%arg0: i32) -> (i32, i32, i32) {
    %c0_i32 = arith.constant 0 : i32
    %c0_i32_0 = arith.constant 0 : i32
    %c0_i32_1 = arith.constant 0 : i32
    return %c0_i32, %arg0, %c0_i32_0 : i32, i32, i32
  }
  func.func @transform_1(%arg0: i32) -> (i32, i32) {
    %c0_i32 = arith.constant 0 : i32
    %c0_i32_0 = arith.constant 0 : i32
    return %arg0, %c0_i32 : i32, i32
  }
  func.func @transform_2(%arg0: i32) -> (i32, i32) {
    %c0_i32 = arith.constant 0 : i32
    %c0_i32_0 = arith.constant 0 : i32
    %c0_i32_1 = arith.constant 0 : i32
    return %c0_i32, %c0_i32_0 : i32, i32
  }
  func.func @transform_3(%arg0: i32) -> (i32, i32) {
    %c0_i32 = arith.constant 0 : i32
    %c0_i32_0 = arith.constant 0 : i32
    %c0_i32_1 = arith.constant 0 : i32
    return %c0_i32, %c0_i32_0 : i32, i32
  }
  func.func @transform_4(%arg0: i32) -> (i32, i32) {
    %c0_i32 = arith.constant 0 : i32
    %c0_i32_0 = arith.constant 0 : i32
    return %arg0, %c0_i32 : i32, i32
  }
}

</mosaic_0001>

<sc_bundles>
// kernel: kernel.4.cloned.1.call-start
scs
__scs_entry_jumppad:
0x0: {  	(pc) =	sbr.rel $0x88, $3  }
0x1: {  	(tag) =	ssettag $0x0;
	lr =	simm.s32 $0x1  }
0x2: {  	[smem:$0x3F9C] =	sst lr;
	_ =	strace $0xD0000000  }
0x3: {  	_ = 	snop  }
0x4: {  	_ = 	snop  }
0x5: {  	_ = 	snop  }
0x6: {  	_ = 	snop  }
0x7: {  	_ = 	snop  }
__scs_overlays_trampoline_lowered:
0x8: {  	[smem:$0x3FAB] =	sst s0  }
0x9: {  	[smem:$0x3FAC] =	sst s1  }
0xa: {  	[smem:$0x3FAD] =	sst s2  }
0xb: {  	[smem:$0x3FAE] =	sst s3  }
0xc: {  	[smem:$0x3FAF] =	sst s4  }
0xd: {  	[smem:$0x3FB0] =	sst s5  }
0xe: {  	[smem:$0x3FB1] =	sst s6  }
0xf: {  	[smem:$0x3FB2] =	sst s7  }
0x10: {  	[smem:$0x3FB3] =	sst s8  }
0x11: {  	[smem:$0x3FB4] =	sst s9;
	s0 =	simm.s32 @!p0 $0x0  }
0x12: {  	s1 =	sld [smem:$0x3F9A];
	s0 =	simm.s32 @p0 $0x1  }
0x13: {  	[smem:$0x3FB5] =	sst s0;
	s0 =	simm.s32 @!p1 $0x0  }
0x14: {  	s2 =	sld [smem:$0x3F99];
	s0 =	simm.s32 @p1 $0x1  }
0x15: {  	[smem:$0x3FB6] =	sst s0;
	s0 =	simm.s32 @!p2 $0x0  }
0x16: {  	s3 =	sld [smem:$0x3FDB];
	s0 =	simm.s32 @p2 $0x1  }
0x17: {  	s4 =	simm.s32 $0x1BF5;
	[smem:$0x3FB8] =	sst s0  }
0x18: {  	s0 =	sld [smem:$0x3F9B];
	_ =	swait.ge [sflag:s4], $0x0  }
0x19: {  	s7 =	sld [smem:$0x3F9C]  }
0x1a: {  	s8 =	sadd.s32 $0xFFFFE003, lr  }
0x1b: {  	s9 =	sadd.s32 $0xFFFFFEF7, lr;
	s5 =	simm.s32 $0xFFFFFFFF;
	p2 =	slt.u32 s8, $0xFFFFF086  }
0x1c: {  	p1 =	slt.u32 s9, $0xF7A;
	s5 =	simm.s32 @!p2 $0x0  }
0x1d: {  	s5 =	simm.s32 @p1 $0x1;
	p0 =	seq.s32 s7, s2  }
0x1e: {  	s7 =	smul.u32 @!p0 $0xF7A, s2;
	p2 =	seq.s32 @!p0 s5, $0x0  }
0x1f: {  	s9 =	smul.u32 $0xF7A, s1;
	s8 =	simm.s32 @!p0 $0x1BF5;
	p2 =	por !p2, p0  }
0x20: {  	[sflag:s8] =	ssyncset.s32 @!p0 $0xFFFFF086;
	s6 =	sadd.s32 @!p0 s3, s7;
	s7 =	simm.s32 @!p0 $0x108  }
0x21: {  	s3 =	sadd.s32 s3, s9;
	s6 =	sadd.s32 @!p0 $0x88, s6;
	s7 =	simm.s32 @p2 $0x1082  }
0x22: {  	[simem:s7], [sflag:s8] =	dma.local @!p0 [hbm:s6], $0xF7A  }
0x23: {  	s9 =	sor.u32 $0xD0000000, s2;
	s6 =	simm.s32 $0x108;
	_ =	swait.ge @!p0 [sflag:s8], $0x0  }
0x24: {  	s3 =	sadd.s32 $0x88, s3;
	s6 =	simm.s32 @!p1 $0x1082;
	[sflag:s4] =	ssyncset.s32 $0xFFFFF086  }
0x25: {  	[simem:s6], [sflag:s4] =	dma.local [hbm:s3], $0xF7A  }
0x26: {  	[smem:$0x3F9C] =	sst s1;
	(tag) =	ssettag s2;
	_ =	strace s9  }
0x27: {  	s1 =	sld [smem:$0x3FAC]  }
0x28: {  	s2 =	sld [smem:$0x3FAD]  }
0x29: {  	s4 =	sld [smem:$0x3FAF]  }
0x2a: {  	p0 =	seq.s32 s5, $0x0;
	s5 =	sld [smem:$0x3FB0]  }
0x2b: {  	s6 =	sld [smem:$0x3FB1]  }
0x2c: {  	s7 =	sld [smem:$0x3FB2]  }
0x2d: {  	s3 =	simm.s32 $0x108;
	s8 =	sld [smem:$0x3FB3]  }
0x2e: {  	s3 =	simm.s32 @!p0 $0x1082;
	s9 =	sld [smem:$0x3FB4]  }
0x2f: {  	lr =	sadd.s32 s0, s3;
	s0 =	sld [smem:$0x3FAB]  }
0x30: {  	s3 =	sld [smem:$0x3FAE]  }
0x31: {  	[smem:$0x3FB7] =	sst s10  }
0x32: {  	s10 =	sld [smem:$0x3FB5];
	_ =	sdelay $0x3  }
0x33: {  	p0 =	seq.s32 s10, $0x1;
	s10 =	sld [smem:$0x3FB7];
	_ =	sdelay $0x3  }
0x34: {  	[smem:$0x3FB7] =	sst s10  }
0x35: {  	s10 =	sld [smem:$0x3FB6];
	_ =	sdelay $0x3  }
0x36: {  	p1 =	seq.s32 s10, $0x1;
	s10 =	sld [smem:$0x3FB7];
	_ =	sdelay $0x3  }
0x37: {  	[smem:$0x3FB7] =	sst s10  }
0x38: {  	s10 =	sld [smem:$0x3FB8]  }
0x39: {  	_ = 	snop;
	(pc) =	sbr.ind lr, $3  }
0x3a: {  	_ = 	snop  }
0x3b: {  	_ = 	snop  }
0x3c: {  	p2 =	seq.s32 s10, $0x1;
	s10 =	sld [smem:$0x3FB7]  }
0x3d: {  	_ =	shalt  }
0x3e: {  	_ =	shalt  }
0x3f: {  	_ =	shalt  }
0x40: {  	_ =	shalt  }
0x41: {  	_ =	shalt  }
0x42: {  	_ =	shalt  }
0x43: {  	_ =	shalt  }
0x44: {  	_ =	shalt  }
0x45: {  	_ =	shalt  }
0x46: {  	_ =	shalt  }
0x47: {  	_ =	shalt  }
0x48: {  	_ =	shalt  }
0x49: {  	_ =	shalt  }
0x4a: {  	_ =	shalt  }
0x4b: {  	_ =	shalt  }
0x4c: {  	_ =	shalt  }
0x4d: {  	_ =	shalt  }
0x4e: {  	_ =	shalt  }
0x4f: {  	_ =	shalt  }
0x50: {  	_ =	shalt  }
0x51: {  	_ =	shalt  }
0x52: {  	_ =	shalt  }
0x53: {  	_ =	shalt  }
0x54: {  	_ =	shalt  }
0x55: {  	_ =	shalt  }
0x56: {  	_ =	shalt  }
0x57: {  	_ =	shalt  }
0x58: {  	_ =	shalt  }
0x59: {  	_ =	shalt  }
0x5a: {  	_ =	shalt  }
0x5b: {  	_ =	shalt  }
0x5c: {  	_ =	shalt  }
0x5d: {  	_ =	shalt  }
0x5e: {  	_ =	shalt  }
0x5f: {  	_ =	shalt  }
0x60: {  	_ =	shalt  }
0x61: {  	_ =	shalt  }
0x62: {  	_ =	shalt  }
0x63: {  	_ =	shalt  }
0x64: {  	_ =	shalt  }
0x65: {  	_ =	shalt  }
0x66: {  	_ =	shalt  }
0x67: {  	_ =	shalt  }
0x68: {  	_ =	shalt  }
0x69: {  	_ =	shalt  }
0x6a: {  	_ =	shalt  }
0x6b: {  	_ =	shalt  }
0x6c: {  	_ =	shalt  }
0x6d: {  	_ =	shalt  }
0x6e: {  	_ =	shalt  }
0x6f: {  	_ =	shalt  }
0x70: {  	_ =	shalt  }
0x71: {  	_ =	shalt  }
0x72: {  	_ =	shalt  }
0x73: {  	_ =	shalt  }
0x74: {  	_ =	shalt  }
0x75: {  	_ =	shalt  }
0x76: {  	_ =	shalt  }
0x77: {  	_ =	shalt  }
0x78: {  	_ =	shalt  }
0x79: {  	_ =	shalt  }
0x7a: {  	_ =	shalt  }
0x7b: {  	_ =	shalt  }
0x7c: {  	_ =	shalt  }
0x7d: {  	_ =	shalt  }
0x7e: {  	_ =	shalt  }
0x7f: {  	_ =	shalt  }
0x80: {  	_ =	shalt  }
0x81: {  	_ =	shalt  }
0x82: {  	_ =	shalt  }
0x83: {  	_ =	shalt  }
0x84: {  	_ =	shalt  }
0x85: {  	_ =	shalt  }
0x86: {  	_ =	shalt  }
0x87: {  	_ =	shalt  }
.Lfunc_end0:
.L_simem_size_0:
called_computation_lowered:
.L_overlay_start_0:
0x88: {  	s2 =	sld [smem:$0x3FD9]  }
0x89: {  	s3 =	sld [smem:$0x3FFE];
	_ =	sdelay $0x1  }
0x8a: {  	s1 =	srdreg.scid  }
0x8b: {  	s0 =	sand.u32 $0x1, s1  }
0x8c: {  	s17 =	sshll.u32 s0, $0xA;
	s2 =	sadd.s32 s3, s2  }
0x8d: {  	s2 =	sadd.s32 s2, s17  }
0x8e: {  	[smem:$0x3FC3] =	sst s2  }
0x8f: {  	_ = 	snop  }
0x90: {  	s2 =	sld [smem:$0x3FC9]  }
0x91: {  	s18 =	sld [smem:$0x3FD0];
	(tm) =	ssettm $0x1  }
0x92: {  	s4 =	sld [smem:$0x3FFB];
	_ =	sdelay $0x3  }
0x93: {  	_ =	strace s4  }
0x94: {  	s4 =	sld [smem:$0x3FFC];
	_ =	sdelay $0x3  }
0x95: {  	_ =	strace s4  }
0x96: {  	s4 =	sld [smem:$0x3FFD];
	_ =	sdelay $0x3  }
0x97: {  	_ =	strace s4  }
0x98: {  	_ =	strace $0x8FFFFFFF  }
0x99: {  	s19 =	sld [smem:$0x3FDB];
	_ =	sdelay $0x1  }
0x9a: {  	s5 =	simm.s32 $_scs_section_size  }
0x9b: {  	s6 =	simm.s32 $_size__tile_overlayer_lowered;
	s7 =	simm.s32 $_tile_overlayer_lowered  }
0x9c: {  	s22 =	simm.s32 $0x1BFF;
	s21 =	sshll.u32 s7, $0x1;
	s4 =	sadd.s32 s5, s19  }
0x9d: {  	s8 =	simm.s32 $0x0;
	s20 =	sshll.u32 s6, $0x1;
	s6 =	sadd.s32 s21, s4  }
0x9e: {  	[timem:s8], [sflag:s22] =	dma.local [hbm:s6], s20  }
0x9f: {  	_ =	swait.ge [sflag:s22], s20  }
0xa0: {  	s5 =	ssub.s32 $0x0, s20;
	[sflag:s22] =	ssyncset.done $0x0  }
0xa1: {  	[sflag:s22] =	ssyncadd.s32 s5;
	_ =	sdelay $0x1  }
0xa2: {  	s23 =	simm.s32 $0x1B8B  }
0xa3: {  	_ =	swait.ge [sflag:s23], $0x1  }
0xa4: {  	[sflag:s23] =	ssyncset.done $0x0  }
0xa5: {  	s25 =	simm.s32 $0x1B8E;
	s24 =	sld [smem:$0x3FFE];
	[sflag:s23] =	ssyncadd.s32 $0xFFFFFFFF  }
0xa6: {  	s26 =	simm.s32 $execute0_lowered;
	[smem:$0x3FD2] =	sst s25  }
0xa7: {  	s6 =	sshll.u32 s26, $0x1;
	_ =	strace $0x80000046;
	[dreg:$0x1] =	wrdreg $0xFFFFFFFF  }
0xa8: {  	s28 =	simm.s32 $_size_execute0_lowered;
	s4 =	sadd.s32 s4, s6;
	[dreg:$0x0] =	wrdreg $0x0  }
0xa9: {  	s6 =	sshll.u32 s28, $0x1;
	[dreg:$0x2] =	wrdreg s4  }
0xaa: {  	[dreg:$0x3] =	wrdreg s6  }
0xab: {  	[dreg:$0x4] =	wrdreg $0xC0  }
0xac: {  	_ =	task [dreg:s8], $0x5FFFF  }
0xad: {  	[dreg:$0x1] =	wrdreg $0xFFFFFFFF  }
0xae: {  	[dreg:$0x0] =	wrdreg $0x60  }
0xaf: {  	[dreg:$0x2] =	wrdreg s2  }
0xb0: {  	[dreg:$0x3] =	wrdreg s18  }
0xb1: {  	[dreg:$0x4] =	wrdreg s24  }
0xb2: {  	[dreg:$0x5] =	wrdreg $0xB8000  }
0xb3: {  	[dreg:$0x6] =	wrdreg $0x9  }
0xb4: {  	_ =	task.clear_ibuf [dreg:s8], $0x7FFFF;
	_ =	strace $0x90000046  }
0xb5: {  	s29 =	simm.s32 $0x9;
	_ =	strace $0x80000048  }
0xb6: {  	_ =	swait.ge [sflag:s29], $0x1  }
0xb7: {  	[sflag:s29] =	ssyncadd.s32 $0xFFFFFFFF  }
0xb8: {  	_ =	strace $0x90000048  }
0xb9: {  	_ =	sfence  }
0xba: {  	s30 =	sld [smem:$0x0];
	_ =	sdelay $0x2  }
0xbb: {  	s31 =	sshll.u32 s1, $0xD;
	s1 =	sshrl.u32 s1, $0x2  }
0xbc: {  	s3 =	sand.u32 $0x4000, s31;
	s1 =	sadd.s32 s1, s30  }
0xbd: {  	s0 =	sor.u32 s3, s0;
	s1 =	sshll.u32 s1, $0x11  }
0xbe: {  	s0 =	sor.u32 s1, s0  }
0xbf: {  	s0 =	sadd.s32 $0x8F2B, s0  }
0xc0: {  	[sflag:s0] =	ssyncadd.remote.s32 $0x1  }
0xc1: {  	_ =	sfence.sel $0xFFFF  }
0xc2: {  	[dreg:$0x0] =	wrdreg $0xFFFFFFFF;
	(pc) =	sbr.abs _section_cstart, $3  }
0xc3: {  	[dreg:$0x1] =	wrdreg $0xFFFFFFFF  }
0xc4: {  	_ =	task.clear_ibuf [dreg:s8], $0x2FFFF;
	_ =	strace $0x9FFFFFFF  }
0xc5: {  	(tm) =	ssettm $0x7FFFFFFF  }
tec
execute0_lowered:
.L_overlay_start_1:
0x0: {  	(tag) =	ssettag $0x1  }
0x1: {  	s1 =	rddreg [dreg:$0x0]  }
0x2: {  	s0 =	rddreg [dreg:$0x1]  }
0x3: {  	s2 =	rddreg [dreg:$0x2]  }
0x4: {  	s3 =	rddreg [dreg:$0x3]  }
0x5: {  	s4 =	simm.s32 $0x0;
	s5 =	srdreg.scid;
	s10 =	stileid.u32  }
0x6: {  	s5 =	sand.u32 $0x1, s5;
	s6 =	smul.u32 $0x2800, s10;
	s7 =	sshll.u32 s10, $0x1  }
0x7: {  	s28 =	simm.s32 $0x3000;
	s21 =	smul.u32 $0x50000, s10;
	s7 =	sor.u32 s5, s7  }
0x8: {  	s29 =	simm.s32 $0x4000;
	s30 =	simm.s32 $0x1;
	s7 =	smul.u32 $0x5000, s7  }
0x9: {  	[smem:$0x7FF] =	sst s4;
	s9 =	sadd.s32 $0x1400, s2;
	s8 =	smul.u32 $0x28000, s5  }
0xa: {  	_ =	strace $0x80000047;
	s5 =	ssub.s32 $0x2, s5;
	s10 =	sshrl.u32 s7, $0x3  }
0xb: {  	s22 =	sshrl.u32 s5, $0x1;
	s24 =	sshrl.u32 s21, $0x2;
	s23 =	sadd.s32 s0, s10  }
0xc: {  	s7 =	sadd.s32 s9, s10;
	s25 =	sadd.s32 $0x200, s10;
	[dreg:$0x5] =	wrdreg s23  }
0xd: {  	s6 =	sadd.s32 s6, s8;
	[dreg:$0x6] =	wrdreg s7;
	s26 =	sadd.s32 s0, s25  }
0xe: {  	s18 =	sadd.s32 $0x400, s10;
	s11 =	sadd.s32 s9, s25;
	[dreg:$0x7] =	wrdreg s26  }
0xf: {  	s2 =	sadd.s32 s6, s2;
	s20 =	sadd.s32 s0, s18;
	[dreg:$0x8] =	wrdreg s11  }
0x10: {  	s21 =	sadd.s32 $0x600, s10;
	s6 =	sadd.s32 s9, s18;
	[dreg:$0x10] =	wrdreg s20  }
0x11: {  	s5 =	ssub.s32 s5, s22;
	s22 =	sadd.s32 s0, s21;
	[dreg:$0x11] =	wrdreg s6  }
0x12: {  	s31 =	simm.s32 $0x4;
	s8 =	sadd.s32 s9, s21;
	[dreg:$0x12] =	wrdreg s22  }
0x13: {  	s7 =	sadd.s32 s24, s3;
	s25 =	sadd.s32 $0x15400, s2;
	[dreg:$0x13] =	wrdreg s8  }
0x14: {  	s23 =	sadd.s32 $0x800, s10;
	s2 =	simm.s32 $0x80;
	[dreg:$0x16] =	wrdreg s25  }
0x15: {  	s10 =	simm.s32 $0x2;
	s12 =	sadd.s32 $0x2800, s7;
	[dreg:$0x18] =	wrdreg s7  }
0x16: {  	s18 =	simm.s32 $0x0;
	s13 =	sadd.s32 $0x5000, s7;
	[dreg:$0x9] =	wrdreg s12  }
0x17: {  	s14 =	sadd.s32 $0x7800, s7;
	s15 =	sadd.s32 $0xA000, s7;
	[dreg:$0xa] =	wrdreg s13  }
0x18: {  	s16 =	sadd.s32 $0xC800, s7;
	s17 =	sadd.s32 $0xF000, s7;
	[dreg:$0xb] =	wrdreg s14  }
0x19: {  	s19 =	sadd.s32 $0x11800, s7;
	s0 =	sadd.s32 s0, s23;
	[dreg:$0xc] =	wrdreg s15  }
0x1a: {  	s24 =	sadd.s32 s9, s23;
	s26 =	smax.u32 s5, $0x1;
	[dreg:$0xd] =	wrdreg s16  }
0x1b: {  	s5 =	simm.s32 $0x6800;
	s6 =	simm.s32 $0x100;
	[dreg:$0xe] =	wrdreg s17  }
0x1c: {  	s8 =	simm.s32 $0x9000;
	s9 =	simm.s32 $0x5;
	[dreg:$0xf] =	wrdreg s19  }
0x1d: {  	s11 =	simm.s32 $0x3;
	s22 =	simm.s32 $0x1200;
	[dreg:$0x14] =	wrdreg s0  }
0x1e: {  	s23 =	simm.s32 $0x380;
	s25 =	simm.s32 $0x400;
	[dreg:$0x15] =	wrdreg s24  }
0x1f: {  	[dreg:$0x17] =	wrdreg s26;
	s16 =	simm.s32 $0x1000;
	s12 =	simm.s32 $0x2000  }
0x20: {  	s0 =	simm.s32 $0x50;
	s17 =	simm.s32 $0x280;
	s24 =	simm.s32 $0x1280  }
0x21: {  	v0 =	vimm.f32 $0.0e+00;
	s26 =	simm.s32 $0x1300;
	s14 =	simm.s32 $0x1B00;
	s13 =	simm.s32 $0x1B80  }
.LBB2_1:
0x22: {  	s19 =	rddreg [dreg:$0x5]  }
0x23: {  	[tilespmem:s4], [sflag:$0x4] =	stream.linear.gather [hbm4b:s19+s4], $0xC80, $0x38;
	[tilespmem:$0x1F800] =	vst v63  }
0x24: {  	s15 =	rddreg [dreg:$0x6]  }
0x25: {  	[tilespmem:s16], [sflag:$0x4] =	stream.linear.gather [hbm4b:s15+s4], $0xC80, $0x38;
	[tilespmem:$0x1F800] =	vst v63  }
0x26: {  	s20 =	rddreg [dreg:$0x7]  }
0x27: {  	[tilespmem:s12], [sflag:$0x4] =	stream.linear.gather [hbm4b:s20+s4], $0xC80, $0x38;
	[tilespmem:$0x1F800] =	vst v63  }
0x28: {  	s21 =	rddreg [dreg:$0x8];
	s19 =	simm.s32 $0x0;
	s20 =	simm.s32 $0x200  }
0x29: {  	[tilespmem:s28], [sflag:$0x4] =	stream.linear.gather [hbm4b:s21+s4], $0xC80, $0x38;
	[tilespmem:$0x1F800] =	vst v63  }
.LBB2_2:
0x2a: {  	p0 =	sne.s32 s20, $0x9E00;
	[tilespmem:s19+$0x4070] =	vst v0  }
0x2b: {  	[tilespmem:s19+$0x4000] =	vst v0  }
0x2c: {  	[tilespmem:s19+$0x4010] =	vst v0  }
.Ltmp0:
0x2d: {  	[tilespmem:s19+$0x4020] =	vst v0;
	(pc) =	sbr.rel @p0 .LBB2_2-.Ltmp0, $4  }
0x2e: {  	[tilespmem:s19+$0x4030] =	vst v0  }
0x2f: {  	[tilespmem:s19+$0x4040] =	vst v0  }
0x30: {  	[tilespmem:s19+$0x4050] =	vst v0  }
0x31: {  	[tilespmem:s19+$0x4060] =	vst v0;
	s19 =	sshra.s32 s20, $0x2;
	s20 =	sadd.s32 $0x200, s20  }
0x32: {  	[tilespmem:s19+$0x4070] =	vst v0  }
0x33: {  	[tilespmem:s19+$0x4000] =	vst v0  }
0x34: {  	[tilespmem:s19+$0x4010] =	vst v0  }
0x35: {  	[tilespmem:s19+$0x4020] =	vst v0  }
0x36: {  	[tilespmem:s19+$0x4030] =	vst v0  }
0x37: {  	[tilespmem:s19+$0x4040] =	vst v0  }
0x38: {  	[tilespmem:s19+$0x4050] =	vst v0  }
0x39: {  	[tilespmem:s19+$0x4060] =	vst v0  }
0x3a: {  	[spmem:s7] =	stream.linear.scatter [tilespmem:s29], [sflag:$0x1], $0x2800, $0x38;
	[tilespmem:$0x1F800] =	vst v63  }
0x3b: {  	s7 =	rddreg [dreg:$0x9]  }
0x3c: {  	[spmem:s7] =	stream.linear.scatter [tilespmem:s29], [sflag:$0x1], $0x2800, $0x38;
	[tilespmem:$0x1F800] =	vst v63  }
0x3d: {  	s15 =	rddreg [dreg:$0xa]  }
0x3e: {  	[spmem:s15] =	stream.linear.scatter [tilespmem:s29], [sflag:$0x1], $0x2800, $0x38;
	[tilespmem:$0x1F800] =	vst v63  }
0x3f: {  	s20 =	rddreg [dreg:$0xb]  }
0x40: {  	[spmem:s20] =	stream.linear.scatter [tilespmem:s29], [sflag:$0x1], $0x2800, $0x38;
	[tilespmem:$0x1F800] =	vst v63  }
0x41: {  	s21 =	rddreg [dreg:$0xc]  }
0x42: {  	[spmem:s21] =	stream.linear.scatter [tilespmem:s29], [sflag:$0x1], $0x2800, $0x38;
	[tilespmem:$0x1F800] =	vst v63  }
0x43: {  	s7 =	rddreg [dreg:$0xd]  }
0x44: {  	[spmem:s7] =	stream.linear.scatter [tilespmem:s29], [sflag:$0x1], $0x2800, $0x38;
	[tilespmem:$0x1F800] =	vst v63  }
0x45: {  	s15 =	rddreg [dreg:$0xe]  }
0x46: {  	[spmem:s15] =	stream.linear.scatter [tilespmem:s29], [sflag:$0x1], $0x2800, $0x38;
	[tilespmem:$0x1F800] =	vst v63  }
0x47: {  	s20 =	rddreg [dreg:$0xf]  }
0x48: {  	[spmem:s20] =	stream.linear.scatter [tilespmem:s29], [sflag:$0x1], $0x2800, $0x38;
	[tilespmem:$0x1F800] =	vst v63  }
0x49: {  	_ =	swait.ge [sflag:s30], $0x2800  }
0x4a: {  	[sflag:s30] =	ssyncset.done $0x0  }
0x4b: {  	[sflag:s30] =	ssyncadd.s32 $0xFFFFD800  }
0x4c: {  	_ =	swait.ge [sflag:s30], $0x2800  }
0x4d: {  	[sflag:s30] =	ssyncset.done $0x0  }
0x4e: {  	[sflag:s30] =	ssyncadd.s32 $0xFFFFD800  }
0x4f: {  	_ =	swait.ge [sflag:s30], $0x2800  }
0x50: {  	[sflag:s30] =	ssyncset.done $0x0  }
0x51: {  	[sflag:s30] =	ssyncadd.s32 $0xFFFFD800  }
0x52: {  	_ =	swait.ge [sflag:s30], $0x2800  }
0x53: {  	[sflag:s30] =	ssyncset.done $0x0  }
0x54: {  	[sflag:s30] =	ssyncadd.s32 $0xFFFFD800  }
0x55: {  	_ =	swait.ge [sflag:s30], $0x2800  }
0x56: {  	[sflag:s30] =	ssyncset.done $0x0  }
0x57: {  	[sflag:s30] =	ssyncadd.s32 $0xFFFFD800  }
0x58: {  	_ =	swait.ge [sflag:s30], $0x2800  }
0x59: {  	[sflag:s30] =	ssyncset.done $0x0  }
0x5a: {  	[sflag:s30] =	ssyncadd.s32 $0xFFFFD800  }
0x5b: {  	_ =	swait.ge [sflag:s30], $0x2800  }
0x5c: {  	[sflag:s30] =	ssyncset.done $0x0  }
0x5d: {  	[sflag:s30] =	ssyncadd.s32 $0xFFFFD800  }
0x5e: {  	_ =	swait.ge [sflag:s30], $0x2800  }
0x5f: {  	[sflag:s30] =	ssyncset.done $0x0  }
0x60: {  	[sflag:s30] =	ssyncadd.s32 $0xFFFFD800  }
0x61: {  	[bflag:$0x0] =	sbarrier.arrive $0xFFFF  }
0x62: {  	_ =	swait.ge [sflag:s31], $0xC80  }
0x63: {  	[sflag:s31] =	ssyncset.done $0x0  }
0x64: {  	[sflag:s31] =	ssyncadd.s32 $0xFFFFF380  }
0x65: {  	_ =	swait.ge [sflag:s31], $0xC80  }
0x66: {  	[sflag:s31] =	ssyncset.done $0x0  }
0x67: {  	s21 =	simm.s32 $0x0;
	[sflag:s31] =	ssyncadd.s32 $0xFFFFF380  }
0x68: {  	[tilespmem:s29], [sflag:$0x1] =	stream.indirect.gather [hbm4b:s1+s0], $0x80, s21, s0, $0xb8;
	[tilespmem:$0x1F800] =	vst v63  }
0x69: {  	_ = 	snop  }
0x6a: {  	[tilespmem:s5], [sflag:$0x2] =	stream.indirect.gather [hbm4b:s1+s0], $0x80, s2, s0, $0xb8;
	[tilespmem:$0x1F800] =	vst v63  }
0x6b: {  	_ = 	snop  }
0x6c: {  	[tilespmem:s8], [sflag:$0x3] =	stream.indirect.gather [hbm4b:s1+s0], $0x80, s6, s0, $0xb8;
	[tilespmem:$0x1F800] =	vst v63  }
0x6d: {  	_ =	swait.ge [sflag:s30], $0x2800  }
0x6e: {  	[sflag:s30] =	ssyncset.done $0x0  }
0x6f: {  	s6 =	simm.s32 $0x1000;
	[sflag:s30] =	ssyncadd.s32 $0xFFFFD800  }
0x70: {  	[spmem:s3] =	stream.indirect.scatter.add.f32 [tilespmem:s29], [sflag:$0x5], $0x80, s6, s0, $0xb8;
	[tilespmem:$0x1F800] =	vst v63  }
0x71: {  	_ =	swait.ge [sflag:s9], $0x2800  }
0x72: {  	[sflag:s9] =	ssyncset.done $0x0  }
0x73: {  	s7 =	simm.s32 $0x180;
	[sflag:s9] =	ssyncadd.s32 $0xFFFFD800  }
0x74: {  	[tilespmem:s29], [sflag:$0x1] =	stream.indirect.gather [hbm4b:s1+s0], $0x80, s7, s0, $0xb8;
	[tilespmem:$0x1F800] =	vst v63  }
0x75: {  	_ =	swait.ge [sflag:s10], $0x2800  }
0x76: {  	[sflag:s10] =	ssyncset.done $0x0  }
0x77: {  	s15 =	simm.s32 $0x1080;
	[sflag:s10] =	ssyncadd.s32 $0xFFFFD800  }
0x78: {  	[spmem:s3] =	stream.indirect.scatter.add.f32 [tilespmem:s5], [sflag:$0x5], $0x80, s15, s0, $0xb8;
	[tilespmem:$0x1F800] =	vst v63  }
0x79: {  	_ =	swait.ge [sflag:s9], $0x2800  }
0x7a: {  	[sflag:s9] =	ssyncset.done $0x0  }
0x7b: {  	s20 =	simm.s32 $0x200;
	[sflag:s9] =	ssyncadd.s32 $0xFFFFD800  }
0x7c: {  	[tilespmem:s5], [sflag:$0x2] =	stream.indirect.gather [hbm4b:s1+s0], $0x80, s20, s0, $0xb8;
	[tilespmem:$0x1F800] =	vst v63  }
0x7d: {  	_ =	swait.ge [sflag:s11], $0x2800  }
0x7e: {  	[sflag:s11] =	ssyncset.done $0x0  }
0x7f: {  	s21 =	simm.s32 $0x1100;
	[sflag:s11] =	ssyncadd.s32 $0xFFFFD800  }
0x80: {  	[spmem:s3] =	stream.indirect.scatter.add.f32 [tilespmem:s8], [sflag:$0x5], $0x80, s21, s0, $0xb8;
	[tilespmem:$0x1F800] =	vst v63  }
0x81: {  	_ =	swait.ge [sflag:s9], $0x2800  }
0x82: {  	[sflag:s9] =	ssyncset.done $0x0  }
0x83: {  	s19 =	simm.s32 $0x600;
	s20 =	simm.s32 $0x280;
	[sflag:s9] =	ssyncadd.s32 $0xFFFFD800  }
.LBB2_4:
0x84: {  	[tilespmem:s8], [sflag:$0x3] =	stream.indirect.gather [hbm4b:s1+s0], $0x80, s20, s0, $0xb8;
	[tilespmem:$0x1F800] =	vst v63  }
0x85: {  	s20 =	smov.u32 s19  }
0x86: {  	p0 =	sne.s32 s19, $0x2400;
	s19 =	sadd.s32 $0x600, s19;
	_ =	swait.ge [sflag:s30], $0x2800  }
0x87: {  	s20 =	sshra.s32 s20, $0x2;
	[sflag:s30] =	ssyncset.done $0x0  }
0x88: {  	s21 =	sadd.s32 $0x1000, s20;
	[sflag:s30] =	ssyncadd.s32 $0xFFFFD800  }
0x89: {  	[spmem:s3] =	stream.indirect.scatter.add.f32 [tilespmem:s29], [sflag:$0x5], $0x80, s21, s0, $0xb8;
	[tilespmem:$0x1F800] =	vst v63  }
0x8a: {  	_ =	swait.ge [sflag:s9], $0x2800  }
0x8b: {  	[sflag:s9] =	ssyncset.done $0x0  }
0x8c: {  	s21 =	sadd.s32 $0x180, s20;
	[sflag:s9] =	ssyncadd.s32 $0xFFFFD800  }
0x8d: {  	[tilespmem:s29], [sflag:$0x1] =	stream.indirect.gather [hbm4b:s1+s0], $0x80, s21, s0, $0xb8;
	[tilespmem:$0x1F800] =	vst v63  }
0x8e: {  	_ =	swait.ge [sflag:s10], $0x2800  }
0x8f: {  	[sflag:s10] =	ssyncset.done $0x0  }
0x90: {  	s21 =	sadd.s32 $0x1080, s20;
	[sflag:s10] =	ssyncadd.s32 $0xFFFFD800  }
0x91: {  	[spmem:s3] =	stream.indirect.scatter.add.f32 [tilespmem:s5], [sflag:$0x5], $0x80, s21, s0, $0xb8;
	[tilespmem:$0x1F800] =	vst v63  }
0x92: {  	_ =	swait.ge [sflag:s9], $0x2800  }
0x93: {  	[sflag:s9] =	ssyncset.done $0x0  }
0x94: {  	s21 =	sadd.s32 $0x200, s20;
	[sflag:s9] =	ssyncadd.s32 $0xFFFFD800  }
0x95: {  	[tilespmem:s5], [sflag:$0x2] =	stream.indirect.gather [hbm4b:s1+s0], $0x80, s21, s0, $0xb8;
	[tilespmem:$0x1F800] =	vst v63  }
0x96: {  	_ =	swait.ge [sflag:s11], $0x2800  }
0x97: {  	[sflag:s11] =	ssyncset.done $0x0  }
.Ltmp1:
0x98: {  	s21 =	sadd.s32 $0x1100, s20;
	[sflag:s11] =	ssyncadd.s32 $0xFFFFD800;
	(pc) =	sbr.rel @p0 .LBB2_4-.Ltmp1, $4  }
0x99: {  	[spmem:s3] =	stream.indirect.scatter.add.f32 [tilespmem:s8], [sflag:$0x5], $0x80, s21, s0, $0xb8;
	[tilespmem:$0x1F800] =	vst v63  }
0x9a: {  	_ =	swait.ge [sflag:s9], $0x2800  }
0x9b: {  	[sflag:s9] =	ssyncset.done $0x0  }
0x9c: {  	s20 =	sadd.s32 $0x280, s20;
	[sflag:s9] =	ssyncadd.s32 $0xFFFFD800  }
0x9d: {  	[tilespmem:s8], [sflag:$0x3] =	stream.indirect.gather [hbm4b:s1+s0], $0x80, s20, s0, $0xb8;
	[tilespmem:$0x1F800] =	vst v63  }
0x9e: {  	_ =	swait.ge [sflag:s30], $0x2800  }
0x9f: {  	[sflag:s30] =	ssyncset.done $0x0  }
0xa0: {  	s2 =	simm.s32 $0x1A80;
	[sflag:s30] =	ssyncadd.s32 $0xFFFFD800  }
0xa1: {  	[spmem:s3] =	stream.indirect.scatter.add.f32 [tilespmem:s29], [sflag:$0x5], $0x80, s2, s0, $0xb8;
	[tilespmem:$0x1F800] =	vst v63  }
0xa2: {  	_ =	swait.ge [sflag:s9], $0x2800  }
0xa3: {  	[sflag:s9] =	ssyncset.done $0x0  }
0xa4: {  	s19 =	simm.s32 $0xC00;
	[sflag:s9] =	ssyncadd.s32 $0xFFFFD800  }
0xa5: {  	[tilespmem:s29], [sflag:$0x1] =	stream.indirect.gather [hbm4b:s1+s0], $0x80, s19, s0, $0xb8;
	[tilespmem:$0x1F800] =	vst v63  }
0xa6: {  	_ =	swait.ge [sflag:s31], $0xC80  }
0xa7: {  	[sflag:s31] =	ssyncset.done $0x0  }
0xa8: {  	[sflag:s31] =	ssyncadd.s32 $0xFFFFF380  }
0xa9: {  	_ =	swait.ge [sflag:s31], $0xC80  }
0xaa: {  	[sflag:s31] =	ssyncset.done $0x0  }
0xab: {  	[sflag:s31] =	ssyncadd.s32 $0xFFFFF380  }
0xac: {  	_ =	swait.ge [sflag:s10], $0x2800  }
0xad: {  	[sflag:s10] =	ssyncset.done $0x0  }
0xae: {  	s20 =	simm.s32 $0x1B00;
	[sflag:s10] =	ssyncadd.s32 $0xFFFFD800  }
0xaf: {  	[spmem:s3] =	stream.indirect.scatter.add.f32 [tilespmem:s5], [sflag:$0x5], $0x80, s20, s0, $0xb8;
	[tilespmem:$0x1F800] =	vst v63  }
0xb0: {  	_ =	swait.ge [sflag:s9], $0x2800  }
0xb1: {  	[sflag:s9] =	ssyncset.done $0x0  }
0xb2: {  	[sflag:s9] =	ssyncadd.s32 $0xFFFFD800  }
0xb3: {  	[tilespmem:s5], [sflag:$0x2] =	stream.indirect.gather [hbm4b:s1+s0], $0x80, s12, s0, $0xb8;
	[tilespmem:$0x1F800] =	vst v63  }
0xb4: {  	_ =	swait.ge [sflag:s11], $0x2800  }
0xb5: {  	[sflag:s11] =	ssyncset.done $0x0  }
0xb6: {  	s21 =	simm.s32 $0x1B80;
	[sflag:s11] =	ssyncadd.s32 $0xFFFFD800  }
0xb7: {  	[spmem:s3] =	stream.indirect.scatter.add.f32 [tilespmem:s8], [sflag:$0x5], $0x80, s21, s0, $0xb8;
	[tilespmem:$0x1F800] =	vst v63  }
0xb8: {  	_ =	swait.ge [sflag:s9], $0x2800  }
0xb9: {  	[sflag:s9] =	ssyncset.done $0x0  }
0xba: {  	s6 =	simm.s32 $0x2080;
	[sflag:s9] =	ssyncadd.s32 $0xFFFFD800  }
0xbb: {  	[tilespmem:s8], [sflag:$0x3] =	stream.indirect.gather [hbm4b:s1+s0], $0x80, s6, s0, $0xb8;
	[tilespmem:$0x1F800] =	vst v63  }
0xbc: {  	_ =	swait.ge [sflag:s30], $0x2800  }
0xbd: {  	[sflag:s30] =	ssyncset.done $0x0  }
0xbe: {  	s7 =	simm.s32 $0x1C00;
	[sflag:s30] =	ssyncadd.s32 $0xFFFFD800  }
0xbf: {  	[spmem:s3] =	stream.indirect.scatter.add.f32 [tilespmem:s29], [sflag:$0x5], $0x80, s7, s0, $0xb8;
	[tilespmem:$0x1F800] =	vst v63  }
0xc0: {  	_ =	swait.ge [sflag:s9], $0x2800  }
0xc1: {  	[sflag:s9] =	ssyncset.done $0x0  }
0xc2: {  	s12 =	simm.s32 $0x2100;
	[sflag:s9] =	ssyncadd.s32 $0xFFFFD800  }
0xc3: {  	[tilespmem:s29], [sflag:$0x1] =	stream.indirect.gather [hbm4b:s1+s0], $0x80, s12, s0, $0xb8;
	[tilespmem:$0x1F800] =	vst v63  }
0xc4: {  	s19 =	rddreg [dreg:$0x10]  }
0xc5: {  	[tilespmem:s4], [sflag:$0x4] =	stream.linear.gather [hbm4b:s19+s4], $0xC80, $0x38;
	[tilespmem:$0x1F800] =	vst v63  }
0xc6: {  	s15 =	rddreg [dreg:$0x11]  }
0xc7: {  	[tilespmem:s16], [sflag:$0x4] =	stream.linear.gather [hbm4b:s15+s4], $0xC80, $0x38;
	[tilespmem:$0x1F800] =	vst v63  }
0xc8: {  	_ =	swait.ge [sflag:s10], $0x2800  }
0xc9: {  	[sflag:s10] =	ssyncset.done $0x0  }
0xca: {  	[sflag:s10] =	ssyncadd.s32 $0xFFFFD800  }
0xcb: {  	[spmem:s3] =	stream.indirect.scatter.add.f32 [tilespmem:s5], [sflag:$0x5], $0x80, s28, s0, $0xb8;
	[tilespmem:$0x1F800] =	vst v63  }
0xcc: {  	_ =	swait.ge [sflag:s9], $0x2800  }
0xcd: {  	[sflag:s9] =	ssyncset.done $0x0  }
0xce: {  	s20 =	simm.s32 $0x2180;
	[sflag:s9] =	ssyncadd.s32 $0xFFFFD800  }
0xcf: {  	[tilespmem:s5], [sflag:$0x2] =	stream.indirect.gather [hbm4b:s1+s0], $0x80, s20, s0, $0xb8;
	[tilespmem:$0x1F800] =	vst v63  }
0xd0: {  	_ =	swait.ge [sflag:s11], $0x2800  }
0xd1: {  	[sflag:s11] =	ssyncset.done $0x0  }
0xd2: {  	s21 =	simm.s32 $0x3080;
	[sflag:s11] =	ssyncadd.s32 $0xFFFFD800  }
0xd3: {  	[spmem:s3] =	stream.indirect.scatter.add.f32 [tilespmem:s8], [sflag:$0x5], $0x80, s21, s0, $0xb8;
	[tilespmem:$0x1F800] =	vst v63  }
0xd4: {  	_ =	swait.ge [sflag:s9], $0x2800  }
0xd5: {  	[sflag:s9] =	ssyncset.done $0x0  }
0xd6: {  	s6 =	simm.s32 $0x2200;
	[sflag:s9] =	ssyncadd.s32 $0xFFFFD800  }
0xd7: {  	[tilespmem:s8], [sflag:$0x3] =	stream.indirect.gather [hbm4b:s1+s0], $0x80, s6, s0, $0xb8;
	[tilespmem:$0x1F800] =	vst v63  }
0xd8: {  	_ =	swait.ge [sflag:s30], $0x2800  }
0xd9: {  	[sflag:s30] =	ssyncset.done $0x0  }
0xda: {  	s16 =	simm.s32 $0x3100;
	[sflag:s30] =	ssyncadd.s32 $0xFFFFD800  }
0xdb: {  	[spmem:s3] =	stream.indirect.scatter.add.f32 [tilespmem:s29], [sflag:$0x5], $0x80, s16, s0, $0xb8;
	[tilespmem:$0x1F800] =	vst v63  }
0xdc: {  	_ =	swait.ge [sflag:s9], $0x2800  }
0xdd: {  	[sflag:s9] =	ssyncset.done $0x0  }
0xde: {  	s6 =	simm.s32 $0x2280;
	[sflag:s9] =	ssyncadd.s32 $0xFFFFD800  }
0xdf: {  	[tilespmem:s29], [sflag:$0x1] =	stream.indirect.gather [hbm4b:s1+s0], $0x80, s6, s0, $0xb8;
	[tilespmem:$0x1F800] =	vst v63  }
0xe0: {  	_ =	swait.ge [sflag:s10], $0x2800  }
0xe1: {  	[sflag:s10] =	ssyncset.done $0x0  }
0xe2: {  	s7 =	simm.s32 $0x3180;
	[sflag:s10] =	ssyncadd.s32 $0xFFFFD800  }
0xe3: {  	[spmem:s3] =	stream.indirect.scatter.add.f32 [tilespmem:s5], [sflag:$0x5], $0x80, s7, s0, $0xb8;
	[tilespmem:$0x1F800] =	vst v63  }
0xe4: {  	_ =	swait.ge [sflag:s9], $0x2800  }
0xe5: {  	[sflag:s9] =	ssyncset.done $0x0  }
0xe6: {  	s12 =	simm.s32 $0x2300;
	[sflag:s9] =	ssyncadd.s32 $0xFFFFD800  }
0xe7: {  	[tilespmem:s5], [sflag:$0x2] =	stream.indirect.gather [hbm4b:s1+s0], $0x80, s12, s0, $0xb8;
	[tilespmem:$0x1F800] =	vst v63  }
0xe8: {  	_ =	swait.ge [sflag:s11], $0x2800  }
0xe9: {  	[sflag:s11] =	ssyncset.done $0x0  }
0xea: {  	s15 =	simm.s32 $0x3200;
	[sflag:s11] =	ssyncadd.s32 $0xFFFFD800  }
0xeb: {  	[spmem:s3] =	stream.indirect.scatter.add.f32 [tilespmem:s8], [sflag:$0x5], $0x80, s15, s0, $0xb8;
	[tilespmem:$0x1F800] =	vst v63  }
0xec: {  	_ =	swait.ge [sflag:s9], $0x2800  }
0xed: {  	[sflag:s9] =	ssyncset.done $0x0  }
0xee: {  	s19 =	simm.s32 $0x2380;
	[sflag:s9] =	ssyncadd.s32 $0xFFFFD800  }
0xef: {  	[tilespmem:s8], [sflag:$0x3] =	stream.indirect.gather [hbm4b:s1+s0], $0x80, s19, s0, $0xb8;
	[tilespmem:$0x1F800] =	vst v63  }
0xf0: {  	_ =	swait.ge [sflag:s30], $0x2800  }
0xf1: {  	[sflag:s30] =	ssyncset.done $0x0  }
0xf2: {  	s20 =	simm.s32 $0x3280;
	[sflag:s30] =	ssyncadd.s32 $0xFFFFD800  }
0xf3: {  	[spmem:s3] =	stream.indirect.scatter.add.f32 [tilespmem:s29], [sflag:$0x5], $0x80, s20, s0, $0xb8;
	[tilespmem:$0x1F800] =	vst v63  }
0xf4: {  	_ =	swait.ge [sflag:s9], $0x2800  }
0xf5: {  	[sflag:s9] =	ssyncset.done $0x0  }
0xf6: {  	s21 =	simm.s32 $0x2400;
	[sflag:s9] =	ssyncadd.s32 $0xFFFFD800  }
0xf7: {  	[tilespmem:s29], [sflag:$0x1] =	stream.indirect.gather [hbm4b:s1+s0], $0x80, s21, s0, $0xb8;
	[tilespmem:$0x1F800] =	vst v63  }
0xf8: {  	_ =	swait.ge [sflag:s10], $0x2800  }
0xf9: {  	[sflag:s10] =	ssyncset.done $0x0  }
0xfa: {  	s7 =	simm.s32 $0x3300;
	[sflag:s10] =	ssyncadd.s32 $0xFFFFD800  }
0xfb: {  	[spmem:s3] =	stream.indirect.scatter.add.f32 [tilespmem:s5], [sflag:$0x5], $0x80, s7, s0, $0xb8;
	[tilespmem:$0x1F800] =	vst v63  }
0xfc: {  	_ =	swait.ge [sflag:s9], $0x2800  }
0xfd: {  	[sflag:s9] =	ssyncset.done $0x0  }
0xfe: {  	s12 =	simm.s32 $0x2480;
	[sflag:s9] =	ssyncadd.s32 $0xFFFFD800  }
0xff: {  	[tilespmem:s5], [sflag:$0x2] =	stream.indirect.gather [hbm4b:s1+s0], $0x80, s12, s0, $0xb8;
	[tilespmem:$0x1F800] =	vst v63  }
0x100: {  	_ =	swait.ge [sflag:s11], $0x2800  }
0x101: {  	[sflag:s11] =	ssyncset.done $0x0  }
0x102: {  	s15 =	simm.s32 $0x3380;
	[sflag:s11] =	ssyncadd.s32 $0xFFFFD800  }
0x103: {  	[spmem:s3] =	stream.indirect.scatter.add.f32 [tilespmem:s8], [sflag:$0x5], $0x80, s15, s0, $0xb8;
	[tilespmem:$0x1F800] =	vst v63  }
0x104: {  	_ =	swait.ge [sflag:s9], $0x2800  }
0x105: {  	[sflag:s9] =	ssyncset.done $0x0  }
0x106: {  	s19 =	simm.s32 $0x2500;
	[sflag:s9] =	ssyncadd.s32 $0xFFFFD800  }
0x107: {  	[tilespmem:s8], [sflag:$0x3] =	stream.indirect.gather [hbm4b:s1+s0], $0x80, s19, s0, $0xb8;
	[tilespmem:$0x1F800] =	vst v63  }
0x108: {  	_ =	swait.ge [sflag:s30], $0x2800  }
0x109: {  	[sflag:s30] =	ssyncset.done $0x0  }
0x10a: {  	s20 =	simm.s32 $0x3400;
	[sflag:s30] =	ssyncadd.s32 $0xFFFFD800  }
0x10b: {  	[spmem:s3] =	stream.indirect.scatter.add.f32 [tilespmem:s29], [sflag:$0x5], $0x80, s20, s0, $0xb8;
	[tilespmem:$0x1F800] =	vst v63  }
0x10c: {  	_ =	swait.ge [sflag:s9], $0x2800  }
0x10d: {  	[sflag:s9] =	ssyncset.done $0x0  }
0x10e: {  	s21 =	simm.s32 $0x2580;
	[sflag:s9] =	ssyncadd.s32 $0xFFFFD800  }
0x10f: {  	[tilespmem:s29], [sflag:$0x1] =	stream.indirect.gather [hbm4b:s1+s0], $0x80, s21, s0, $0xb8;
	[tilespmem:$0x1F800] =	vst v63  }
0x110: {  	_ =	swait.ge [sflag:s10], $0x2800  }
0x111: {  	[sflag:s10] =	ssyncset.done $0x0  }
0x112: {  	s7 =	simm.s32 $0x3480;
	[sflag:s10] =	ssyncadd.s32 $0xFFFFD800  }
0x113: {  	[spmem:s3] =	stream.indirect.scatter.add.f32 [tilespmem:s5], [sflag:$0x5], $0x80, s7, s0, $0xb8;
	[tilespmem:$0x1F800] =	vst v63  }
0x114: {  	_ =	swait.ge [sflag:s9], $0x2800  }
0x115: {  	[sflag:s9] =	ssyncset.done $0x0  }
0x116: {  	s12 =	simm.s32 $0x2600;
	[sflag:s9] =	ssyncadd.s32 $0xFFFFD800  }
0x117: {  	[tilespmem:s5], [sflag:$0x2] =	stream.indirect.gather [hbm4b:s1+s0], $0x80, s12, s0, $0xb8;
	[tilespmem:$0x1F800] =	vst v63  }
0x118: {  	_ =	swait.ge [sflag:s11], $0x2800  }
0x119: {  	[sflag:s11] =	ssyncset.done $0x0  }
0x11a: {  	s15 =	simm.s32 $0x3500;
	[sflag:s11] =	ssyncadd.s32 $0xFFFFD800  }
0x11b: {  	[spmem:s3] =	stream.indirect.scatter.add.f32 [tilespmem:s8], [sflag:$0x5], $0x80, s15, s0, $0xb8;
	[tilespmem:$0x1F800] =	vst v63  }
0x11c: {  	_ =	swait.ge [sflag:s9], $0x2800  }
0x11d: {  	[sflag:s9] =	ssyncset.done $0x0  }
0x11e: {  	s19 =	simm.s32 $0x2680;
	[sflag:s9] =	ssyncadd.s32 $0xFFFFD800  }
0x11f: {  	[tilespmem:s8], [sflag:$0x3] =	stream.indirect.gather [hbm4b:s1+s0], $0x80, s19, s0, $0xb8;
	[tilespmem:$0x1F800] =	vst v63  }
0x120: {  	_ =	swait.ge [sflag:s30], $0x2800  }
0x121: {  	[sflag:s30] =	ssyncset.done $0x0  }
0x122: {  	s20 =	simm.s32 $0x3580;
	[sflag:s30] =	ssyncadd.s32 $0xFFFFD800  }
0x123: {  	[spmem:s3] =	stream.indirect.scatter.add.f32 [tilespmem:s29], [sflag:$0x5], $0x80, s20, s0, $0xb8;
	[tilespmem:$0x1F800] =	vst v63  }
0x124: {  	_ =	swait.ge [sflag:s9], $0x2800  }
0x125: {  	[sflag:s9] =	ssyncset.done $0x0  }
0x126: {  	s21 =	simm.s32 $0x2700;
	[sflag:s9] =	ssyncadd.s32 $0xFFFFD800  }
0x127: {  	[tilespmem:s29], [sflag:$0x1] =	stream.indirect.gather [hbm4b:s1+s0], $0x80, s21, s0, $0xb8;
	[tilespmem:$0x1F800] =	vst v63  }
0x128: {  	_ =	swait.ge [sflag:s10], $0x2800  }
0x129: {  	[sflag:s10] =	ssyncset.done $0x0  }
0x12a: {  	s7 =	simm.s32 $0x3600;
	[sflag:s10] =	ssyncadd.s32 $0xFFFFD800  }
0x12b: {  	[spmem:s3] =	stream.indirect.scatter.add.f32 [tilespmem:s5], [sflag:$0x5], $0x80, s7, s0, $0xb8;
	[tilespmem:$0x1F800] =	vst v63  }
0x12c: {  	_ =	swait.ge [sflag:s9], $0x2800  }
0x12d: {  	[sflag:s9] =	ssyncset.done $0x0  }
0x12e: {  	s12 =	simm.s32 $0x2780;
	[sflag:s9] =	ssyncadd.s32 $0xFFFFD800  }
0x12f: {  	[tilespmem:s5], [sflag:$0x2] =	stream.indirect.gather [hbm4b:s1+s0], $0x80, s12, s0, $0xb8;
	[tilespmem:$0x1F800] =	vst v63  }
0x130: {  	_ =	swait.ge [sflag:s11], $0x2800  }
0x131: {  	[sflag:s11] =	ssyncset.done $0x0  }
0x132: {  	s15 =	simm.s32 $0x3680;
	[sflag:s11] =	ssyncadd.s32 $0xFFFFD800  }
0x133: {  	[spmem:s3] =	stream.indirect.scatter.add.f32 [tilespmem:s8], [sflag:$0x5], $0x80, s15, s0, $0xb8;
	[tilespmem:$0x1F800] =	vst v63  }
0x134: {  	_ =	swait.ge [sflag:s9], $0x2800  }
0x135: {  	[sflag:s9] =	ssyncset.done $0x0  }
0x136: {  	s19 =	simm.s32 $0x2800;
	[sflag:s9] =	ssyncadd.s32 $0xFFFFD800  }
0x137: {  	[tilespmem:s8], [sflag:$0x3] =	stream.indirect.gather [hbm4b:s1+s0], $0x80, s19, s0, $0xb8;
	[tilespmem:$0x1F800] =	vst v63  }
0x138: {  	_ =	swait.ge [sflag:s30], $0x2800  }
0x139: {  	[sflag:s30] =	ssyncset.done $0x0  }
0x13a: {  	s20 =	simm.s32 $0x3700;
	[sflag:s30] =	ssyncadd.s32 $0xFFFFD800  }
0x13b: {  	[spmem:s3] =	stream.indirect.scatter.add.f32 [tilespmem:s29], [sflag:$0x5], $0x80, s20, s0, $0xb8;
	[tilespmem:$0x1F800] =	vst v63  }
0x13c: {  	_ =	swait.ge [sflag:s9], $0x2800  }
0x13d: {  	[sflag:s9] =	ssyncset.done $0x0  }
0x13e: {  	s21 =	simm.s32 $0x2880;
	[sflag:s9] =	ssyncadd.s32 $0xFFFFD800  }
0x13f: {  	[tilespmem:s29], [sflag:$0x1] =	stream.indirect.gather [hbm4b:s1+s0], $0x80, s21, s0, $0xb8;
	[tilespmem:$0x1F800] =	vst v63  }
0x140: {  	_ =	swait.ge [sflag:s10], $0x2800  }
0x141: {  	[sflag:s10] =	ssyncset.done $0x0  }
0x142: {  	s7 =	simm.s32 $0x3780;
	[sflag:s10] =	ssyncadd.s32 $0xFFFFD800  }
0x143: {  	[spmem:s3] =	stream.indirect.scatter.add.f32 [tilespmem:s5], [sflag:$0x5], $0x80, s7, s0, $0xb8;
	[tilespmem:$0x1F800] =	vst v63  }
0x144: {  	_ =	swait.ge [sflag:s9], $0x2800  }
0x145: {  	[sflag:s9] =	ssyncset.done $0x0  }
0x146: {  	s12 =	simm.s32 $0x2900;
	[sflag:s9] =	ssyncadd.s32 $0xFFFFD800  }
0x147: {  	[tilespmem:s5], [sflag:$0x2] =	stream.indirect.gather [hbm4b:s1+s0], $0x80, s12, s0, $0xb8;
	[tilespmem:$0x1F800] =	vst v63  }
0x148: {  	_ =	swait.ge [sflag:s11], $0x2800  }
0x149: {  	[sflag:s11] =	ssyncset.done $0x0  }
0x14a: {  	s15 =	simm.s32 $0x3800;
	[sflag:s11] =	ssyncadd.s32 $0xFFFFD800  }
0x14b: {  	[spmem:s3] =	stream.indirect.scatter.add.f32 [tilespmem:s8], [sflag:$0x5], $0x80, s15, s0, $0xb8;
	[tilespmem:$0x1F800] =	vst v63  }
0x14c: {  	_ =	swait.ge [sflag:s9], $0x2800  }
0x14d: {  	[sflag:s9] =	ssyncset.done $0x0  }
0x14e: {  	s19 =	simm.s32 $0x2980;
	[sflag:s9] =	ssyncadd.s32 $0xFFFFD800  }
0x14f: {  	[tilespmem:s8], [sflag:$0x3] =	stream.indirect.gather [hbm4b:s1+s0], $0x80, s19, s0, $0xb8;
	[tilespmem:$0x1F800] =	vst v63  }
0x150: {  	_ =	swait.ge [sflag:s30], $0x2800  }
0x151: {  	[sflag:s30] =	ssyncset.done $0x0  }
0x152: {  	s20 =	simm.s32 $0x3880;
	[sflag:s30] =	ssyncadd.s32 $0xFFFFD800  }
0x153: {  	[spmem:s3] =	stream.indirect.scatter.add.f32 [tilespmem:s29], [sflag:$0x5], $0x80, s20, s0, $0xb8;
	[tilespmem:$0x1F800] =	vst v63  }
0x154: {  	_ =	swait.ge [sflag:s9], $0x2800  }
0x155: {  	[sflag:s9] =	ssyncset.done $0x0  }
0x156: {  	s21 =	simm.s32 $0x2A00;
	[sflag:s9] =	ssyncadd.s32 $0xFFFFD800  }
0x157: {  	[tilespmem:s29], [sflag:$0x1] =	stream.indirect.gather [hbm4b:s1+s0], $0x80, s21, s0, $0xb8;
	[tilespmem:$0x1F800] =	vst v63  }
0x158: {  	_ =	swait.ge [sflag:s10], $0x2800  }
0x159: {  	[sflag:s10] =	ssyncset.done $0x0  }
0x15a: {  	s7 =	simm.s32 $0x3900;
	[sflag:s10] =	ssyncadd.s32 $0xFFFFD800  }
0x15b: {  	[spmem:s3] =	stream.indirect.scatter.add.f32 [tilespmem:s5], [sflag:$0x5], $0x80, s7, s0, $0xb8;
	[tilespmem:$0x1F800] =	vst v63  }
0x15c: {  	_ =	swait.ge [sflag:s9], $0x2800  }
0x15d: {  	[sflag:s9] =	ssyncset.done $0x0  }
0x15e: {  	s12 =	simm.s32 $0x2A80;
	[sflag:s9] =	ssyncadd.s32 $0xFFFFD800  }
0x15f: {  	[tilespmem:s5], [sflag:$0x2] =	stream.indirect.gather [hbm4b:s1+s0], $0x80, s12, s0, $0xb8;
	[tilespmem:$0x1F800] =	vst v63  }
0x160: {  	_ =	swait.ge [sflag:s11], $0x2800  }
0x161: {  	[sflag:s11] =	ssyncset.done $0x0  }
0x162: {  	s15 =	simm.s32 $0x3980;
	[sflag:s11] =	ssyncadd.s32 $0xFFFFD800  }
0x163: {  	[spmem:s3] =	stream.indirect.scatter.add.f32 [tilespmem:s8], [sflag:$0x5], $0x80, s15, s0, $0xb8;
	[tilespmem:$0x1F800] =	vst v63  }
0x164: {  	_ =	swait.ge [sflag:s9], $0x2800  }
0x165: {  	[sflag:s9] =	ssyncset.done $0x0  }
0x166: {  	s19 =	simm.s32 $0x2B00;
	[sflag:s9] =	ssyncadd.s32 $0xFFFFD800  }
0x167: {  	[tilespmem:s8], [sflag:$0x3] =	stream.indirect.gather [hbm4b:s1+s0], $0x80, s19, s0, $0xb8;
	[tilespmem:$0x1F800] =	vst v63  }
0x168: {  	_ =	swait.ge [sflag:s30], $0x2800  }
0x169: {  	[sflag:s30] =	ssyncset.done $0x0  }
0x16a: {  	s20 =	simm.s32 $0x3A00;
	[sflag:s30] =	ssyncadd.s32 $0xFFFFD800  }
0x16b: {  	[spmem:s3] =	stream.indirect.scatter.add.f32 [tilespmem:s29], [sflag:$0x5], $0x80, s20, s0, $0xb8;
	[tilespmem:$0x1F800] =	vst v63  }
0x16c: {  	_ =	swait.ge [sflag:s9], $0x2800  }
0x16d: {  	[sflag:s9] =	ssyncset.done $0x0  }
0x16e: {  	s21 =	simm.s32 $0x2B80;
	[sflag:s9] =	ssyncadd.s32 $0xFFFFD800  }
0x16f: {  	[tilespmem:s29], [sflag:$0x1] =	stream.indirect.gather [hbm4b:s1+s0], $0x80, s21, s0, $0xb8;
	[tilespmem:$0x1F800] =	vst v63  }
0x170: {  	_ =	swait.ge [sflag:s10], $0x2800  }
0x171: {  	[sflag:s10] =	ssyncset.done $0x0  }
0x172: {  	s7 =	simm.s32 $0x3A80;
	[sflag:s10] =	ssyncadd.s32 $0xFFFFD800  }
0x173: {  	[spmem:s3] =	stream.indirect.scatter.add.f32 [tilespmem:s5], [sflag:$0x5], $0x80, s7, s0, $0xb8;
	[tilespmem:$0x1F800] =	vst v63  }
0x174: {  	_ =	swait.ge [sflag:s9], $0x2800  }
0x175: {  	[sflag:s9] =	ssyncset.done $0x0  }
0x176: {  	s12 =	simm.s32 $0x2C00;
	[sflag:s9] =	ssyncadd.s32 $0xFFFFD800  }
0x177: {  	[tilespmem:s5], [sflag:$0x2] =	stream.indirect.gather [hbm4b:s1+s0], $0x80, s12, s0, $0xb8;
	[tilespmem:$0x1F800] =	vst v63  }
0x178: {  	_ =	swait.ge [sflag:s31], $0xC80  }
0x179: {  	[sflag:s31] =	ssyncset.done $0x0  }
0x17a: {  	[sflag:s31] =	ssyncadd.s32 $0xFFFFF380  }
0x17b: {  	_ =	swait.ge [sflag:s31], $0xC80  }
0x17c: {  	[sflag:s31] =	ssyncset.done $0x0  }
0x17d: {  	[sflag:s31] =	ssyncadd.s32 $0xFFFFF380  }
0x17e: {  	_ =	swait.ge [sflag:s11], $0x2800  }
0x17f: {  	[sflag:s11] =	ssyncset.done $0x0  }
0x180: {  	s15 =	simm.s32 $0x3B00;
	[sflag:s11] =	ssyncadd.s32 $0xFFFFD800  }
0x181: {  	[spmem:s3] =	stream.indirect.scatter.add.f32 [tilespmem:s8], [sflag:$0x5], $0x80, s15, s0, $0xb8;
	[tilespmem:$0x1F800] =	vst v63  }
0x182: {  	_ =	swait.ge [sflag:s9], $0x2800  }
0x183: {  	[sflag:s9] =	ssyncset.done $0x0  }
0x184: {  	[sflag:s9] =	ssyncadd.s32 $0xFFFFD800  }
0x185: {  	[tilespmem:s8], [sflag:$0x3] =	stream.indirect.gather [hbm4b:s1+s0], $0x80, s4, s0, $0xb8;
	[tilespmem:$0x1F800] =	vst v63  }
0x186: {  	_ =	swait.ge [sflag:s30], $0x2800  }
0x187: {  	[sflag:s30] =	ssyncset.done $0x0  }
0x188: {  	s19 =	simm.s32 $0x3B80;
	[sflag:s30] =	ssyncadd.s32 $0xFFFFD800  }
0x189: {  	[spmem:s3] =	stream.indirect.scatter.add.f32 [tilespmem:s29], [sflag:$0x5], $0x80, s19, s0, $0xb8;
	[tilespmem:$0x1F800] =	vst v63  }
0x18a: {  	_ =	swait.ge [sflag:s9], $0x2800  }
0x18b: {  	[sflag:s9] =	ssyncset.done $0x0  }
0x18c: {  	s6 =	simm.s32 $0x80;
	[sflag:s9] =	ssyncadd.s32 $0xFFFFD800  }
0x18d: {  	[tilespmem:s29], [sflag:$0x1] =	stream.indirect.gather [hbm4b:s1+s0], $0x80, s6, s0, $0xb8;
	[tilespmem:$0x1F800] =	vst v63  }
0x18e: {  	_ =	swait.ge [sflag:s10], $0x2800  }
0x18f: {  	[sflag:s10] =	ssyncset.done $0x0  }
0x190: {  	s7 =	simm.s32 $0x3C00;
	[sflag:s10] =	ssyncadd.s32 $0xFFFFD800  }
0x191: {  	[spmem:s3] =	stream.indirect.scatter.add.f32 [tilespmem:s5], [sflag:$0x5], $0x80, s7, s0, $0xb8;
	[tilespmem:$0x1F800] =	vst v63  }
0x192: {  	_ =	swait.ge [sflag:s9], $0x2800  }
0x193: {  	[sflag:s9] =	ssyncset.done $0x0  }
0x194: {  	s12 =	simm.s32 $0x100;
	[sflag:s9] =	ssyncadd.s32 $0xFFFFD800  }
0x195: {  	[tilespmem:s5], [sflag:$0x2] =	stream.indirect.gather [hbm4b:s1+s0], $0x80, s12, s0, $0xb8;
	[tilespmem:$0x1F800] =	vst v63  }
0x196: {  	s28 =	simm.s32 $0x2000;
	s21 =	rddreg [dreg:$0x12]  }
0x197: {  	[tilespmem:s28], [sflag:$0x4] =	stream.linear.gather [hbm4b:s21+s4], $0xC80, $0x38;
	[tilespmem:$0x1F800] =	vst v63  }
0x198: {  	s20 =	simm.s32 $0x3000;
	s15 =	rddreg [dreg:$0x13]  }
0x199: {  	[tilespmem:s20], [sflag:$0x4] =	stream.linear.gather [hbm4b:s15+s4], $0xC80, $0x38;
	[tilespmem:$0x1F800] =	vst v63  }
0x19a: {  	_ =	swait.ge [sflag:s11], $0x2800  }
0x19b: {  	[sflag:s11] =	ssyncset.done $0x0  }
0x19c: {  	s2 =	simm.s32 $0x1000;
	[sflag:s11] =	ssyncadd.s32 $0xFFFFD800  }
0x19d: {  	[spmem:s3] =	stream.indirect.scatter.add.f32 [tilespmem:s8], [sflag:$0x5], $0x80, s2, s0, $0xb8;
	[tilespmem:$0x1F800] =	vst v63  }
0x19e: {  	_ =	swait.ge [sflag:s9], $0x2800  }
0x19f: {  	[sflag:s9] =	ssyncset.done $0x0  }
0x1a0: {  	s20 =	simm.s32 $0x180;
	[sflag:s9] =	ssyncadd.s32 $0xFFFFD800  }
0x1a1: {  	[tilespmem:s8], [sflag:$0x3] =	stream.indirect.gather [hbm4b:s1+s0], $0x80, s20, s0, $0xb8;
	[tilespmem:$0x1F800] =	vst v63  }
0x1a2: {  	_ =	swait.ge [sflag:s30], $0x2800  }
0x1a3: {  	[sflag:s30] =	ssyncset.done $0x0  }
0x1a4: {  	s21 =	simm.s32 $0x1080;
	[sflag:s30] =	ssyncadd.s32 $0xFFFFD800  }
0x1a5: {  	[spmem:s3] =	stream.indirect.scatter.add.f32 [tilespmem:s29], [sflag:$0x5], $0x80, s21, s0, $0xb8;
	[tilespmem:$0x1F800] =	vst v63  }
0x1a6: {  	_ =	swait.ge [sflag:s9], $0x2800  }
0x1a7: {  	[sflag:s9] =	ssyncset.done $0x0  }
0x1a8: {  	s15 =	simm.s32 $0x200;
	[sflag:s9] =	ssyncadd.s32 $0xFFFFD800  }
0x1a9: {  	[tilespmem:s29], [sflag:$0x1] =	stream.indirect.gather [hbm4b:s1+s0], $0x80, s15, s0, $0xb8;
	[tilespmem:$0x1F800] =	vst v63  }
0x1aa: {  	_ =	swait.ge [sflag:s10], $0x2800  }
0x1ab: {  	[sflag:s10] =	ssyncset.done $0x0  }
0x1ac: {  	s15 =	simm.s32 $0x1100;
	[sflag:s10] =	ssyncadd.s32 $0xFFFFD800  }
0x1ad: {  	[spmem:s3] =	stream.indirect.scatter.add.f32 [tilespmem:s5], [sflag:$0x5], $0x80, s15, s0, $0xb8;
	[tilespmem:$0x1F800] =	vst v63  }
0x1ae: {  	_ =	swait.ge [sflag:s9], $0x2800  }
0x1af: {  	[sflag:s9] =	ssyncset.done $0x0  }
0x1b0: {  	[sflag:s9] =	ssyncadd.s32 $0xFFFFD800  }
0x1b1: {  	[tilespmem:s5], [sflag:$0x2] =	stream.indirect.gather [hbm4b:s1+s0], $0x80, s17, s0, $0xb8;
	[tilespmem:$0x1F800] =	vst v63  }
0x1b2: {  	_ =	swait.ge [sflag:s11], $0x2800  }
0x1b3: {  	[sflag:s11] =	ssyncset.done $0x0  }
0x1b4: {  	s20 =	simm.s32 $0x1180;
	[sflag:s11] =	ssyncadd.s32 $0xFFFFD800  }
0x1b5: {  	[spmem:s3] =	stream.indirect.scatter.add.f32 [tilespmem:s8], [sflag:$0x5], $0x80, s20, s0, $0xb8;
	[tilespmem:$0x1F800] =	vst v63  }
0x1b6: {  	_ =	swait.ge [sflag:s9], $0x2800  }
0x1b7: {  	[sflag:s9] =	ssyncset.done $0x0  }
0x1b8: {  	s21 =	simm.s32 $0x300;
	[sflag:s9] =	ssyncadd.s32 $0xFFFFD800  }
0x1b9: {  	[tilespmem:s8], [sflag:$0x3] =	stream.indirect.gather [hbm4b:s1+s0], $0x80, s21, s0, $0xb8;
	[tilespmem:$0x1F800] =	vst v63  }
0x1ba: {  	_ =	swait.ge [sflag:s30], $0x2800  }
0x1bb: {  	[sflag:s30] =	ssyncset.done $0x0  }
0x1bc: {  	[sflag:s30] =	ssyncadd.s32 $0xFFFFD800  }
0x1bd: {  	[spmem:s3] =	stream.indirect.scatter.add.f32 [tilespmem:s29], [sflag:$0x5], $0x80, s22, s0, $0xb8;
	[tilespmem:$0x1F800] =	vst v63  }
0x1be: {  	_ =	swait.ge [sflag:s9], $0x2800  }
0x1bf: {  	[sflag:s9] =	ssyncset.done $0x0  }
0x1c0: {  	[sflag:s9] =	ssyncadd.s32 $0xFFFFD800  }
0x1c1: {  	[tilespmem:s29], [sflag:$0x1] =	stream.indirect.gather [hbm4b:s1+s0], $0x80, s23, s0, $0xb8;
	[tilespmem:$0x1F800] =	vst v63  }
0x1c2: {  	_ =	swait.ge [sflag:s10], $0x2800  }
0x1c3: {  	[sflag:s10] =	ssyncset.done $0x0  }
0x1c4: {  	[sflag:s10] =	ssyncadd.s32 $0xFFFFD800  }
0x1c5: {  	[spmem:s3] =	stream.indirect.scatter.add.f32 [tilespmem:s5], [sflag:$0x5], $0x80, s24, s0, $0xb8;
	[tilespmem:$0x1F800] =	vst v63  }
0x1c6: {  	_ =	swait.ge [sflag:s9], $0x2800  }
0x1c7: {  	[sflag:s9] =	ssyncset.done $0x0  }
0x1c8: {  	[sflag:s9] =	ssyncadd.s32 $0xFFFFD800  }
0x1c9: {  	[tilespmem:s5], [sflag:$0x2] =	stream.indirect.gather [hbm4b:s1+s0], $0x80, s25, s0, $0xb8;
	[tilespmem:$0x1F800] =	vst v63  }
0x1ca: {  	_ =	swait.ge [sflag:s11], $0x2800  }
0x1cb: {  	[sflag:s11] =	ssyncset.done $0x0  }
0x1cc: {  	[sflag:s11] =	ssyncadd.s32 $0xFFFFD800  }
0x1cd: {  	[spmem:s3] =	stream.indirect.scatter.add.f32 [tilespmem:s8], [sflag:$0x5], $0x80, s26, s0, $0xb8;
	[tilespmem:$0x1F800] =	vst v63  }
0x1ce: {  	_ =	swait.ge [sflag:s9], $0x2800  }
0x1cf: {  	[sflag:s9] =	ssyncset.done $0x0  }
0x1d0: {  	s19 =	simm.s32 $0x480;
	[sflag:s9] =	ssyncadd.s32 $0xFFFFD800  }
0x1d1: {  	[tilespmem:s8], [sflag:$0x3] =	stream.indirect.gather [hbm4b:s1+s0], $0x80, s19, s0, $0xb8;
	[tilespmem:$0x1F800] =	vst v63  }
0x1d2: {  	_ =	swait.ge [sflag:s30], $0x2800  }
0x1d3: {  	[sflag:s30] =	ssyncset.done $0x0  }
0x1d4: {  	s19 =	simm.s32 $0x1380;
	[sflag:s30] =	ssyncadd.s32 $0xFFFFD800  }
0x1d5: {  	[spmem:s3] =	stream.indirect.scatter.add.f32 [tilespmem:s29], [sflag:$0x5], $0x80, s19, s0, $0xb8;
	[tilespmem:$0x1F800] =	vst v63  }
0x1d6: {  	_ =	swait.ge [sflag:s9], $0x2800  }
0x1d7: {  	[sflag:s9] =	ssyncset.done $0x0  }
0x1d8: {  	s19 =	simm.s32 $0x500;
	[sflag:s9] =	ssyncadd.s32 $0xFFFFD800  }
0x1d9: {  	[tilespmem:s29], [sflag:$0x1] =	stream.indirect.gather [hbm4b:s1+s0], $0x80, s19, s0, $0xb8;
	[tilespmem:$0x1F800] =	vst v63  }
0x1da: {  	_ =	swait.ge [sflag:s10], $0x2800  }
0x1db: {  	[sflag:s10] =	ssyncset.done $0x0  }
0x1dc: {  	s19 =	simm.s32 $0x1400;
	[sflag:s10] =	ssyncadd.s32 $0xFFFFD800  }
0x1dd: {  	[spmem:s3] =	stream.indirect.scatter.add.f32 [tilespmem:s5], [sflag:$0x5], $0x80, s19, s0, $0xb8;
	[tilespmem:$0x1F800] =	vst v63  }
0x1de: {  	_ =	swait.ge [sflag:s9], $0x2800  }
0x1df: {  	[sflag:s9] =	ssyncset.done $0x0  }
0x1e0: {  	s19 =	simm.s32 $0x580;
	[sflag:s9] =	ssyncadd.s32 $0xFFFFD800  }
0x1e1: {  	[tilespmem:s5], [sflag:$0x2] =	stream.indirect.gather [hbm4b:s1+s0], $0x80, s19, s0, $0xb8;
	[tilespmem:$0x1F800] =	vst v63  }
0x1e2: {  	_ =	swait.ge [sflag:s11], $0x2800  }
0x1e3: {  	[sflag:s11] =	ssyncset.done $0x0  }
0x1e4: {  	s19 =	simm.s32 $0x1480;
	[sflag:s11] =	ssyncadd.s32 $0xFFFFD800  }
0x1e5: {  	[spmem:s3] =	stream.indirect.scatter.add.f32 [tilespmem:s8], [sflag:$0x5], $0x80, s19, s0, $0xb8;
	[tilespmem:$0x1F800] =	vst v63  }
0x1e6: {  	_ =	swait.ge [sflag:s9], $0x2800  }
0x1e7: {  	[sflag:s9] =	ssyncset.done $0x0  }
0x1e8: {  	s19 =	simm.s32 $0x600;
	[sflag:s9] =	ssyncadd.s32 $0xFFFFD800  }
0x1e9: {  	[tilespmem:s8], [sflag:$0x3] =	stream.indirect.gather [hbm4b:s1+s0], $0x80, s19, s0, $0xb8;
	[tilespmem:$0x1F800] =	vst v63  }
0x1ea: {  	_ =	swait.ge [sflag:s30], $0x2800  }
0x1eb: {  	[sflag:s30] =	ssyncset.done $0x0  }
0x1ec: {  	s19 =	simm.s32 $0x1500;
	[sflag:s30] =	ssyncadd.s32 $0xFFFFD800  }
0x1ed: {  	[spmem:s3] =	stream.indirect.scatter.add.f32 [tilespmem:s29], [sflag:$0x5], $0x80, s19, s0, $0xb8;
	[tilespmem:$0x1F800] =	vst v63  }
0x1ee: {  	_ =	swait.ge [sflag:s9], $0x2800  }
0x1ef: {  	[sflag:s9] =	ssyncset.done $0x0  }
0x1f0: {  	s19 =	simm.s32 $0x680;
	[sflag:s9] =	ssyncadd.s32 $0xFFFFD800  }
0x1f1: {  	[tilespmem:s29], [sflag:$0x1] =	stream.indirect.gather [hbm4b:s1+s0], $0x80, s19, s0, $0xb8;
	[tilespmem:$0x1F800] =	vst v63  }
0x1f2: {  	_ =	swait.ge [sflag:s10], $0x2800  }
0x1f3: {  	[sflag:s10] =	ssyncset.done $0x0  }
0x1f4: {  	s19 =	simm.s32 $0x1580;
	[sflag:s10] =	ssyncadd.s32 $0xFFFFD800  }
0x1f5: {  	[spmem:s3] =	stream.indirect.scatter.add.f32 [tilespmem:s5], [sflag:$0x5], $0x80, s19, s0, $0xb8;
	[tilespmem:$0x1F800] =	vst v63  }
0x1f6: {  	_ =	swait.ge [sflag:s9], $0x2800  }
0x1f7: {  	[sflag:s9] =	ssyncset.done $0x0  }
0x1f8: {  	s19 =	simm.s32 $0x700;
	[sflag:s9] =	ssyncadd.s32 $0xFFFFD800  }
0x1f9: {  	[tilespmem:s5], [sflag:$0x2] =	stream.indirect.gather [hbm4b:s1+s0], $0x80, s19, s0, $0xb8;
	[tilespmem:$0x1F800] =	vst v63  }
0x1fa: {  	_ =	swait.ge [sflag:s11], $0x2800  }
0x1fb: {  	[sflag:s11] =	ssyncset.done $0x0  }
0x1fc: {  	s19 =	simm.s32 $0x1600;
	[sflag:s11] =	ssyncadd.s32 $0xFFFFD800  }
0x1fd: {  	[spmem:s3] =	stream.indirect.scatter.add.f32 [tilespmem:s8], [sflag:$0x5], $0x80, s19, s0, $0xb8;
	[tilespmem:$0x1F800] =	vst v63  }
0x1fe: {  	_ =	swait.ge [sflag:s9], $0x2800  }
0x1ff: {  	[sflag:s9] =	ssyncset.done $0x0  }
0x200: {  	s19 =	simm.s32 $0x780;
	[sflag:s9] =	ssyncadd.s32 $0xFFFFD800  }
0x201: {  	[tilespmem:s8], [sflag:$0x3] =	stream.indirect.gather [hbm4b:s1+s0], $0x80, s19, s0, $0xb8;
	[tilespmem:$0x1F800] =	vst v63  }
0x202: {  	_ =	swait.ge [sflag:s30], $0x2800  }
0x203: {  	[sflag:s30] =	ssyncset.done $0x0  }
0x204: {  	s19 =	simm.s32 $0x1680;
	[sflag:s30] =	ssyncadd.s32 $0xFFFFD800  }
0x205: {  	[spmem:s3] =	stream.indirect.scatter.add.f32 [tilespmem:s29], [sflag:$0x5], $0x80, s19, s0, $0xb8;
	[tilespmem:$0x1F800] =	vst v63  }
0x206: {  	_ =	swait.ge [sflag:s9], $0x2800  }
0x207: {  	[sflag:s9] =	ssyncset.done $0x0  }
0x208: {  	s19 =	simm.s32 $0x800;
	[sflag:s9] =	ssyncadd.s32 $0xFFFFD800  }
0x209: {  	[tilespmem:s29], [sflag:$0x1] =	stream.indirect.gather [hbm4b:s1+s0], $0x80, s19, s0, $0xb8;
	[tilespmem:$0x1F800] =	vst v63  }
0x20a: {  	_ =	swait.ge [sflag:s10], $0x2800  }
0x20b: {  	[sflag:s10] =	ssyncset.done $0x0  }
0x20c: {  	s19 =	simm.s32 $0x1700;
	[sflag:s10] =	ssyncadd.s32 $0xFFFFD800  }
0x20d: {  	[spmem:s3] =	stream.indirect.scatter.add.f32 [tilespmem:s5], [sflag:$0x5], $0x80, s19, s0, $0xb8;
	[tilespmem:$0x1F800] =	vst v63  }
0x20e: {  	_ =	swait.ge [sflag:s9], $0x2800  }
0x20f: {  	[sflag:s9] =	ssyncset.done $0x0  }
0x210: {  	s19 =	simm.s32 $0x880;
	[sflag:s9] =	ssyncadd.s32 $0xFFFFD800  }
0x211: {  	[tilespmem:s5], [sflag:$0x2] =	stream.indirect.gather [hbm4b:s1+s0], $0x80, s19, s0, $0xb8;
	[tilespmem:$0x1F800] =	vst v63  }
0x212: {  	_ =	swait.ge [sflag:s11], $0x2800  }
0x213: {  	[sflag:s11] =	ssyncset.done $0x0  }
0x214: {  	s19 =	simm.s32 $0x1780;
	[sflag:s11] =	ssyncadd.s32 $0xFFFFD800  }
0x215: {  	[spmem:s3] =	stream.indirect.scatter.add.f32 [tilespmem:s8], [sflag:$0x5], $0x80, s19, s0, $0xb8;
	[tilespmem:$0x1F800] =	vst v63  }
0x216: {  	_ =	swait.ge [sflag:s9], $0x2800  }
0x217: {  	[sflag:s9] =	ssyncset.done $0x0  }
0x218: {  	s19 =	simm.s32 $0x900;
	[sflag:s9] =	ssyncadd.s32 $0xFFFFD800  }
0x219: {  	[tilespmem:s8], [sflag:$0x3] =	stream.indirect.gather [hbm4b:s1+s0], $0x80, s19, s0, $0xb8;
	[tilespmem:$0x1F800] =	vst v63  }
0x21a: {  	_ =	swait.ge [sflag:s30], $0x2800  }
0x21b: {  	[sflag:s30] =	ssyncset.done $0x0  }
0x21c: {  	s19 =	simm.s32 $0x1800;
	[sflag:s30] =	ssyncadd.s32 $0xFFFFD800  }
0x21d: {  	[spmem:s3] =	stream.indirect.scatter.add.f32 [tilespmem:s29], [sflag:$0x5], $0x80, s19, s0, $0xb8;
	[tilespmem:$0x1F800] =	vst v63  }
0x21e: {  	_ =	swait.ge [sflag:s9], $0x2800  }
0x21f: {  	[sflag:s9] =	ssyncset.done $0x0  }
0x220: {  	s19 =	simm.s32 $0x980;
	[sflag:s9] =	ssyncadd.s32 $0xFFFFD800  }
0x221: {  	[tilespmem:s29], [sflag:$0x1] =	stream.indirect.gather [hbm4b:s1+s0], $0x80, s19, s0, $0xb8;
	[tilespmem:$0x1F800] =	vst v63  }
0x222: {  	_ =	swait.ge [sflag:s10], $0x2800  }
0x223: {  	[sflag:s10] =	ssyncset.done $0x0  }
0x224: {  	s19 =	simm.s32 $0x1880;
	[sflag:s10] =	ssyncadd.s32 $0xFFFFD800  }
0x225: {  	[spmem:s3] =	stream.indirect.scatter.add.f32 [tilespmem:s5], [sflag:$0x5], $0x80, s19, s0, $0xb8;
	[tilespmem:$0x1F800] =	vst v63  }
0x226: {  	_ =	swait.ge [sflag:s9], $0x2800  }
0x227: {  	[sflag:s9] =	ssyncset.done $0x0  }
0x228: {  	s19 =	simm.s32 $0xA00;
	[sflag:s9] =	ssyncadd.s32 $0xFFFFD800  }
0x229: {  	[tilespmem:s5], [sflag:$0x2] =	stream.indirect.gather [hbm4b:s1+s0], $0x80, s19, s0, $0xb8;
	[tilespmem:$0x1F800] =	vst v63  }
0x22a: {  	_ =	swait.ge [sflag:s11], $0x2800  }
0x22b: {  	[sflag:s11] =	ssyncset.done $0x0  }
0x22c: {  	s19 =	simm.s32 $0x1900;
	[sflag:s11] =	ssyncadd.s32 $0xFFFFD800  }
0x22d: {  	[spmem:s3] =	stream.indirect.scatter.add.f32 [tilespmem:s8], [sflag:$0x5], $0x80, s19, s0, $0xb8;
	[tilespmem:$0x1F800] =	vst v63  }
0x22e: {  	_ =	swait.ge [sflag:s9], $0x2800  }
0x22f: {  	[sflag:s9] =	ssyncset.done $0x0  }
0x230: {  	s19 =	simm.s32 $0xA80;
	[sflag:s9] =	ssyncadd.s32 $0xFFFFD800  }
0x231: {  	[tilespmem:s8], [sflag:$0x3] =	stream.indirect.gather [hbm4b:s1+s0], $0x80, s19, s0, $0xb8;
	[tilespmem:$0x1F800] =	vst v63  }
0x232: {  	_ =	swait.ge [sflag:s30], $0x2800  }
0x233: {  	[sflag:s30] =	ssyncset.done $0x0  }
0x234: {  	s19 =	simm.s32 $0x1980;
	[sflag:s30] =	ssyncadd.s32 $0xFFFFD800  }
0x235: {  	[spmem:s3] =	stream.indirect.scatter.add.f32 [tilespmem:s29], [sflag:$0x5], $0x80, s19, s0, $0xb8;
	[tilespmem:$0x1F800] =	vst v63  }
0x236: {  	_ =	swait.ge [sflag:s9], $0x2800  }
0x237: {  	[sflag:s9] =	ssyncset.done $0x0  }
0x238: {  	s19 =	simm.s32 $0xB00;
	[sflag:s9] =	ssyncadd.s32 $0xFFFFD800  }
0x239: {  	[tilespmem:s29], [sflag:$0x1] =	stream.indirect.gather [hbm4b:s1+s0], $0x80, s19, s0, $0xb8;
	[tilespmem:$0x1F800] =	vst v63  }
0x23a: {  	_ =	swait.ge [sflag:s10], $0x2800  }
0x23b: {  	[sflag:s10] =	ssyncset.done $0x0  }
0x23c: {  	s19 =	simm.s32 $0x1A00;
	[sflag:s10] =	ssyncadd.s32 $0xFFFFD800  }
0x23d: {  	[spmem:s3] =	stream.indirect.scatter.add.f32 [tilespmem:s5], [sflag:$0x5], $0x80, s19, s0, $0xb8;
	[tilespmem:$0x1F800] =	vst v63  }
0x23e: {  	_ =	swait.ge [sflag:s9], $0x2800  }
0x23f: {  	[sflag:s9] =	ssyncset.done $0x0  }
0x240: {  	s19 =	simm.s32 $0xB80;
	[sflag:s9] =	ssyncadd.s32 $0xFFFFD800  }
0x241: {  	[tilespmem:s5], [sflag:$0x2] =	stream.indirect.gather [hbm4b:s1+s0], $0x80, s19, s0, $0xb8;
	[tilespmem:$0x1F800] =	vst v63  }
0x242: {  	_ =	swait.ge [sflag:s11], $0x2800  }
0x243: {  	[sflag:s11] =	ssyncset.done $0x0  }
0x244: {  	s7 =	simm.s32 $0x1A80;
	[sflag:s11] =	ssyncadd.s32 $0xFFFFD800  }
0x245: {  	[spmem:s3] =	stream.indirect.scatter.add.f32 [tilespmem:s8], [sflag:$0x5], $0x80, s7, s0, $0xb8;
	[tilespmem:$0x1F800] =	vst v63  }
0x246: {  	_ =	swait.ge [sflag:s9], $0x2800  }
0x247: {  	[sflag:s9] =	ssyncset.done $0x0  }
0x248: {  	s7 =	simm.s32 $0xC00;
	[sflag:s9] =	ssyncadd.s32 $0xFFFFD800  }
0x249: {  	[tilespmem:s8], [sflag:$0x3] =	stream.indirect.gather [hbm4b:s1+s0], $0x80, s7, s0, $0xb8;
	[tilespmem:$0x1F800] =	vst v63  }
0x24a: {  	_ =	swait.ge [sflag:s31], $0xC80  }
0x24b: {  	[sflag:s31] =	ssyncset.done $0x0  }
0x24c: {  	[sflag:s31] =	ssyncadd.s32 $0xFFFFF380  }
0x24d: {  	_ =	swait.ge [sflag:s31], $0xC80  }
0x24e: {  	[sflag:s31] =	ssyncset.done $0x0  }
0x24f: {  	[sflag:s31] =	ssyncadd.s32 $0xFFFFF380  }
0x250: {  	_ =	swait.ge [sflag:s30], $0x2800  }
0x251: {  	[sflag:s30] =	ssyncset.done $0x0  }
0x252: {  	[sflag:s30] =	ssyncadd.s32 $0xFFFFD800  }
0x253: {  	[spmem:s3] =	stream.indirect.scatter.add.f32 [tilespmem:s29], [sflag:$0x5], $0x80, s14, s0, $0xb8;
	[tilespmem:$0x1F800] =	vst v63  }
0x254: {  	_ =	swait.ge [sflag:s9], $0x2800  }
0x255: {  	[sflag:s9] =	ssyncset.done $0x0  }
0x256: {  	[sflag:s9] =	ssyncadd.s32 $0xFFFFD800  }
0x257: {  	[tilespmem:s29], [sflag:$0x1] =	stream.indirect.gather [hbm4b:s1+s0], $0x80, s28, s0, $0xb8;
	[tilespmem:$0x1F800] =	vst v63  }
0x258: {  	_ =	swait.ge [sflag:s10], $0x2800  }
0x259: {  	[sflag:s10] =	ssyncset.done $0x0  }
0x25a: {  	[sflag:s10] =	ssyncadd.s32 $0xFFFFD800  }
0x25b: {  	[spmem:s3] =	stream.indirect.scatter.add.f32 [tilespmem:s5], [sflag:$0x5], $0x80, s13, s0, $0xb8;
	[tilespmem:$0x1F800] =	vst v63  }
0x25c: {  	_ =	swait.ge [sflag:s9], $0x2800  }
0x25d: {  	[sflag:s9] =	ssyncset.done $0x0  }
0x25e: {  	s19 =	simm.s32 $0x2080;
	[sflag:s9] =	ssyncadd.s32 $0xFFFFD800  }
0x25f: {  	[tilespmem:s5], [sflag:$0x2] =	stream.indirect.gather [hbm4b:s1+s0], $0x80, s19, s0, $0xb8;
	[tilespmem:$0x1F800] =	vst v63  }
0x260: {  	_ =	swait.ge [sflag:s11], $0x2800  }
0x261: {  	[sflag:s11] =	ssyncset.done $0x0  }
0x262: {  	s7 =	simm.s32 $0x1C00;
	[sflag:s11] =	ssyncadd.s32 $0xFFFFD800  }
0x263: {  	[spmem:s3] =	stream.indirect.scatter.add.f32 [tilespmem:s8], [sflag:$0x5], $0x80, s7, s0, $0xb8;
	[tilespmem:$0x1F800] =	vst v63  }
0x264: {  	_ =	swait.ge [sflag:s9], $0x2800  }
0x265: {  	[sflag:s9] =	ssyncset.done $0x0  }
0x266: {  	s19 =	simm.s32 $0x2100;
	[sflag:s9] =	ssyncadd.s32 $0xFFFFD800  }
0x267: {  	[tilespmem:s8], [sflag:$0x3] =	stream.indirect.gather [hbm4b:s1+s0], $0x80, s19, s0, $0xb8;
	[tilespmem:$0x1F800] =	vst v63  }
0x268: {  	s19 =	rddreg [dreg:$0x14]  }
0x269: {  	[tilespmem:s4], [sflag:$0x4] =	stream.linear.gather [hbm4b:s19+s4], $0xC80, $0x38;
	[tilespmem:$0x1F800] =	vst v63  }
0x26a: {  	s19 =	rddreg [dreg:$0x15]  }
0x26b: {  	[tilespmem:s2], [sflag:$0x4] =	stream.linear.gather [hbm4b:s19+s4], $0xC80, $0x38;
	[tilespmem:$0x1F800] =	vst v63  }
0x26c: {  	_ =	swait.ge [sflag:s30], $0x2800  }
0x26d: {  	[sflag:s30] =	ssyncset.done $0x0  }
0x26e: {  	s28 =	simm.s32 $0x3000;
	[sflag:s30] =	ssyncadd.s32 $0xFFFFD800  }
0x26f: {  	[spmem:s3] =	stream.indirect.scatter.add.f32 [tilespmem:s29], [sflag:$0x5], $0x80, s28, s0, $0xb8;
	[tilespmem:$0x1F800] =	vst v63  }
0x270: {  	_ =	swait.ge [sflag:s9], $0x2800  }
0x271: {  	[sflag:s9] =	ssyncset.done $0x0  }
0x272: {  	s19 =	simm.s32 $0x2180;
	[sflag:s9] =	ssyncadd.s32 $0xFFFFD800  }
0x273: {  	[tilespmem:s29], [sflag:$0x1] =	stream.indirect.gather [hbm4b:s1+s0], $0x80, s19, s0, $0xb8;
	[tilespmem:$0x1F800] =	vst v63  }
0x274: {  	_ =	swait.ge [sflag:s10], $0x2800  }
0x275: {  	[sflag:s10] =	ssyncset.done $0x0  }
0x276: {  	s19 =	simm.s32 $0x3080;
	[sflag:s10] =	ssyncadd.s32 $0xFFFFD800  }
0x277: {  	[spmem:s3] =	stream.indirect.scatter.add.f32 [tilespmem:s5], [sflag:$0x5], $0x80, s19, s0, $0xb8;
	[tilespmem:$0x1F800] =	vst v63  }
0x278: {  	_ =	swait.ge [sflag:s9], $0x2800  }
0x279: {  	[sflag:s9] =	ssyncset.done $0x0  }
0x27a: {  	s19 =	simm.s32 $0x2200;
	[sflag:s9] =	ssyncadd.s32 $0xFFFFD800  }
0x27b: {  	[tilespmem:s5], [sflag:$0x2] =	stream.indirect.gather [hbm4b:s1+s0], $0x80, s19, s0, $0xb8;
	[tilespmem:$0x1F800] =	vst v63  }
0x27c: {  	_ =	swait.ge [sflag:s11], $0x2800  }
0x27d: {  	[sflag:s11] =	ssyncset.done $0x0  }
0x27e: {  	[sflag:s11] =	ssyncadd.s32 $0xFFFFD800  }
0x27f: {  	[spmem:s3] =	stream.indirect.scatter.add.f32 [tilespmem:s8], [sflag:$0x5], $0x80, s16, s0, $0xb8;
	[tilespmem:$0x1F800] =	vst v63  }
0x280: {  	_ =	swait.ge [sflag:s9], $0x2800  }
0x281: {  	[sflag:s9] =	ssyncset.done $0x0  }
0x282: {  	s19 =	simm.s32 $0x2280;
	[sflag:s9] =	ssyncadd.s32 $0xFFFFD800  }
0x283: {  	[tilespmem:s8], [sflag:$0x3] =	stream.indirect.gather [hbm4b:s1+s0], $0x80, s19, s0, $0xb8;
	[tilespmem:$0x1F800] =	vst v63  }
0x284: {  	_ =	swait.ge [sflag:s30], $0x2800  }
0x285: {  	[sflag:s30] =	ssyncset.done $0x0  }
0x286: {  	s19 =	simm.s32 $0x3180;
	[sflag:s30] =	ssyncadd.s32 $0xFFFFD800  }
0x287: {  	[spmem:s3] =	stream.indirect.scatter.add.f32 [tilespmem:s29], [sflag:$0x5], $0x80, s19, s0, $0xb8;
	[tilespmem:$0x1F800] =	vst v63  }
0x288: {  	_ =	swait.ge [sflag:s9], $0x2800  }
0x289: {  	[sflag:s9] =	ssyncset.done $0x0  }
0x28a: {  	s19 =	simm.s32 $0x2300;
	[sflag:s9] =	ssyncadd.s32 $0xFFFFD800  }
0x28b: {  	[tilespmem:s29], [sflag:$0x1] =	stream.indirect.gather [hbm4b:s1+s0], $0x80, s19, s0, $0xb8;
	[tilespmem:$0x1F800] =	vst v63  }
0x28c: {  	_ =	swait.ge [sflag:s10], $0x2800  }
0x28d: {  	[sflag:s10] =	ssyncset.done $0x0  }
0x28e: {  	s19 =	simm.s32 $0x3200;
	[sflag:s10] =	ssyncadd.s32 $0xFFFFD800  }
0x28f: {  	[spmem:s3] =	stream.indirect.scatter.add.f32 [tilespmem:s5], [sflag:$0x5], $0x80, s19, s0, $0xb8;
	[tilespmem:$0x1F800] =	vst v63  }
0x290: {  	_ =	swait.ge [sflag:s9], $0x2800  }
0x291: {  	[sflag:s9] =	ssyncset.done $0x0  }
0x292: {  	s19 =	simm.s32 $0x2380;
	[sflag:s9] =	ssyncadd.s32 $0xFFFFD800  }
0x293: {  	[tilespmem:s5], [sflag:$0x2] =	stream.indirect.gather [hbm4b:s1+s0], $0x80, s19, s0, $0xb8;
	[tilespmem:$0x1F800] =	vst v63  }
0x294: {  	_ =	swait.ge [sflag:s11], $0x2800  }
0x295: {  	[sflag:s11] =	ssyncset.done $0x0  }
0x296: {  	s19 =	simm.s32 $0x3280;
	[sflag:s11] =	ssyncadd.s32 $0xFFFFD800  }
0x297: {  	[spmem:s3] =	stream.indirect.scatter.add.f32 [tilespmem:s8], [sflag:$0x5], $0x80, s19, s0, $0xb8;
	[tilespmem:$0x1F800] =	vst v63  }
0x298: {  	_ =	swait.ge [sflag:s9], $0x2800  }
0x299: {  	[sflag:s9] =	ssyncset.done $0x0  }
0x29a: {  	s19 =	simm.s32 $0x2400;
	[sflag:s9] =	ssyncadd.s32 $0xFFFFD800  }
0x29b: {  	[tilespmem:s8], [sflag:$0x3] =	stream.indirect.gather [hbm4b:s1+s0], $0x80, s19, s0, $0xb8;
	[tilespmem:$0x1F800] =	vst v63  }
0x29c: {  	_ =	swait.ge [sflag:s30], $0x2800  }
0x29d: {  	[sflag:s30] =	ssyncset.done $0x0  }
0x29e: {  	s19 =	simm.s32 $0x3300;
	[sflag:s30] =	ssyncadd.s32 $0xFFFFD800  }
0x29f: {  	[spmem:s3] =	stream.indirect.scatter.add.f32 [tilespmem:s29], [sflag:$0x5], $0x80, s19, s0, $0xb8;
	[tilespmem:$0x1F800] =	vst v63  }
0x2a0: {  	_ =	swait.ge [sflag:s9], $0x2800  }
0x2a1: {  	[sflag:s9] =	ssyncset.done $0x0  }
0x2a2: {  	s19 =	simm.s32 $0x2480;
	[sflag:s9] =	ssyncadd.s32 $0xFFFFD800  }
0x2a3: {  	[tilespmem:s29], [sflag:$0x1] =	stream.indirect.gather [hbm4b:s1+s0], $0x80, s19, s0, $0xb8;
	[tilespmem:$0x1F800] =	vst v63  }
0x2a4: {  	_ =	swait.ge [sflag:s10], $0x2800  }
0x2a5: {  	[sflag:s10] =	ssyncset.done $0x0  }
0x2a6: {  	s19 =	simm.s32 $0x3380;
	[sflag:s10] =	ssyncadd.s32 $0xFFFFD800  }
0x2a7: {  	[spmem:s3] =	stream.indirect.scatter.add.f32 [tilespmem:s5], [sflag:$0x5], $0x80, s19, s0, $0xb8;
	[tilespmem:$0x1F800] =	vst v63  }
0x2a8: {  	_ =	swait.ge [sflag:s9], $0x2800  }
0x2a9: {  	[sflag:s9] =	ssyncset.done $0x0  }
0x2aa: {  	s19 =	simm.s32 $0x2500;
	[sflag:s9] =	ssyncadd.s32 $0xFFFFD800  }
0x2ab: {  	[tilespmem:s5], [sflag:$0x2] =	stream.indirect.gather [hbm4b:s1+s0], $0x80, s19, s0, $0xb8;
	[tilespmem:$0x1F800] =	vst v63  }
0x2ac: {  	_ =	swait.ge [sflag:s11], $0x2800  }
0x2ad: {  	[sflag:s11] =	ssyncset.done $0x0  }
0x2ae: {  	s19 =	simm.s32 $0x3400;
	[sflag:s11] =	ssyncadd.s32 $0xFFFFD800  }
0x2af: {  	[spmem:s3] =	stream.indirect.scatter.add.f32 [tilespmem:s8], [sflag:$0x5], $0x80, s19, s0, $0xb8;
	[tilespmem:$0x1F800] =	vst v63  }
0x2b0: {  	_ =	swait.ge [sflag:s9], $0x2800  }
0x2b1: {  	[sflag:s9] =	ssyncset.done $0x0  }
0x2b2: {  	s19 =	simm.s32 $0x2580;
	[sflag:s9] =	ssyncadd.s32 $0xFFFFD800  }
0x2b3: {  	[tilespmem:s8], [sflag:$0x3] =	stream.indirect.gather [hbm4b:s1+s0], $0x80, s19, s0, $0xb8;
	[tilespmem:$0x1F800] =	vst v63  }
0x2b4: {  	_ =	swait.ge [sflag:s30], $0x2800  }
0x2b5: {  	[sflag:s30] =	ssyncset.done $0x0  }
0x2b6: {  	s19 =	simm.s32 $0x3480;
	[sflag:s30] =	ssyncadd.s32 $0xFFFFD800  }
0x2b7: {  	[spmem:s3] =	stream.indirect.scatter.add.f32 [tilespmem:s29], [sflag:$0x5], $0x80, s19, s0, $0xb8;
	[tilespmem:$0x1F800] =	vst v63  }
0x2b8: {  	_ =	swait.ge [sflag:s9], $0x2800  }
0x2b9: {  	[sflag:s9] =	ssyncset.done $0x0  }
0x2ba: {  	s19 =	simm.s32 $0x2600;
	[sflag:s9] =	ssyncadd.s32 $0xFFFFD800  }
0x2bb: {  	[tilespmem:s29], [sflag:$0x1] =	stream.indirect.gather [hbm4b:s1+s0], $0x80, s19, s0, $0xb8;
	[tilespmem:$0x1F800] =	vst v63  }
0x2bc: {  	_ =	swait.ge [sflag:s10], $0x2800  }
0x2bd: {  	[sflag:s10] =	ssyncset.done $0x0  }
0x2be: {  	s19 =	simm.s32 $0x3500;
	[sflag:s10] =	ssyncadd.s32 $0xFFFFD800  }
0x2bf: {  	[spmem:s3] =	stream.indirect.scatter.add.f32 [tilespmem:s5], [sflag:$0x5], $0x80, s19, s0, $0xb8;
	[tilespmem:$0x1F800] =	vst v63  }
0x2c0: {  	_ =	swait.ge [sflag:s9], $0x2800  }
0x2c1: {  	[sflag:s9] =	ssyncset.done $0x0  }
0x2c2: {  	s19 =	simm.s32 $0x2680;
	[sflag:s9] =	ssyncadd.s32 $0xFFFFD800  }
0x2c3: {  	[tilespmem:s5], [sflag:$0x2] =	stream.indirect.gather [hbm4b:s1+s0], $0x80, s19, s0, $0xb8;
	[tilespmem:$0x1F800] =	vst v63  }
0x2c4: {  	_ =	swait.ge [sflag:s11], $0x2800  }
0x2c5: {  	[sflag:s11] =	ssyncset.done $0x0  }
0x2c6: {  	s19 =	simm.s32 $0x3580;
	[sflag:s11] =	ssyncadd.s32 $0xFFFFD800  }
0x2c7: {  	[spmem:s3] =	stream.indirect.scatter.add.f32 [tilespmem:s8], [sflag:$0x5], $0x80, s19, s0, $0xb8;
	[tilespmem:$0x1F800] =	vst v63  }
0x2c8: {  	_ =	swait.ge [sflag:s9], $0x2800  }
0x2c9: {  	[sflag:s9] =	ssyncset.done $0x0  }
0x2ca: {  	s19 =	simm.s32 $0x2700;
	[sflag:s9] =	ssyncadd.s32 $0xFFFFD800  }
0x2cb: {  	[tilespmem:s8], [sflag:$0x3] =	stream.indirect.gather [hbm4b:s1+s0], $0x80, s19, s0, $0xb8;
	[tilespmem:$0x1F800] =	vst v63  }
0x2cc: {  	_ =	swait.ge [sflag:s30], $0x2800  }
0x2cd: {  	[sflag:s30] =	ssyncset.done $0x0  }
0x2ce: {  	s19 =	simm.s32 $0x3600;
	[sflag:s30] =	ssyncadd.s32 $0xFFFFD800  }
0x2cf: {  	[spmem:s3] =	stream.indirect.scatter.add.f32 [tilespmem:s29], [sflag:$0x5], $0x80, s19, s0, $0xb8;
	[tilespmem:$0x1F800] =	vst v63  }
0x2d0: {  	_ =	swait.ge [sflag:s9], $0x2800  }
0x2d1: {  	[sflag:s9] =	ssyncset.done $0x0  }
0x2d2: {  	s19 =	simm.s32 $0x2780;
	[sflag:s9] =	ssyncadd.s32 $0xFFFFD800  }
0x2d3: {  	[tilespmem:s29], [sflag:$0x1] =	stream.indirect.gather [hbm4b:s1+s0], $0x80, s19, s0, $0xb8;
	[tilespmem:$0x1F800] =	vst v63  }
0x2d4: {  	_ =	swait.ge [sflag:s10], $0x2800  }
0x2d5: {  	[sflag:s10] =	ssyncset.done $0x0  }
0x2d6: {  	s19 =	simm.s32 $0x3680;
	[sflag:s10] =	ssyncadd.s32 $0xFFFFD800  }
0x2d7: {  	[spmem:s3] =	stream.indirect.scatter.add.f32 [tilespmem:s5], [sflag:$0x5], $0x80, s19, s0, $0xb8;
	[tilespmem:$0x1F800] =	vst v63  }
0x2d8: {  	_ =	swait.ge [sflag:s9], $0x2800  }
0x2d9: {  	[sflag:s9] =	ssyncset.done $0x0  }
0x2da: {  	s19 =	simm.s32 $0x2800;
	[sflag:s9] =	ssyncadd.s32 $0xFFFFD800  }
0x2db: {  	[tilespmem:s5], [sflag:$0x2] =	stream.indirect.gather [hbm4b:s1+s0], $0x80, s19, s0, $0xb8;
	[tilespmem:$0x1F800] =	vst v63  }
0x2dc: {  	_ =	swait.ge [sflag:s11], $0x2800  }
0x2dd: {  	[sflag:s11] =	ssyncset.done $0x0  }
0x2de: {  	s19 =	simm.s32 $0x3700;
	[sflag:s11] =	ssyncadd.s32 $0xFFFFD800  }
0x2df: {  	[spmem:s3] =	stream.indirect.scatter.add.f32 [tilespmem:s8], [sflag:$0x5], $0x80, s19, s0, $0xb8;
	[tilespmem:$0x1F800] =	vst v63  }
0x2e0: {  	_ =	swait.ge [sflag:s9], $0x2800  }
0x2e1: {  	[sflag:s9] =	ssyncset.done $0x0  }
0x2e2: {  	s19 =	simm.s32 $0x2880;
	[sflag:s9] =	ssyncadd.s32 $0xFFFFD800  }
0x2e3: {  	[tilespmem:s8], [sflag:$0x3] =	stream.indirect.gather [hbm4b:s1+s0], $0x80, s19, s0, $0xb8;
	[tilespmem:$0x1F800] =	vst v63  }
0x2e4: {  	_ =	swait.ge [sflag:s30], $0x2800  }
0x2e5: {  	[sflag:s30] =	ssyncset.done $0x0  }
0x2e6: {  	s19 =	simm.s32 $0x3780;
	[sflag:s30] =	ssyncadd.s32 $0xFFFFD800  }
0x2e7: {  	[spmem:s3] =	stream.indirect.scatter.add.f32 [tilespmem:s29], [sflag:$0x5], $0x80, s19, s0, $0xb8;
	[tilespmem:$0x1F800] =	vst v63  }
0x2e8: {  	_ =	swait.ge [sflag:s9], $0x2800  }
0x2e9: {  	[sflag:s9] =	ssyncset.done $0x0  }
0x2ea: {  	s19 =	simm.s32 $0x2900;
	[sflag:s9] =	ssyncadd.s32 $0xFFFFD800  }
0x2eb: {  	[tilespmem:s29], [sflag:$0x1] =	stream.indirect.gather [hbm4b:s1+s0], $0x80, s19, s0, $0xb8;
	[tilespmem:$0x1F800] =	vst v63  }
0x2ec: {  	_ =	swait.ge [sflag:s10], $0x2800  }
0x2ed: {  	[sflag:s10] =	ssyncset.done $0x0  }
0x2ee: {  	s19 =	simm.s32 $0x3800;
	[sflag:s10] =	ssyncadd.s32 $0xFFFFD800  }
0x2ef: {  	[spmem:s3] =	stream.indirect.scatter.add.f32 [tilespmem:s5], [sflag:$0x5], $0x80, s19, s0, $0xb8;
	[tilespmem:$0x1F800] =	vst v63  }
0x2f0: {  	_ =	swait.ge [sflag:s9], $0x2800  }
0x2f1: {  	[sflag:s9] =	ssyncset.done $0x0  }
0x2f2: {  	s19 =	simm.s32 $0x2980;
	[sflag:s9] =	ssyncadd.s32 $0xFFFFD800  }
0x2f3: {  	[tilespmem:s5], [sflag:$0x2] =	stream.indirect.gather [hbm4b:s1+s0], $0x80, s19, s0, $0xb8;
	[tilespmem:$0x1F800] =	vst v63  }
0x2f4: {  	_ =	swait.ge [sflag:s11], $0x2800  }
0x2f5: {  	[sflag:s11] =	ssyncset.done $0x0  }
0x2f6: {  	s19 =	simm.s32 $0x3880;
	[sflag:s11] =	ssyncadd.s32 $0xFFFFD800  }
0x2f7: {  	[spmem:s3] =	stream.indirect.scatter.add.f32 [tilespmem:s8], [sflag:$0x5], $0x80, s19, s0, $0xb8;
	[tilespmem:$0x1F800] =	vst v63  }
0x2f8: {  	_ =	swait.ge [sflag:s9], $0x2800  }
0x2f9: {  	[sflag:s9] =	ssyncset.done $0x0  }
0x2fa: {  	s19 =	simm.s32 $0x2A00;
	[sflag:s9] =	ssyncadd.s32 $0xFFFFD800  }
0x2fb: {  	[tilespmem:s8], [sflag:$0x3] =	stream.indirect.gather [hbm4b:s1+s0], $0x80, s19, s0, $0xb8;
	[tilespmem:$0x1F800] =	vst v63  }
0x2fc: {  	_ =	swait.ge [sflag:s30], $0x2800  }
0x2fd: {  	[sflag:s30] =	ssyncset.done $0x0  }
0x2fe: {  	s19 =	simm.s32 $0x3900;
	[sflag:s30] =	ssyncadd.s32 $0xFFFFD800  }
0x2ff: {  	[spmem:s3] =	stream.indirect.scatter.add.f32 [tilespmem:s29], [sflag:$0x5], $0x80, s19, s0, $0xb8;
	[tilespmem:$0x1F800] =	vst v63  }
0x300: {  	_ =	swait.ge [sflag:s9], $0x2800  }
0x301: {  	[sflag:s9] =	ssyncset.done $0x0  }
0x302: {  	s19 =	simm.s32 $0x2A80;
	[sflag:s9] =	ssyncadd.s32 $0xFFFFD800  }
0x303: {  	[tilespmem:s29], [sflag:$0x1] =	stream.indirect.gather [hbm4b:s1+s0], $0x80, s19, s0, $0xb8;
	[tilespmem:$0x1F800] =	vst v63  }
0x304: {  	_ =	swait.ge [sflag:s10], $0x2800  }
0x305: {  	[sflag:s10] =	ssyncset.done $0x0  }
0x306: {  	s19 =	simm.s32 $0x3980;
	[sflag:s10] =	ssyncadd.s32 $0xFFFFD800  }
0x307: {  	[spmem:s3] =	stream.indirect.scatter.add.f32 [tilespmem:s5], [sflag:$0x5], $0x80, s19, s0, $0xb8;
	[tilespmem:$0x1F800] =	vst v63  }
0x308: {  	_ =	swait.ge [sflag:s9], $0x2800  }
0x309: {  	[sflag:s9] =	ssyncset.done $0x0  }
0x30a: {  	s19 =	simm.s32 $0x2B00;
	[sflag:s9] =	ssyncadd.s32 $0xFFFFD800  }
0x30b: {  	[tilespmem:s5], [sflag:$0x2] =	stream.indirect.gather [hbm4b:s1+s0], $0x80, s19, s0, $0xb8;
	[tilespmem:$0x1F800] =	vst v63  }
0x30c: {  	_ =	swait.ge [sflag:s11], $0x2800  }
0x30d: {  	[sflag:s11] =	ssyncset.done $0x0  }
0x30e: {  	s19 =	simm.s32 $0x3A00;
	[sflag:s11] =	ssyncadd.s32 $0xFFFFD800  }
0x30f: {  	[spmem:s3] =	stream.indirect.scatter.add.f32 [tilespmem:s8], [sflag:$0x5], $0x80, s19, s0, $0xb8;
	[tilespmem:$0x1F800] =	vst v63  }
0x310: {  	_ =	swait.ge [sflag:s9], $0x2800  }
0x311: {  	[sflag:s9] =	ssyncset.done $0x0  }
0x312: {  	s19 =	simm.s32 $0x2B80;
	[sflag:s9] =	ssyncadd.s32 $0xFFFFD800  }
0x313: {  	[tilespmem:s8], [sflag:$0x3] =	stream.indirect.gather [hbm4b:s1+s0], $0x80, s19, s0, $0xb8;
	[tilespmem:$0x1F800] =	vst v63  }
0x314: {  	_ =	swait.ge [sflag:s30], $0x2800  }
0x315: {  	[sflag:s30] =	ssyncset.done $0x0  }
0x316: {  	s19 =	simm.s32 $0x3A80;
	[sflag:s30] =	ssyncadd.s32 $0xFFFFD800  }
0x317: {  	[spmem:s3] =	stream.indirect.scatter.add.f32 [tilespmem:s29], [sflag:$0x5], $0x80, s19, s0, $0xb8;
	[tilespmem:$0x1F800] =	vst v63  }
0x318: {  	_ =	swait.ge [sflag:s9], $0x2800  }
0x319: {  	[sflag:s9] =	ssyncset.done $0x0  }
0x31a: {  	s19 =	simm.s32 $0x2C00;
	[sflag:s9] =	ssyncadd.s32 $0xFFFFD800  }
0x31b: {  	[tilespmem:s29], [sflag:$0x1] =	stream.indirect.gather [hbm4b:s1+s0], $0x80, s19, s0, $0xb8;
	[tilespmem:$0x1F800] =	vst v63  }
0x31c: {  	_ =	swait.ge [sflag:s31], $0xC80  }
0x31d: {  	[sflag:s31] =	ssyncset.done $0x0  }
0x31e: {  	[sflag:s31] =	ssyncadd.s32 $0xFFFFF380  }
0x31f: {  	_ =	swait.ge [sflag:s31], $0xC80  }
0x320: {  	[sflag:s31] =	ssyncset.done $0x0  }
0x321: {  	[sflag:s31] =	ssyncadd.s32 $0xFFFFF380  }
0x322: {  	_ =	swait.ge [sflag:s10], $0x2800  }
0x323: {  	[sflag:s10] =	ssyncset.done $0x0  }
0x324: {  	s19 =	simm.s32 $0x3B00;
	[sflag:s10] =	ssyncadd.s32 $0xFFFFD800  }
0x325: {  	[spmem:s3] =	stream.indirect.scatter.add.f32 [tilespmem:s5], [sflag:$0x5], $0x80, s19, s0, $0xb8;
	[tilespmem:$0x1F800] =	vst v63  }
0x326: {  	_ =	swait.ge [sflag:s9], $0x2800  }
0x327: {  	[sflag:s9] =	ssyncset.done $0x0  }
0x328: {  	[sflag:s9] =	ssyncadd.s32 $0xFFFFD800  }
0x329: {  	[tilespmem:s5], [sflag:$0x2] =	stream.indirect.gather [hbm4b:s1+s0], $0x80, s4, s0, $0xb8;
	[tilespmem:$0x1F800] =	vst v63  }
0x32a: {  	_ =	swait.ge [sflag:s11], $0x2800  }
0x32b: {  	[sflag:s11] =	ssyncset.done $0x0  }
0x32c: {  	s19 =	simm.s32 $0x3B80;
	[sflag:s11] =	ssyncadd.s32 $0xFFFFD800  }
0x32d: {  	[spmem:s3] =	stream.indirect.scatter.add.f32 [tilespmem:s8], [sflag:$0x5], $0x80, s19, s0, $0xb8;
	[tilespmem:$0x1F800] =	vst v63  }
0x32e: {  	_ =	swait.ge [sflag:s9], $0x2800  }
0x32f: {  	[sflag:s9] =	ssyncset.done $0x0  }
0x330: {  	[sflag:s9] =	ssyncadd.s32 $0xFFFFD800  }
0x331: {  	[tilespmem:s8], [sflag:$0x3] =	stream.indirect.gather [hbm4b:s1+s0], $0x80, s6, s0, $0xb8;
	[tilespmem:$0x1F800] =	vst v63  }
0x332: {  	_ =	swait.ge [sflag:s30], $0x2800  }
0x333: {  	[sflag:s30] =	ssyncset.done $0x0  }
0x334: {  	s19 =	simm.s32 $0x3C00;
	[sflag:s30] =	ssyncadd.s32 $0xFFFFD800  }
0x335: {  	[spmem:s3] =	stream.indirect.scatter.add.f32 [tilespmem:s29], [sflag:$0x5], $0x80, s19, s0, $0xb8;
	[tilespmem:$0x1F800] =	vst v63  }
0x336: {  	_ =	swait.ge [sflag:s9], $0x2800  }
0x337: {  	[sflag:s9] =	ssyncset.done $0x0  }
0x338: {  	[sflag:s9] =	ssyncadd.s32 $0xFFFFD800  }
0x339: {  	[tilespmem:s29], [sflag:$0x1] =	stream.indirect.gather [hbm4b:s1+s0], $0x80, s12, s0, $0xb8;
	[tilespmem:$0x1F800] =	vst v63  }
0x33a: {  	_ =	swait.ge [sflag:s10], $0x2800  }
0x33b: {  	[sflag:s10] =	ssyncset.done $0x0  }
0x33c: {  	s16 =	simm.s32 $0x1000;
	[sflag:s10] =	ssyncadd.s32 $0xFFFFD800  }
0x33d: {  	[spmem:s3] =	stream.indirect.scatter.add.f32 [tilespmem:s5], [sflag:$0x5], $0x80, s16, s0, $0xb8;
	[tilespmem:$0x1F800] =	vst v63  }
0x33e: {  	_ =	swait.ge [sflag:s9], $0x2800  }
0x33f: {  	[sflag:s9] =	ssyncset.done $0x0  }
0x340: {  	s19 =	simm.s32 $0x180;
	[sflag:s9] =	ssyncadd.s32 $0xFFFFD800  }
0x341: {  	[tilespmem:s5], [sflag:$0x2] =	stream.indirect.gather [hbm4b:s1+s0], $0x80, s19, s0, $0xb8;
	[tilespmem:$0x1F800] =	vst v63  }
0x342: {  	_ =	swait.ge [sflag:s11], $0x2800  }
0x343: {  	[sflag:s11] =	ssyncset.done $0x0  }
0x344: {  	s19 =	simm.s32 $0x1080;
	[sflag:s11] =	ssyncadd.s32 $0xFFFFD800  }
0x345: {  	[spmem:s3] =	stream.indirect.scatter.add.f32 [tilespmem:s8], [sflag:$0x5], $0x80, s19, s0, $0xb8;
	[tilespmem:$0x1F800] =	vst v63  }
0x346: {  	_ =	swait.ge [sflag:s9], $0x2800  }
0x347: {  	[sflag:s9] =	ssyncset.done $0x0  }
0x348: {  	s19 =	simm.s32 $0x200;
	[sflag:s9] =	ssyncadd.s32 $0xFFFFD800  }
0x349: {  	[tilespmem:s8], [sflag:$0x3] =	stream.indirect.gather [hbm4b:s1+s0], $0x80, s19, s0, $0xb8;
	[tilespmem:$0x1F800] =	vst v63  }
0x34a: {  	_ =	swait.ge [sflag:s30], $0x2800  }
0x34b: {  	[sflag:s30] =	ssyncset.done $0x0  }
0x34c: {  	[sflag:s30] =	ssyncadd.s32 $0xFFFFD800  }
0x34d: {  	[spmem:s3] =	stream.indirect.scatter.add.f32 [tilespmem:s29], [sflag:$0x5], $0x80, s15, s0, $0xb8;
	[tilespmem:$0x1F800] =	vst v63  }
0x34e: {  	_ =	swait.ge [sflag:s9], $0x2800  }
0x34f: {  	[sflag:s9] =	ssyncset.done $0x0  }
0x350: {  	[sflag:s9] =	ssyncadd.s32 $0xFFFFD800  }
0x351: {  	[tilespmem:s29], [sflag:$0x1] =	stream.indirect.gather [hbm4b:s1+s0], $0x80, s17, s0, $0xb8;
	[tilespmem:$0x1F800] =	vst v63  }
0x352: {  	_ =	swait.ge [sflag:s10], $0x2800  }
0x353: {  	[sflag:s10] =	ssyncset.done $0x0  }
0x354: {  	[sflag:s10] =	ssyncadd.s32 $0xFFFFD800  }
0x355: {  	[spmem:s3] =	stream.indirect.scatter.add.f32 [tilespmem:s5], [sflag:$0x5], $0x80, s20, s0, $0xb8;
	[tilespmem:$0x1F800] =	vst v63  }
0x356: {  	_ =	swait.ge [sflag:s9], $0x2800  }
0x357: {  	[sflag:s9] =	ssyncset.done $0x0  }
0x358: {  	[sflag:s9] =	ssyncadd.s32 $0xFFFFD800  }
0x359: {  	[tilespmem:s5], [sflag:$0x2] =	stream.indirect.gather [hbm4b:s1+s0], $0x80, s21, s0, $0xb8;
	[tilespmem:$0x1F800] =	vst v63  }
0x35a: {  	_ =	swait.ge [sflag:s11], $0x2800  }
0x35b: {  	[sflag:s11] =	ssyncset.done $0x0  }
0x35c: {  	[sflag:s11] =	ssyncadd.s32 $0xFFFFD800  }
0x35d: {  	[spmem:s3] =	stream.indirect.scatter.add.f32 [tilespmem:s8], [sflag:$0x5], $0x80, s22, s0, $0xb8;
	[tilespmem:$0x1F800] =	vst v63  }
0x35e: {  	_ =	swait.ge [sflag:s9], $0x2800  }
0x35f: {  	[sflag:s9] =	ssyncset.done $0x0  }
0x360: {  	[sflag:s9] =	ssyncadd.s32 $0xFFFFD800  }
0x361: {  	[tilespmem:s8], [sflag:$0x3] =	stream.indirect.gather [hbm4b:s1+s0], $0x80, s23, s0, $0xb8;
	[tilespmem:$0x1F800] =	vst v63  }
0x362: {  	_ =	swait.ge [sflag:s30], $0x2800  }
0x363: {  	[sflag:s30] =	ssyncset.done $0x0  }
0x364: {  	[sflag:s30] =	ssyncadd.s32 $0xFFFFD800  }
0x365: {  	[spmem:s3] =	stream.indirect.scatter.add.f32 [tilespmem:s29], [sflag:$0x5], $0x80, s24, s0, $0xb8;
	[tilespmem:$0x1F800] =	vst v63  }
0x366: {  	_ =	swait.ge [sflag:s9], $0x2800  }
0x367: {  	[sflag:s9] =	ssyncset.done $0x0  }
0x368: {  	[sflag:s9] =	ssyncadd.s32 $0xFFFFD800  }
0x369: {  	[tilespmem:s29], [sflag:$0x1] =	stream.indirect.gather [hbm4b:s1+s0], $0x80, s25, s0, $0xb8;
	[tilespmem:$0x1F800] =	vst v63  }
0x36a: {  	_ =	swait.ge [sflag:s10], $0x2800  }
0x36b: {  	[sflag:s10] =	ssyncset.done $0x0  }
0x36c: {  	[sflag:s10] =	ssyncadd.s32 $0xFFFFD800  }
0x36d: {  	[spmem:s3] =	stream.indirect.scatter.add.f32 [tilespmem:s5], [sflag:$0x5], $0x80, s26, s0, $0xb8;
	[tilespmem:$0x1F800] =	vst v63  }
0x36e: {  	_ =	swait.ge [sflag:s9], $0x2800  }
0x36f: {  	[sflag:s9] =	ssyncset.done $0x0  }
0x370: {  	s19 =	simm.s32 $0x480;
	[sflag:s9] =	ssyncadd.s32 $0xFFFFD800  }
0x371: {  	[tilespmem:s5], [sflag:$0x2] =	stream.indirect.gather [hbm4b:s1+s0], $0x80, s19, s0, $0xb8;
	[tilespmem:$0x1F800] =	vst v63  }
0x372: {  	_ =	swait.ge [sflag:s11], $0x2800  }
0x373: {  	[sflag:s11] =	ssyncset.done $0x0  }
0x374: {  	s20 =	simm.s32 $0x1380;
	[sflag:s11] =	ssyncadd.s32 $0xFFFFD800  }
0x375: {  	[spmem:s3] =	stream.indirect.scatter.add.f32 [tilespmem:s8], [sflag:$0x5], $0x80, s20, s0, $0xb8;
	[tilespmem:$0x1F800] =	vst v63  }
0x376: {  	_ =	swait.ge [sflag:s9], $0x2800  }
0x377: {  	[sflag:s9] =	ssyncset.done $0x0  }
0x378: {  	s21 =	simm.s32 $0x500;
	[sflag:s9] =	ssyncadd.s32 $0xFFFFD800  }
0x379: {  	[tilespmem:s8], [sflag:$0x3] =	stream.indirect.gather [hbm4b:s1+s0], $0x80, s21, s0, $0xb8;
	[tilespmem:$0x1F800] =	vst v63  }
0x37a: {  	_ =	swait.ge [sflag:s30], $0x2800  }
0x37b: {  	[sflag:s30] =	ssyncset.done $0x0  }
0x37c: {  	s19 =	simm.s32 $0x1400;
	[sflag:s30] =	ssyncadd.s32 $0xFFFFD800  }
0x37d: {  	[spmem:s3] =	stream.indirect.scatter.add.f32 [tilespmem:s29], [sflag:$0x5], $0x80, s19, s0, $0xb8;
	[tilespmem:$0x1F800] =	vst v63  }
0x37e: {  	_ =	swait.ge [sflag:s9], $0x2800  }
0x37f: {  	[sflag:s9] =	ssyncset.done $0x0  }
0x380: {  	s20 =	simm.s32 $0x580;
	[sflag:s9] =	ssyncadd.s32 $0xFFFFD800  }
0x381: {  	[tilespmem:s29], [sflag:$0x1] =	stream.indirect.gather [hbm4b:s1+s0], $0x80, s20, s0, $0xb8;
	[tilespmem:$0x1F800] =	vst v63  }
0x382: {  	_ =	swait.ge [sflag:s10], $0x2800  }
0x383: {  	[sflag:s10] =	ssyncset.done $0x0  }
0x384: {  	s21 =	simm.s32 $0x1480;
	[sflag:s10] =	ssyncadd.s32 $0xFFFFD800  }
0x385: {  	[spmem:s3] =	stream.indirect.scatter.add.f32 [tilespmem:s5], [sflag:$0x5], $0x80, s21, s0, $0xb8;
	[tilespmem:$0x1F800] =	vst v63  }
0x386: {  	_ =	swait.ge [sflag:s9], $0x2800  }
0x387: {  	[sflag:s9] =	ssyncset.done $0x0  }
0x388: {  	s19 =	simm.s32 $0x600;
	[sflag:s9] =	ssyncadd.s32 $0xFFFFD800  }
0x389: {  	[tilespmem:s5], [sflag:$0x2] =	stream.indirect.gather [hbm4b:s1+s0], $0x80, s19, s0, $0xb8;
	[tilespmem:$0x1F800] =	vst v63  }
0x38a: {  	_ =	swait.ge [sflag:s11], $0x2800  }
0x38b: {  	[sflag:s11] =	ssyncset.done $0x0  }
0x38c: {  	s20 =	simm.s32 $0x1500;
	[sflag:s11] =	ssyncadd.s32 $0xFFFFD800  }
0x38d: {  	[spmem:s3] =	stream.indirect.scatter.add.f32 [tilespmem:s8], [sflag:$0x5], $0x80, s20, s0, $0xb8;
	[tilespmem:$0x1F800] =	vst v63  }
0x38e: {  	_ =	swait.ge [sflag:s9], $0x2800  }
0x38f: {  	[sflag:s9] =	ssyncset.done $0x0  }
0x390: {  	s21 =	simm.s32 $0x680;
	[sflag:s9] =	ssyncadd.s32 $0xFFFFD800  }
0x391: {  	[tilespmem:s8], [sflag:$0x3] =	stream.indirect.gather [hbm4b:s1+s0], $0x80, s21, s0, $0xb8;
	[tilespmem:$0x1F800] =	vst v63  }
0x392: {  	_ =	swait.ge [sflag:s30], $0x2800  }
0x393: {  	[sflag:s30] =	ssyncset.done $0x0  }
0x394: {  	s19 =	simm.s32 $0x1580;
	[sflag:s30] =	ssyncadd.s32 $0xFFFFD800  }
0x395: {  	[spmem:s3] =	stream.indirect.scatter.add.f32 [tilespmem:s29], [sflag:$0x5], $0x80, s19, s0, $0xb8;
	[tilespmem:$0x1F800] =	vst v63  }
0x396: {  	_ =	swait.ge [sflag:s9], $0x2800  }
0x397: {  	[sflag:s9] =	ssyncset.done $0x0  }
0x398: {  	s20 =	simm.s32 $0x700;
	[sflag:s9] =	ssyncadd.s32 $0xFFFFD800  }
0x399: {  	[tilespmem:s29], [sflag:$0x1] =	stream.indirect.gather [hbm4b:s1+s0], $0x80, s20, s0, $0xb8;
	[tilespmem:$0x1F800] =	vst v63  }
0x39a: {  	_ =	swait.ge [sflag:s10], $0x2800  }
0x39b: {  	[sflag:s10] =	ssyncset.done $0x0  }
0x39c: {  	s21 =	simm.s32 $0x1600;
	[sflag:s10] =	ssyncadd.s32 $0xFFFFD800  }
0x39d: {  	[spmem:s3] =	stream.indirect.scatter.add.f32 [tilespmem:s5], [sflag:$0x5], $0x80, s21, s0, $0xb8;
	[tilespmem:$0x1F800] =	vst v63  }
0x39e: {  	_ =	swait.ge [sflag:s9], $0x2800  }
0x39f: {  	[sflag:s9] =	ssyncset.done $0x0  }
0x3a0: {  	s19 =	simm.s32 $0x780;
	[sflag:s9] =	ssyncadd.s32 $0xFFFFD800  }
0x3a1: {  	[tilespmem:s5], [sflag:$0x2] =	stream.indirect.gather [hbm4b:s1+s0], $0x80, s19, s0, $0xb8;
	[tilespmem:$0x1F800] =	vst v63  }
0x3a2: {  	_ =	swait.ge [sflag:s11], $0x2800  }
0x3a3: {  	[sflag:s11] =	ssyncset.done $0x0  }
0x3a4: {  	s20 =	simm.s32 $0x1680;
	[sflag:s11] =	ssyncadd.s32 $0xFFFFD800  }
0x3a5: {  	[spmem:s3] =	stream.indirect.scatter.add.f32 [tilespmem:s8], [sflag:$0x5], $0x80, s20, s0, $0xb8;
	[tilespmem:$0x1F800] =	vst v63  }
0x3a6: {  	_ =	swait.ge [sflag:s9], $0x2800  }
0x3a7: {  	[sflag:s9] =	ssyncset.done $0x0  }
0x3a8: {  	s21 =	simm.s32 $0x800;
	[sflag:s9] =	ssyncadd.s32 $0xFFFFD800  }
0x3a9: {  	[tilespmem:s8], [sflag:$0x3] =	stream.indirect.gather [hbm4b:s1+s0], $0x80, s21, s0, $0xb8;
	[tilespmem:$0x1F800] =	vst v63  }
0x3aa: {  	_ =	swait.ge [sflag:s30], $0x2800  }
0x3ab: {  	[sflag:s30] =	ssyncset.done $0x0  }
0x3ac: {  	s19 =	simm.s32 $0x1700;
	[sflag:s30] =	ssyncadd.s32 $0xFFFFD800  }
0x3ad: {  	[spmem:s3] =	stream.indirect.scatter.add.f32 [tilespmem:s29], [sflag:$0x5], $0x80, s19, s0, $0xb8;
	[tilespmem:$0x1F800] =	vst v63  }
0x3ae: {  	_ =	swait.ge [sflag:s9], $0x2800  }
0x3af: {  	[sflag:s9] =	ssyncset.done $0x0  }
0x3b0: {  	s20 =	simm.s32 $0x880;
	[sflag:s9] =	ssyncadd.s32 $0xFFFFD800  }
0x3b1: {  	[tilespmem:s29], [sflag:$0x1] =	stream.indirect.gather [hbm4b:s1+s0], $0x80, s20, s0, $0xb8;
	[tilespmem:$0x1F800] =	vst v63  }
0x3b2: {  	_ =	swait.ge [sflag:s10], $0x2800  }
0x3b3: {  	[sflag:s10] =	ssyncset.done $0x0  }
0x3b4: {  	s21 =	simm.s32 $0x1780;
	[sflag:s10] =	ssyncadd.s32 $0xFFFFD800  }
0x3b5: {  	[spmem:s3] =	stream.indirect.scatter.add.f32 [tilespmem:s5], [sflag:$0x5], $0x80, s21, s0, $0xb8;
	[tilespmem:$0x1F800] =	vst v63  }
0x3b6: {  	_ =	swait.ge [sflag:s9], $0x2800  }
0x3b7: {  	[sflag:s9] =	ssyncset.done $0x0  }
0x3b8: {  	s19 =	simm.s32 $0x900;
	[sflag:s9] =	ssyncadd.s32 $0xFFFFD800  }
0x3b9: {  	[tilespmem:s5], [sflag:$0x2] =	stream.indirect.gather [hbm4b:s1+s0], $0x80, s19, s0, $0xb8;
	[tilespmem:$0x1F800] =	vst v63  }
0x3ba: {  	_ =	swait.ge [sflag:s11], $0x2800  }
0x3bb: {  	[sflag:s11] =	ssyncset.done $0x0  }
0x3bc: {  	s20 =	simm.s32 $0x1800;
	[sflag:s11] =	ssyncadd.s32 $0xFFFFD800  }
0x3bd: {  	[spmem:s3] =	stream.indirect.scatter.add.f32 [tilespmem:s8], [sflag:$0x5], $0x80, s20, s0, $0xb8;
	[tilespmem:$0x1F800] =	vst v63  }
0x3be: {  	_ =	swait.ge [sflag:s9], $0x2800  }
0x3bf: {  	[sflag:s9] =	ssyncset.done $0x0  }
0x3c0: {  	s21 =	simm.s32 $0x980;
	[sflag:s9] =	ssyncadd.s32 $0xFFFFD800  }
0x3c1: {  	[tilespmem:s8], [sflag:$0x3] =	stream.indirect.gather [hbm4b:s1+s0], $0x80, s21, s0, $0xb8;
	[tilespmem:$0x1F800] =	vst v63  }
0x3c2: {  	_ =	swait.ge [sflag:s30], $0x2800  }
0x3c3: {  	[sflag:s30] =	ssyncset.done $0x0  }
0x3c4: {  	s19 =	simm.s32 $0x1880;
	[sflag:s30] =	ssyncadd.s32 $0xFFFFD800  }
0x3c5: {  	[spmem:s3] =	stream.indirect.scatter.add.f32 [tilespmem:s29], [sflag:$0x5], $0x80, s19, s0, $0xb8;
	[tilespmem:$0x1F800] =	vst v63  }
0x3c6: {  	_ =	swait.ge [sflag:s9], $0x2800  }
0x3c7: {  	[sflag:s9] =	ssyncset.done $0x0  }
0x3c8: {  	s20 =	simm.s32 $0xA00;
	[sflag:s9] =	ssyncadd.s32 $0xFFFFD800  }
0x3c9: {  	[tilespmem:s29], [sflag:$0x1] =	stream.indirect.gather [hbm4b:s1+s0], $0x80, s20, s0, $0xb8;
	[tilespmem:$0x1F800] =	vst v63  }
0x3ca: {  	_ =	swait.ge [sflag:s10], $0x2800  }
0x3cb: {  	[sflag:s10] =	ssyncset.done $0x0  }
0x3cc: {  	s21 =	simm.s32 $0x1900;
	[sflag:s10] =	ssyncadd.s32 $0xFFFFD800  }
0x3cd: {  	[spmem:s3] =	stream.indirect.scatter.add.f32 [tilespmem:s5], [sflag:$0x5], $0x80, s21, s0, $0xb8;
	[tilespmem:$0x1F800] =	vst v63  }
0x3ce: {  	_ =	swait.ge [sflag:s9], $0x2800  }
0x3cf: {  	[sflag:s9] =	ssyncset.done $0x0  }
0x3d0: {  	s19 =	simm.s32 $0xA80;
	[sflag:s9] =	ssyncadd.s32 $0xFFFFD800  }
0x3d1: {  	[tilespmem:s5], [sflag:$0x2] =	stream.indirect.gather [hbm4b:s1+s0], $0x80, s19, s0, $0xb8;
	[tilespmem:$0x1F800] =	vst v63  }
0x3d2: {  	_ =	swait.ge [sflag:s11], $0x2800  }
0x3d3: {  	[sflag:s11] =	ssyncset.done $0x0  }
0x3d4: {  	s20 =	simm.s32 $0x1980;
	[sflag:s11] =	ssyncadd.s32 $0xFFFFD800  }
0x3d5: {  	[spmem:s3] =	stream.indirect.scatter.add.f32 [tilespmem:s8], [sflag:$0x5], $0x80, s20, s0, $0xb8;
	[tilespmem:$0x1F800] =	vst v63  }
0x3d6: {  	_ =	swait.ge [sflag:s9], $0x2800  }
0x3d7: {  	[sflag:s9] =	ssyncset.done $0x0  }
0x3d8: {  	s21 =	simm.s32 $0xB00;
	[sflag:s9] =	ssyncadd.s32 $0xFFFFD800  }
0x3d9: {  	[tilespmem:s8], [sflag:$0x3] =	stream.indirect.gather [hbm4b:s1+s0], $0x80, s21, s0, $0xb8;
	[tilespmem:$0x1F800] =	vst v63  }
0x3da: {  	_ =	swait.ge [sflag:s30], $0x2800  }
0x3db: {  	[sflag:s30] =	ssyncset.done $0x0  }
0x3dc: {  	s19 =	simm.s32 $0x1A00;
	[sflag:s30] =	ssyncadd.s32 $0xFFFFD800  }
0x3dd: {  	[spmem:s3] =	stream.indirect.scatter.add.f32 [tilespmem:s29], [sflag:$0x5], $0x80, s19, s0, $0xb8;
	[tilespmem:$0x1F800] =	vst v63  }
0x3de: {  	_ =	swait.ge [sflag:s9], $0x2800  }
0x3df: {  	[sflag:s9] =	ssyncset.done $0x0  }
0x3e0: {  	s20 =	simm.s32 $0xB80;
	[sflag:s9] =	ssyncadd.s32 $0xFFFFD800  }
0x3e1: {  	[tilespmem:s29], [sflag:$0x1] =	stream.indirect.gather [hbm4b:s1+s0], $0x80, s20, s0, $0xb8;
	[tilespmem:$0x1F800] =	vst v63  }
0x3e2: {  	_ =	swait.ge [sflag:s10], $0x2800  }
0x3e3: {  	[sflag:s10] =	ssyncset.done $0x0  }
0x3e4: {  	s21 =	simm.s32 $0x1A80;
	[sflag:s10] =	ssyncadd.s32 $0xFFFFD800  }
0x3e5: {  	[spmem:s3] =	stream.indirect.scatter.add.f32 [tilespmem:s5], [sflag:$0x5], $0x80, s21, s0, $0xb8;
	[tilespmem:$0x1F800] =	vst v63  }
0x3e6: {  	_ =	swait.ge [sflag:s9], $0x2800  }
0x3e7: {  	[sflag:s9] =	ssyncset.done $0x0  }
0x3e8: {  	s19 =	simm.s32 $0xC00;
	[sflag:s9] =	ssyncadd.s32 $0xFFFFD800  }
0x3e9: {  	[tilespmem:s5], [sflag:$0x2] =	stream.indirect.gather [hbm4b:s1+s0], $0x80, s19, s0, $0xb8;
	[tilespmem:$0x1F800] =	vst v63  }
0x3ea: {  	_ =	swait.ge [sflag:s11], $0x2800  }
0x3eb: {  	[sflag:s11] =	ssyncset.done $0x0  }
0x3ec: {  	[sflag:s11] =	ssyncadd.s32 $0xFFFFD800  }
0x3ed: {  	[spmem:s3] =	stream.indirect.scatter.add.f32 [tilespmem:s8], [sflag:$0x5], $0x80, s14, s0, $0xb8;
	[tilespmem:$0x1F800] =	vst v63  }
0x3ee: {  	_ =	swait.ge [sflag:s9], $0x2800  }
0x3ef: {  	[sflag:s9] =	ssyncset.done $0x0  }
0x3f0: {  	[sflag:s9] =	ssyncadd.s32 $0xFFFFD800  }
0x3f1: {  	_ =	swait.ge [sflag:s30], $0x2800  }
0x3f2: {  	[sflag:s30] =	ssyncset.done $0x0  }
0x3f3: {  	[sflag:s30] =	ssyncadd.s32 $0xFFFFD800  }
0x3f4: {  	[spmem:s3] =	stream.indirect.scatter.add.f32 [tilespmem:s29], [sflag:$0x5], $0x80, s13, s0, $0xb8;
	[tilespmem:$0x1F800] =	vst v63  }
0x3f5: {  	_ =	swait.ge [sflag:s9], $0x2800  }
0x3f6: {  	[sflag:s9] =	ssyncset.done $0x0  }
0x3f7: {  	[sflag:s9] =	ssyncadd.s32 $0xFFFFD800  }
0x3f8: {  	_ =	swait.ge [sflag:s10], $0x2800  }
0x3f9: {  	[sflag:s10] =	ssyncset.done $0x0  }
0x3fa: {  	[sflag:s10] =	ssyncadd.s32 $0xFFFFD800  }
0x3fb: {  	[spmem:s3] =	stream.indirect.scatter.add.f32 [tilespmem:s5], [sflag:$0x5], $0x80, s7, s0, $0xb8;
	[tilespmem:$0x1F800] =	vst v63  }
0x3fc: {  	_ =	swait.ge [sflag:s9], $0x2800  }
0x3fd: {  	[sflag:s9] =	ssyncset.done $0x0  }
0x3fe: {  	[sflag:s9] =	ssyncadd.s32 $0xFFFFD800  }
0x3ff: {  	[bflag:$0x0] =	sbarrier.arrive $0xFFFF  }
0x400: {  	s20 =	stileid.u32;
	[bflag:$0x0] =	sbarrier.arrive $0xFFFF  }
0x401: {  	s19 =	sshll.u32 s20, $0x6;
	s7 =	rddreg [dreg:$0x18]  }
0x402: {  	s19 =	sor.u32 $0x1C05, s19;
	s15 =	rddreg [dreg:$0x16];
	s21 =	sshrl.u32 s7, $0x3  }
0x403: {  	[hbm:s15], [sflag:s19] =	dma.local [spmem:s21], $0x2800  }
0x404: {  	_ =	swait.ge [sflag:s9], $0x2800  }
0x405: {  	s18 =	sadd.s32 $0x1, s18;
	s21 =	rddreg [dreg:$0x17]  }
0x406: {  	p0 =	sne.s32 s18, s21  }
.Ltmp2:
0x407: {  	_ = 	snop;
	(pc) =	sbr.rel @p0 .LBB2_1-.Ltmp2, $3  }
0x408: {  	_ =	sdelay $0x1  }
0x409: {  	s2 =	simm.s32 $0x80;
	[sflag:s9] =	ssyncset.done $0x0  }
0x40a: {  	s6 =	simm.s32 $0x100;
	s12 =	simm.s32 $0x2000;
	[sflag:s9] =	ssyncadd.s32 $0xFFFFD800  }
0x40b: {  	_ =	sfence.sel $0x180000  }
0x40c: {  	[bflag:$0x0] =	sbarrier.arrive $0xFFFF  }
0x40d: {  	_ =	strace $0x90000047  }
0x40e: {  	s0 =	stileid.u32;
	[bflag:$0x2] =	sbarrier.arrive $0xFFFF  }
0x40f: {  	p0 =	sne.s32 s0, $0x0;
	s0 =	rddreg [dreg:$0x4]  }
0x410: {  	s0 =	sadd.s32 @!p0 $0x100000, s0  }
0x411: {  	[sflag:s0] =	ssyncadd.tile.s32 @!p0 $0x1;
	_ =	shalt  }
.Lfunc_end2:
_tile_overlayer_lowered:
.L_overlay_start_2:
0x412: {  	(tag) =	ssettag $0x2  }
0x413: {  	s0 =	rddreg [dreg:$0x0];
	s2 =	stileid.u32  }
0x414: {  	s1 =	rddreg [dreg:$0x1];
	p0 =	sne.s32 s2, $0x0  }
0x415: {  	s3 =	rddreg [dreg:$0x2];
	[bflag:$0x3] =	sbarrier.arrive $0xFFFF;
	s2 =	simm.s32 @!p0 $0x1C05  }
0x416: {  	[timem:s3], [sflag:s2] =	dma.local @!p0 [hbm:s0], s1  }
0x417: {  	s0 =	simm.s32 @!p0 $0x5  }
0x418: {  	_ =	swait.ge @!p0 [sflag:s0], s1  }
0x419: {  	s1 =	ssub.s32 @!p0 $0x0, s1;
	[sflag:s0] =	ssyncset.done @!p0 $0x0  }
0x41a: {  	[sflag:s0] =	ssyncadd.s32 @!p0 s1  }
0x41b: {  	[bflag:$0x3] =	sbarrier.arrive $0xFFFF  }
0x41c: {  	_ =	shalt  }

</sc_bundles>
